<compile_context>
chip_gen: v7x
topology: tpu7x:2x2x1
jax: 0.10.2.dev20260603
libtpu: 0.0.44.dev20260713+nightly
codegen_flags: <defaults>
</compile_context>

<pallas_src>
import dataclasses
import functools

import jax
import jax.numpy as jnp
from jax import lax
from jax.experimental import pallas as pl
from jax.experimental.pallas import tpu as pltpu
from jax.experimental.pallas import tpu_sc as plsc

N = 10000
E = 320000
D = 128

NC = 2
NS = 16
NW = NC * NS
EPW = E // NW
CH = 128
NCH = 80
EPWP = NCH * CH
PAD = EPWP - EPW
RPT = 632
NP = RPT * NS
RB = 2000
B = 2
QB = 2 * B
GRPC = QB
NGRP = NCH // GRPC - 1


def _sc_agg_body(x_hbm, ip_hbm, z_hbm, sum_hbm, idx_v, rows_v, acc_sh,
                 *sems):
    gs = sems[:B]
    isems = sems[B:2 * B]
    ss = sems[2 * B:]
    c = lax.axis_index("c")
    s = lax.axis_index("s")
    wid = c * NS + s
    r0 = pl.multiple_of(s * RPT, 8)

    pltpu.sync_copy(z_hbm.at[pl.ds(r0, RPT)], acc_sh.at[pl.ds(r0, RPT)])
    plsc.subcore_barrier()

    for b in range(B):
        pltpu.sync_copy(ip_hbm.at[wid, b], idx_v.at[b])
        pltpu.async_copy(x_hbm.at[idx_v.at[b, 0]], rows_v.at[b], gs[b])

    def step(k, u, issue_next):
        b = u % B
        q = u % QB
        qn = (u + B) % QB
        pltpu.make_async_copy(
            x_hbm.at[idx_v.at[q, 0]], rows_v.at[b], gs[b]).wait()
        if issue_next:
            pltpu.async_copy(ip_hbm.at[wid, k + B], idx_v.at[qn], isems[b])
        pltpu.async_copy(rows_v.at[b], acc_sh.at[idx_v.at[q, 1]], ss[b],
                         add=True)
        if issue_next:
            pltpu.make_async_copy(
                ip_hbm.at[wid, k + B], idx_v.at[qn], isems[b]).wait()
            pltpu.make_async_copy(
                rows_v.at[b], acc_sh.at[idx_v.at[q, 1]], ss[b]).wait()
            pltpu.async_copy(x_hbm.at[idx_v.at[qn, 0]], rows_v.at[b], gs[b])
        else:
            pltpu.make_async_copy(
                rows_v.at[b], acc_sh.at[idx_v.at[q, 1]], ss[b]).wait()

    @pl.loop(0, NGRP)
    def _(g):
        for u in range(GRPC):
            step(g * GRPC + u, u, True)

    base = NGRP * GRPC
    for u in range(B):
        step(base + u, u, True)
    for u in range(B, QB):
        step(base + u, u, False)

    plsc.subcore_barrier()
    pltpu.sync_copy(acc_sh.at[pl.ds(r0, RPT)], sum_hbm.at[c, pl.ds(r0, RPT)])


def _sc_cnt_body(dstc_hbm, z1_hbm, cnt_hbm, dsti_v, hist_v):
    c = lax.axis_index("c")
    s = lax.axis_index("s")
    wid = c * NS + s

    pltpu.sync_copy(dstc_hbm.at[wid], dsti_v)
    pltpu.sync_copy(z1_hbm, hist_v)
    ones16 = jnp.ones((16,), jnp.float32)

    @pl.loop(0, EPWP, step=16)
    def _(i):
        dv = dsti_v[pl.ds(i, 16)]
        plsc.addupdate_scatter(hist_v, [dv], ones16)

    pltpu.sync_copy(hist_v, cnt_hbm.at[wid])


_SC_MESH = plsc.VectorSubcoreMesh(core_axis_name="c", subcore_axis_name="s")

_sc_agg = pl.kernel(
    _sc_agg_body,
    out_type=jax.ShapeDtypeStruct((NC, NP, D), jnp.float32),
    mesh=_SC_MESH,
    scratch_types=[
        pltpu.VMEM((QB, 2, CH), jnp.int32),
        pltpu.VMEM((B, CH, D), jnp.float32),
        pltpu.VMEM_SHARED((NP, D), jnp.float32),
    ] + [pltpu.SemaphoreType.DMA] * (3 * B),
)

_SC_CNT_PARAMS = pltpu.CompilerParams()
if "needs_layout_passes" in pltpu.CompilerParams.__dataclass_fields__:
    _SC_CNT_PARAMS = dataclasses.replace(
        _SC_CNT_PARAMS, needs_layout_passes=False)

_sc_cnt = pl.kernel(
    _sc_cnt_body,
    out_type=jax.ShapeDtypeStruct((NW, NP), jnp.float32),
    mesh=_SC_MESH,
    scratch_types=[
        pltpu.VMEM((EPWP,), jnp.int32),
        pltpu.VMEM((NP,), jnp.float32),
    ],
    compiler_params=_SC_CNT_PARAMS,
)


def _tc_body(final, sa, sb, ch, x, wl, wr, b, o):
    cnt = jnp.maximum(jnp.sum(ch[:, :], axis=1), 1.0)[:, None]
    aggr = (sa[0] + sb[0]) / cnt
    h = (jnp.dot(aggr, wl[:, :], preferred_element_type=jnp.float32)
         + jnp.dot(x[:, :], wr[:, :], preferred_element_type=jnp.float32)
         + b[:, :])
    if final:
        m = jnp.max(h, axis=1, keepdims=True)
        lse = jnp.log(jnp.sum(jnp.exp(h - m), axis=1, keepdims=True)) + m
        o[:, :] = h - lse
    else:
        o[:, :] = jnp.maximum(h, 0.0)


def _make_tc(final):
    parta = pl.BlockSpec((1, RB, D), lambda i: (0, i, 0))
    partb = pl.BlockSpec((1, RB, D), lambda i: (1, i, 0))
    cnts = pl.BlockSpec((RB, NW), lambda i: (i, 0))
    row = pl.BlockSpec((RB, D), lambda i: (i, 0))
    full = pl.BlockSpec((D, D), lambda i: (0, 0))
    bias = pl.BlockSpec((1, D), lambda i: (0, 0))
    return pl.pallas_call(
        functools.partial(_tc_body, final),
        grid=(N // RB,),
        in_specs=[parta, partb, cnts, row, full, full, bias],
        out_specs=row,
        out_shape=jax.ShapeDtypeStruct((N, D), jnp.float32),
    )


_tc_relu = _make_tc(False)
_tc_logsm = _make_tc(True)


def _pad_edges(src, dst):
    wid = jnp.arange(NW, dtype=jnp.int32)[:, None]
    pad_i = jnp.arange(PAD, dtype=jnp.int32)[None, :]
    pad_src = jnp.broadcast_to((pad_i * 89) % N, (NW, PAD))
    pad_dst = N + (wid * 37 + pad_i) % (NP - N)
    srcp = jnp.concatenate([src.reshape(NW, EPW), pad_src], axis=1)
    dstp = jnp.concatenate([dst.reshape(NW, EPW), pad_dst], axis=1)
    ip = jnp.stack([srcp.reshape(NW, NCH, CH),
                    dstp.reshape(NW, NCH, CH)], axis=2)
    return ip, dstp


def kernel(x, edge_index, W1_l, b1, W1_r, W2_l, b2, W2_r):
    src = edge_index[0].astype(jnp.int32)
    dst = edge_index[1].astype(jnp.int32)
    ip, dstc = _pad_edges(src, dst)
    zeros = jnp.zeros((NP, D), jnp.float32)

    cnt = _sc_cnt(dstc, jnp.zeros((NP,), jnp.float32)).T
    sum1 = _sc_agg(x, ip, zeros)
    h = _tc_relu(sum1, sum1, cnt, x, W1_l.T, W1_r.T, b1[None, :])
    sum2 = _sc_agg(h, ip, zeros)
    return _tc_logsm(sum2, sum2, cnt, h, W2_l.T, W2_r.T, b2[None, :])

# --- scband reference (transcript-rebuilt; emitter-appended) ---
"""Pipeline reference for scband-sage-90400471646209 (READ-ONLY COPY).

The authoritative reference and input builder live on the scoring server;
editing this copy changes nothing except your own understanding.
"""

import jax, jax.numpy as jnp
import numpy as np

N_NODES = 10000
N_EDGES = 320000
D = 128


def setup_inputs(seed: int = 0) -> dict:
    key = jax.random.key(seed)
    ks = jax.random.split(key, 10)
    x = jax.random.normal(ks[0], (N_NODES, D), dtype=jnp.float32)
    edge_index = jax.random.randint(ks[1], (2, N_EDGES), 0, N_NODES, dtype=jnp.int64)
    s = 0.05
    W1_l = jax.random.normal(ks[2], (D, D), dtype=jnp.float32) * s
    b1 = jax.random.normal(ks[3], (D,), dtype=jnp.float32) * s
    W1_r = jax.random.normal(ks[4], (D, D), dtype=jnp.float32) * s
    W2_l = jax.random.normal(ks[5], (D, D), dtype=jnp.float32) * s
    b2 = jax.random.normal(ks[6], (D,), dtype=jnp.float32) * s
    W2_r = jax.random.normal(ks[7], (D, D), dtype=jnp.float32) * s
    return {"x": x, "edge_index": edge_index, "W1_l": W1_l, "b1": b1, "W1_r": W1_r,
            "W2_l": W2_l, "b2": b2, "W2_r": W2_r}


def _sage_conv(x, src, dst, W_l, b, W_r, n_nodes):
    # PyG SAGEConv (aggr='mean', normalize=False, root_weight=True):
    # out = lin_l(mean_aggr(x_j over incoming edges)) + lin_r(x)
    msgs = x[src]  # gather source node features  [E, d]
    summed = jax.ops.segment_sum(msgs, dst, num_segments=n_nodes)
    cnt = jax.ops.segment_sum(jnp.ones((src.shape[0],), x.dtype), dst, num_segments=n_nodes)
    aggr = summed / jnp.clip(cnt, 1.0, None)[:, None]
    return aggr @ W_l.T + b + x @ W_r.T


def reference(x, edge_index, W1_l, b1, W1_r, W2_l, b2, W2_r):
    src = edge_index[0]
    dst = edge_index[1]
    n = x.shape[0]
    # dropout(p=0.2) is identity in eval mode
    h = _sage_conv(x, src, dst, W1_l, b1, W1_r, n)
    h = jax.nn.relu(h)
    h = _sage_conv(h, src, dst, W2_l, b2, W2_r, n)
    return jax.nn.log_softmax(h, axis=1)

if __name__ == "__main__":
    import jax
    _d = setup_inputs()
    print(jax.jit(kernel)(*tuple(_d.values())))

</pallas_src>

<mosaic_0001>
#map = affine_map<(d0, d1) -> (0, 0)>
#map1 = affine_map<(d0, d1) -> (0, 0, 0, 0)>
#map2 = affine_map<(d0, d1) -> (0, 0, 0)>
module attributes {stable_mosaic.version = 14 : i64} {
  func.func @_sc_agg_body(%arg0: i32, %arg1: i32, %arg2: memref<10000x128xf32, #tpu.memory_space<hbm>>, %arg3: memref<32x80x2x128xi32, #tpu.memory_space<hbm>>, %arg4: memref<10112x128xf32, #tpu.memory_space<hbm>>, %arg5: memref<2x10112x128xf32, #tpu.memory_space<hbm>>, %arg6: memref<4x2x128xi32, #tpu.memory_space<vmem>>, %arg7: memref<2x128x128xf32, #tpu.memory_space<vmem>>, %arg8: memref<10112x128xf32, #tpu.memory_space<vmem_shared>>, %arg9: memref<!tpu.dma_semaphore, #tpu.memory_space<semaphore_mem>>, %arg10: memref<!tpu.dma_semaphore, #tpu.memory_space<semaphore_mem>>, %arg11: memref<!tpu.dma_semaphore, #tpu.memory_space<semaphore_mem>>, %arg12: memref<!tpu.dma_semaphore, #tpu.memory_space<semaphore_mem>>, %arg13: memref<!tpu.dma_semaphore, #tpu.memory_space<semaphore_mem>>, %arg14: memref<!tpu.dma_semaphore, #tpu.memory_space<semaphore_mem>>) attributes {dimension_semantics = [#tpu.dimension_semantics<core_parallel>, #tpu.dimension_semantics<subcore_parallel>], iteration_bounds = array<i64: 2, 16>, scalar_prefetch = 0 : i64, scratch_operands = 9 : i64, tpu.core_type = #tpu.core_type<sc_vector_subcore>, window_params = [{transform_indices = #map}, {transform_indices = #map1}, {transform_indices = #map}, {transform_indices = #map2}]} {
    %mul3A = arith.constant 16 : i32
    %mul3A_0 = arith.muli %arg0, %mul3A : i32
    %add3A = arith.addi %mul3A_0, %arg1 : i32
    %mul3A_1 = arith.constant 632 : i32
    %mul3A_2 = arith.muli %arg1, %mul3A_1 : i32
    %multiple_of3A = tpu.assume_multiple %mul3A_2, 8 : i32
    "tpu.region"() ({
      %run_scoped3A_289 = tpu.sem_alloc : memref<!tpu.dma_semaphore, #tpu.memory_space<semaphore_mem>>
      %dma_start3A_290 = arith.constant 0 : i32
      %dma_start3A_291 = tpu.memref_slice %arg8[%multiple_of3A, %dma_start3A_290] : memref<10112x128xf32, #tpu.memory_space<vmem_shared>> -> memref<632x128xf32, #tpu.memory_space<vmem_shared>>
      %dma_start3A_292 = arith.constant 0 : i32
      %dma_start3A_293 = tpu.memref_slice %arg4[%multiple_of3A, %dma_start3A_292] : memref<10112x128xf32, #tpu.memory_space<hbm>> -> memref<632x128xf32, #tpu.memory_space<hbm>>
      tpu.enqueue_dma source(%dma_start3A_293 : memref<632x128xf32, #tpu.memory_space<hbm>>) target(%dma_start3A_291 : memref<632x128xf32, #tpu.memory_space<vmem_shared>>) target_semaphore(%run_scoped3A_289 : memref<!tpu.dma_semaphore, #tpu.memory_space<semaphore_mem>>)
      %dma_wait3A_294 = arith.constant 0 : i32
      %dma_wait3A_295 = tpu.memref_slice %arg8[%multiple_of3A, %dma_wait3A_294] : memref<10112x128xf32, #tpu.memory_space<vmem_shared>> -> memref<632x128xf32, #tpu.memory_space<vmem_shared>>
      %dma_wait3A_296 = arith.constant 0 : i32
      %dma_wait3A_297 = tpu.memref_slice %arg4[%multiple_of3A, %dma_wait3A_296] : memref<10112x128xf32, #tpu.memory_space<hbm>> -> memref<632x128xf32, #tpu.memory_space<hbm>>
      tpu.wait_dma2 semaphore(%run_scoped3A_289 : memref<!tpu.dma_semaphore, #tpu.memory_space<semaphore_mem>>) src(%dma_wait3A_297 : memref<632x128xf32, #tpu.memory_space<hbm>>) dst(%dma_wait3A_295 : memref<632x128xf32, #tpu.memory_space<vmem_shared>>)
      tpu.yield
    }) : () -> ()
    %barrier3A = arith.constant 0 : index
    tpu.barrier barrier_id(%barrier3A)
    %run_scoped3A = arith.constant 0 : i32
    %run_scoped3A_3 = arith.constant 0 : i32
    "tpu.region"() ({
      %run_scoped3A_289 = tpu.sem_alloc : memref<!tpu.dma_semaphore, #tpu.memory_space<semaphore_mem>>
      %dma_start3A_290 = arith.constant 0 : i32
      %dma_start3A_291 = arith.constant 0 : i32
      %dma_start3A_292 = tpu.memref_slice %arg6[%run_scoped3A_3, %dma_start3A_290, %dma_start3A_291] : memref<4x2x128xi32, #tpu.memory_space<vmem>> -> memref<1x2x128xi32, #tpu.memory_space<vmem>>
      %dma_start3A_293 = tpu.memref_squeeze %dma_start3A_292 : memref<1x2x128xi32, #tpu.memory_space<vmem>> -> memref<2x128xi32, #tpu.memory_space<vmem>>
      %dma_start3A_294 = arith.constant 0 : i32
      %dma_start3A_295 = arith.constant 0 : i32
      %dma_start3A_296 = tpu.memref_slice %arg3[%add3A, %run_scoped3A, %dma_start3A_294, %dma_start3A_295] : memref<32x80x2x128xi32, #tpu.memory_space<hbm>> -> memref<1x1x2x128xi32, #tpu.memory_space<hbm>>
      %dma_start3A_297 = tpu.memref_squeeze %dma_start3A_296 : memref<1x1x2x128xi32, #tpu.memory_space<hbm>> -> memref<2x128xi32, #tpu.memory_space<hbm>>
      %dma_start3A_298 = arith.constant 0 : i32
      %dma_start3A_299 = arith.constant 0 : i32
      %dma_start3A_300 = tpu.memref_slice %arg6[%run_scoped3A_3, %dma_start3A_298, %dma_start3A_299] : memref<4x2x128xi32, #tpu.memory_space<vmem>> -> memref<1x2x128xi32, #tpu.memory_space<vmem>>
      %dma_start3A_301 = tpu.memref_squeeze %dma_start3A_300 : memref<1x2x128xi32, #tpu.memory_space<vmem>> -> memref<2x128xi32, #tpu.memory_space<vmem>>
      %dma_start3A_302 = arith.constant 0 : i32
      %dma_start3A_303 = arith.constant 0 : i32
      %dma_start3A_304 = tpu.memref_slice %arg3[%add3A, %run_scoped3A, %dma_start3A_302, %dma_start3A_303] : memref<32x80x2x128xi32, #tpu.memory_space<hbm>> -> memref<1x1x2x128xi32, #tpu.memory_space<hbm>>
      %dma_start3A_305 = tpu.memref_squeeze %dma_start3A_304 : memref<1x1x2x128xi32, #tpu.memory_space<hbm>> -> memref<2x128xi32, #tpu.memory_space<hbm>>
      tpu.enqueue_dma source(%dma_start3A_305 : memref<2x128xi32, #tpu.memory_space<hbm>>) target(%dma_start3A_301 : memref<2x128xi32, #tpu.memory_space<vmem>>) target_semaphore(%run_scoped3A_289 : memref<!tpu.dma_semaphore, #tpu.memory_space<semaphore_mem>>)
      %dma_wait3A_306 = arith.constant 0 : i32
      %dma_wait3A_307 = arith.constant 0 : i32
      %dma_wait3A_308 = tpu.memref_slice %arg6[%run_scoped3A_3, %dma_wait3A_306, %dma_wait3A_307] : memref<4x2x128xi32, #tpu.memory_space<vmem>> -> memref<1x2x128xi32, #tpu.memory_space<vmem>>
      %dma_wait3A_309 = tpu.memref_squeeze %dma_wait3A_308 : memref<1x2x128xi32, #tpu.memory_space<vmem>> -> memref<2x128xi32, #tpu.memory_space<vmem>>
      %dma_wait3A_310 = arith.constant 0 : i32
      %dma_wait3A_311 = arith.constant 0 : i32
      %dma_wait3A_312 = tpu.memref_slice %arg3[%add3A, %run_scoped3A, %dma_wait3A_310, %dma_wait3A_311] : memref<32x80x2x128xi32, #tpu.memory_space<hbm>> -> memref<1x1x2x128xi32, #tpu.memory_space<hbm>>
      %dma_wait3A_313 = tpu.memref_squeeze %dma_wait3A_312 : memref<1x1x2x128xi32, #tpu.memory_space<hbm>> -> memref<2x128xi32, #tpu.memory_space<hbm>>
      %dma_wait3A_314 = arith.constant 0 : i32
      %dma_wait3A_315 = arith.constant 0 : i32
      %dma_wait3A_316 = tpu.memref_slice %arg6[%run_scoped3A_3, %dma_wait3A_314, %dma_wait3A_315] : memref<4x2x128xi32, #tpu.memory_space<vmem>> -> memref<1x2x128xi32, #tpu.memory_space<vmem>>
      %dma_wait3A_317 = tpu.memref_squeeze %dma_wait3A_316 : memref<1x2x128xi32, #tpu.memory_space<vmem>> -> memref<2x128xi32, #tpu.memory_space<vmem>>
      %dma_wait3A_318 = arith.constant 0 : i32
      %dma_wait3A_319 = arith.constant 0 : i32
      %dma_wait3A_320 = tpu.memref_slice %arg3[%add3A, %run_scoped3A, %dma_wait3A_318, %dma_wait3A_319] : memref<32x80x2x128xi32, #tpu.memory_space<hbm>> -> memref<1x1x2x128xi32, #tpu.memory_space<hbm>>
      %dma_wait3A_321 = tpu.memref_squeeze %dma_wait3A_320 : memref<1x1x2x128xi32, #tpu.memory_space<hbm>> -> memref<2x128xi32, #tpu.memory_space<hbm>>
      tpu.wait_dma2 semaphore(%run_scoped3A_289 : memref<!tpu.dma_semaphore, #tpu.memory_space<semaphore_mem>>) src(%dma_wait3A_321 : memref<2x128xi32, #tpu.memory_space<hbm>>) dst(%dma_wait3A_317 : memref<2x128xi32, #tpu.memory_space<vmem>>)
      tpu.yield
    }) : () -> ()
    %dma_start3A = arith.constant 0 : i32
    %dma_start3A_4 = arith.constant 0 : i32
    %dma_start3A_5 = arith.constant 0 : i32
    %dma_start3A_6 = arith.constant 0 : i32
    %dma_start3A_7 = arith.constant 0 : i32
    %dma_start3A_8 = tpu.memref_slice %arg7[%dma_start3A_5, %dma_start3A_6, %dma_start3A_7] : memref<2x128x128xf32, #tpu.memory_space<vmem>> -> memref<1x128x128xf32, #tpu.memory_space<vmem>>
    %dma_start3A_9 = tpu.memref_squeeze %dma_start3A_8 : memref<1x128x128xf32, #tpu.memory_space<vmem>> -> memref<128x128xf32, #tpu.memory_space<vmem>>
    %dma_start3A_10 = arith.constant 0 : i32
    %dma_start3A_11 = tpu.memref_slice %arg6[%dma_start3A, %dma_start3A_4, %dma_start3A_10] : memref<4x2x128xi32, #tpu.memory_space<vmem>> -> memref<1x1x128xi32, #tpu.memory_space<vmem>>
    %dma_start3A_12 = tpu.memref_squeeze %dma_start3A_11 : memref<1x1x128xi32, #tpu.memory_space<vmem>> -> memref<128xi32, #tpu.memory_space<vmem>>
    %dma_start3A_13 = arith.constant 0 : i32
    %dma_start3A_14 = arith.constant 0 : i32
    %dma_start3A_15 = tpu.memref_slice %arg2[%dma_start3A_13, %dma_start3A_14] : memref<10000x128xf32, #tpu.memory_space<hbm>> -> memref<10000x128xf32, #tpu.memory_space<hbm>>
    tpu.enqueue_indirect_dma source(%dma_start3A_15 : memref<10000x128xf32, #tpu.memory_space<hbm>>) target(%dma_start3A_9 : memref<128x128xf32, #tpu.memory_space<vmem>>) offsets(%dma_start3A_12 : memref<128xi32, #tpu.memory_space<vmem>>) semaphore(%arg9 : memref<!tpu.dma_semaphore, #tpu.memory_space<semaphore_mem>>)
    %run_scoped3A_16 = arith.constant 1 : i32
    %run_scoped3A_17 = arith.constant 1 : i32
    "tpu.region"() ({
      %run_scoped3A_289 = tpu.sem_alloc : memref<!tpu.dma_semaphore, #tpu.memory_space<semaphore_mem>>
      %dma_start3A_290 = arith.constant 0 : i32
      %dma_start3A_291 = arith.constant 0 : i32
      %dma_start3A_292 = tpu.memref_slice %arg6[%run_scoped3A_17, %dma_start3A_290, %dma_start3A_291] : memref<4x2x128xi32, #tpu.memory_space<vmem>> -> memref<1x2x128xi32, #tpu.memory_space<vmem>>
      %dma_start3A_293 = tpu.memref_squeeze %dma_start3A_292 : memref<1x2x128xi32, #tpu.memory_space<vmem>> -> memref<2x128xi32, #tpu.memory_space<vmem>>
      %dma_start3A_294 = arith.constant 0 : i32
      %dma_start3A_295 = arith.constant 0 : i32
      %dma_start3A_296 = tpu.memref_slice %arg3[%add3A, %run_scoped3A_16, %dma_start3A_294, %dma_start3A_295] : memref<32x80x2x128xi32, #tpu.memory_space<hbm>> -> memref<1x1x2x128xi32, #tpu.memory_space<hbm>>
      %dma_start3A_297 = tpu.memref_squeeze %dma_start3A_296 : memref<1x1x2x128xi32, #tpu.memory_space<hbm>> -> memref<2x128xi32, #tpu.memory_space<hbm>>
      %dma_start3A_298 = arith.constant 0 : i32
      %dma_start3A_299 = arith.constant 0 : i32
      %dma_start3A_300 = tpu.memref_slice %arg6[%run_scoped3A_17, %dma_start3A_298, %dma_start3A_299] : memref<4x2x128xi32, #tpu.memory_space<vmem>> -> memref<1x2x128xi32, #tpu.memory_space<vmem>>
      %dma_start3A_301 = tpu.memref_squeeze %dma_start3A_300 : memref<1x2x128xi32, #tpu.memory_space<vmem>> -> memref<2x128xi32, #tpu.memory_space<vmem>>
      %dma_start3A_302 = arith.constant 0 : i32
      %dma_start3A_303 = arith.constant 0 : i32
      %dma_start3A_304 = tpu.memref_slice %arg3[%add3A, %run_scoped3A_16, %dma_start3A_302, %dma_start3A_303] : memref<32x80x2x128xi32, #tpu.memory_space<hbm>> -> memref<1x1x2x128xi32, #tpu.memory_space<hbm>>
      %dma_start3A_305 = tpu.memref_squeeze %dma_start3A_304 : memref<1x1x2x128xi32, #tpu.memory_space<hbm>> -> memref<2x128xi32, #tpu.memory_space<hbm>>
      tpu.enqueue_dma source(%dma_start3A_305 : memref<2x128xi32, #tpu.memory_space<hbm>>) target(%dma_start3A_301 : memref<2x128xi32, #tpu.memory_space<vmem>>) target_semaphore(%run_scoped3A_289 : memref<!tpu.dma_semaphore, #tpu.memory_space<semaphore_mem>>)
      %dma_wait3A_306 = arith.constant 0 : i32
      %dma_wait3A_307 = arith.constant 0 : i32
      %dma_wait3A_308 = tpu.memref_slice %arg6[%run_scoped3A_17, %dma_wait3A_306, %dma_wait3A_307] : memref<4x2x128xi32, #tpu.memory_space<vmem>> -> memref<1x2x128xi32, #tpu.memory_space<vmem>>
      %dma_wait3A_309 = tpu.memref_squeeze %dma_wait3A_308 : memref<1x2x128xi32, #tpu.memory_space<vmem>> -> memref<2x128xi32, #tpu.memory_space<vmem>>
      %dma_wait3A_310 = arith.constant 0 : i32
      %dma_wait3A_311 = arith.constant 0 : i32
      %dma_wait3A_312 = tpu.memref_slice %arg3[%add3A, %run_scoped3A_16, %dma_wait3A_310, %dma_wait3A_311] : memref<32x80x2x128xi32, #tpu.memory_space<hbm>> -> memref<1x1x2x128xi32, #tpu.memory_space<hbm>>
      %dma_wait3A_313 = tpu.memref_squeeze %dma_wait3A_312 : memref<1x1x2x128xi32, #tpu.memory_space<hbm>> -> memref<2x128xi32, #tpu.memory_space<hbm>>
      %dma_wait3A_314 = arith.constant 0 : i32
      %dma_wait3A_315 = arith.constant 0 : i32
      %dma_wait3A_316 = tpu.memref_slice %arg6[%run_scoped3A_17, %dma_wait3A_314, %dma_wait3A_315] : memref<4x2x128xi32, #tpu.memory_space<vmem>> -> memref<1x2x128xi32, #tpu.memory_space<vmem>>
      %dma_wait3A_317 = tpu.memref_squeeze %dma_wait3A_316 : memref<1x2x128xi32, #tpu.memory_space<vmem>> -> memref<2x128xi32, #tpu.memory_space<vmem>>
      %dma_wait3A_318 = arith.constant 0 : i32
      %dma_wait3A_319 = arith.constant 0 : i32
      %dma_wait3A_320 = tpu.memref_slice %arg3[%add3A, %run_scoped3A_16, %dma_wait3A_318, %dma_wait3A_319] : memref<32x80x2x128xi32, #tpu.memory_space<hbm>> -> memref<1x1x2x128xi32, #tpu.memory_space<hbm>>
      %dma_wait3A_321 = tpu.memref_squeeze %dma_wait3A_320 : memref<1x1x2x128xi32, #tpu.memory_space<hbm>> -> memref<2x128xi32, #tpu.memory_space<hbm>>
      tpu.wait_dma2 semaphore(%run_scoped3A_289 : memref<!tpu.dma_semaphore, #tpu.memory_space<semaphore_mem>>) src(%dma_wait3A_321 : memref<2x128xi32, #tpu.memory_space<hbm>>) dst(%dma_wait3A_317 : memref<2x128xi32, #tpu.memory_space<vmem>>)
      tpu.yield
    }) : () -> ()
    %dma_start3A_18 = arith.constant 1 : i32
    %dma_start3A_19 = arith.constant 0 : i32
    %dma_start3A_20 = arith.constant 1 : i32
    %dma_start3A_21 = arith.constant 0 : i32
    %dma_start3A_22 = arith.constant 0 : i32
    %dma_start3A_23 = tpu.memref_slice %arg7[%dma_start3A_20, %dma_start3A_21, %dma_start3A_22] : memref<2x128x128xf32, #tpu.memory_space<vmem>> -> memref<1x128x128xf32, #tpu.memory_space<vmem>>
    %dma_start3A_24 = tpu.memref_squeeze %dma_start3A_23 : memref<1x128x128xf32, #tpu.memory_space<vmem>> -> memref<128x128xf32, #tpu.memory_space<vmem>>
    %dma_start3A_25 = arith.constant 0 : i32
    %dma_start3A_26 = tpu.memref_slice %arg6[%dma_start3A_18, %dma_start3A_19, %dma_start3A_25] : memref<4x2x128xi32, #tpu.memory_space<vmem>> -> memref<1x1x128xi32, #tpu.memory_space<vmem>>
    %dma_start3A_27 = tpu.memref_squeeze %dma_start3A_26 : memref<1x1x128xi32, #tpu.memory_space<vmem>> -> memref<128xi32, #tpu.memory_space<vmem>>
    %dma_start3A_28 = arith.constant 0 : i32
    %dma_start3A_29 = arith.constant 0 : i32
    %dma_start3A_30 = tpu.memref_slice %arg2[%dma_start3A_28, %dma_start3A_29] : memref<10000x128xf32, #tpu.memory_space<hbm>> -> memref<10000x128xf32, #tpu.memory_space<hbm>>
    tpu.enqueue_indirect_dma source(%dma_start3A_30 : memref<10000x128xf32, #tpu.memory_space<hbm>>) target(%dma_start3A_24 : memref<128x128xf32, #tpu.memory_space<vmem>>) offsets(%dma_start3A_27 : memref<128xi32, #tpu.memory_space<vmem>>) semaphore(%arg10 : memref<!tpu.dma_semaphore, #tpu.memory_space<semaphore_mem>>)
    %scan3A = arith.constant 0 : i32
    %scan3A_31 = arith.constant 19 : i32
    %scan3A_32 = arith.addi %scan3A, %scan3A_31 : i32
    %scan3A_33 = arith.constant 1 : i32
    scf.for %scan3A_289 = %scan3A to %scan3A_32 step %scan3A_33  : i32 {
      %mul3A_290 = arith.constant 1 : i32
      %mul3A_291 = arith.muli %scan3A_289, %mul3A_290 : i32
      %add3A_292 = arith.constant 0 : i32
      %add3A_293 = arith.addi %add3A_292, %mul3A_291 : i32
      %mul3A_294 = arith.constant 4 : i32
      %mul3A_295 = arith.muli %add3A_293, %mul3A_294 : i32
      %add3A_296 = arith.constant 0 : i32
      %add3A_297 = arith.addi %mul3A_295, %add3A_296 : i32
      %dma_wait3A_298 = arith.constant 0 : i32
      %dma_wait3A_299 = arith.constant 0 : i32
      %dma_wait3A_300 = arith.constant 0 : i32
      %dma_wait3A_301 = arith.constant 0 : i32
      %dma_wait3A_302 = arith.constant 0 : i32
      %dma_wait3A_303 = tpu.memref_slice %arg7[%dma_wait3A_300, %dma_wait3A_301, %dma_wait3A_302] : memref<2x128x128xf32, #tpu.memory_space<vmem>> -> memref<1x128x128xf32, #tpu.memory_space<vmem>>
      %dma_wait3A_304 = tpu.memref_squeeze %dma_wait3A_303 : memref<1x128x128xf32, #tpu.memory_space<vmem>> -> memref<128x128xf32, #tpu.memory_space<vmem>>
      %dma_wait3A_305 = arith.constant 0 : i32
      %dma_wait3A_306 = tpu.memref_slice %arg6[%dma_wait3A_298, %dma_wait3A_299, %dma_wait3A_305] : memref<4x2x128xi32, #tpu.memory_space<vmem>> -> memref<1x1x128xi32, #tpu.memory_space<vmem>>
      %dma_wait3A_307 = tpu.memref_squeeze %dma_wait3A_306 : memref<1x1x128xi32, #tpu.memory_space<vmem>> -> memref<128xi32, #tpu.memory_space<vmem>>
      %dma_wait3A_308 = arith.constant 0 : i32
      %dma_wait3A_309 = arith.constant 0 : i32
      %dma_wait3A_310 = tpu.memref_slice %arg2[%dma_wait3A_308, %dma_wait3A_309] : memref<10000x128xf32, #tpu.memory_space<hbm>> -> memref<10000x128xf32, #tpu.memory_space<hbm>>
      tpu.wait_indirect_dma semaphore(%arg9 : memref<!tpu.dma_semaphore, #tpu.memory_space<semaphore_mem>>) src(%dma_wait3A_310 : memref<10000x128xf32, #tpu.memory_space<hbm>>) dst(%dma_wait3A_304 : memref<128x128xf32, #tpu.memory_space<vmem>>)
      %add3A_311 = arith.constant 2 : i32
      %add3A_312 = arith.addi %add3A_297, %add3A_311 : i32
      %dma_start3A_313 = arith.constant 2 : i32
      %dma_start3A_314 = arith.constant 0 : i32
      %dma_start3A_315 = arith.constant 0 : i32
      %dma_start3A_316 = tpu.memref_slice %arg6[%dma_start3A_313, %dma_start3A_314, %dma_start3A_315] : memref<4x2x128xi32, #tpu.memory_space<vmem>> -> memref<1x2x128xi32, #tpu.memory_space<vmem>>
      %dma_start3A_317 = tpu.memref_squeeze %dma_start3A_316 : memref<1x2x128xi32, #tpu.memory_space<vmem>> -> memref<2x128xi32, #tpu.memory_space<vmem>>
      %dma_start3A_318 = arith.constant 0 : i32
      %dma_start3A_319 = arith.constant 0 : i32
      %dma_start3A_320 = tpu.memref_slice %arg3[%add3A, %add3A_312, %dma_start3A_318, %dma_start3A_319] : memref<32x80x2x128xi32, #tpu.memory_space<hbm>> -> memref<1x1x2x128xi32, #tpu.memory_space<hbm>>
      %dma_start3A_321 = tpu.memref_squeeze %dma_start3A_320 : memref<1x1x2x128xi32, #tpu.memory_space<hbm>> -> memref<2x128xi32, #tpu.memory_space<hbm>>
      %dma_start3A_322 = arith.constant 0 : i32
      %dma_start3A_323 = arith.constant 0 : i32
      %dma_start3A_324 = tpu.memref_slice %arg6[%dma_start3A_313, %dma_start3A_322, %dma_start3A_323] : memref<4x2x128xi32, #tpu.memory_space<vmem>> -> memref<1x2x128xi32, #tpu.memory_space<vmem>>
      %dma_start3A_325 = tpu.memref_squeeze %dma_start3A_324 : memref<1x2x128xi32, #tpu.memory_space<vmem>> -> memref<2x128xi32, #tpu.memory_space<vmem>>
      %dma_start3A_326 = arith.constant 0 : i32
      %dma_start3A_327 = arith.constant 0 : i32
      %dma_start3A_328 = tpu.memref_slice %arg3[%add3A, %add3A_312, %dma_start3A_326, %dma_start3A_327] : memref<32x80x2x128xi32, #tpu.memory_space<hbm>> -> memref<1x1x2x128xi32, #tpu.memory_space<hbm>>
      %dma_start3A_329 = tpu.memref_squeeze %dma_start3A_328 : memref<1x1x2x128xi32, #tpu.memory_space<hbm>> -> memref<2x128xi32, #tpu.memory_space<hbm>>
      tpu.enqueue_dma source(%dma_start3A_329 : memref<2x128xi32, #tpu.memory_space<hbm>>) target(%dma_start3A_325 : memref<2x128xi32, #tpu.memory_space<vmem>>) target_semaphore(%arg11 : memref<!tpu.dma_semaphore, #tpu.memory_space<semaphore_mem>>)
      %dma_start3A_330 = arith.constant 0 : i32
      %dma_start3A_331 = arith.constant 0 : i32
      %dma_start3A_332 = arith.constant 1 : i32
      %dma_start3A_333 = arith.constant 0 : i32
      %dma_start3A_334 = arith.constant 0 : i32
      %dma_start3A_335 = tpu.memref_slice %arg7[%dma_start3A_330, %dma_start3A_333, %dma_start3A_334] : memref<2x128x128xf32, #tpu.memory_space<vmem>> -> memref<1x128x128xf32, #tpu.memory_space<vmem>>
      %dma_start3A_336 = tpu.memref_squeeze %dma_start3A_335 : memref<1x128x128xf32, #tpu.memory_space<vmem>> -> memref<128x128xf32, #tpu.memory_space<vmem>>
      %dma_start3A_337 = arith.constant 0 : i32
      %dma_start3A_338 = tpu.memref_slice %arg6[%dma_start3A_331, %dma_start3A_332, %dma_start3A_337] : memref<4x2x128xi32, #tpu.memory_space<vmem>> -> memref<1x1x128xi32, #tpu.memory_space<vmem>>
      %dma_start3A_339 = tpu.memref_squeeze %dma_start3A_338 : memref<1x1x128xi32, #tpu.memory_space<vmem>> -> memref<128xi32, #tpu.memory_space<vmem>>
      %dma_start3A_340 = arith.constant 0 : i32
      %dma_start3A_341 = arith.constant 0 : i32
      %dma_start3A_342 = tpu.memref_slice %arg8[%dma_start3A_340, %dma_start3A_341] : memref<10112x128xf32, #tpu.memory_space<vmem_shared>> -> memref<10112x128xf32, #tpu.memory_space<vmem_shared>>
      tpu.enqueue_indirect_dma source(%dma_start3A_336 : memref<128x128xf32, #tpu.memory_space<vmem>>) target(%dma_start3A_342 : memref<10112x128xf32, #tpu.memory_space<vmem_shared>>) offsets(%dma_start3A_339 : memref<128xi32, #tpu.memory_space<vmem>>) semaphore(%arg13 : memref<!tpu.dma_semaphore, #tpu.memory_space<semaphore_mem>>) {add = true}
      %add3A_343 = arith.constant 2 : i32
      %add3A_344 = arith.addi %add3A_297, %add3A_343 : i32
      %dma_wait3A_345 = arith.constant 2 : i32
      %dma_wait3A_346 = arith.constant 0 : i32
      %dma_wait3A_347 = arith.constant 0 : i32
      %dma_wait3A_348 = tpu.memref_slice %arg6[%dma_wait3A_345, %dma_wait3A_346, %dma_wait3A_347] : memref<4x2x128xi32, #tpu.memory_space<vmem>> -> memref<1x2x128xi32, #tpu.memory_space<vmem>>
      %dma_wait3A_349 = tpu.memref_squeeze %dma_wait3A_348 : memref<1x2x128xi32, #tpu.memory_space<vmem>> -> memref<2x128xi32, #tpu.memory_space<vmem>>
      %dma_wait3A_350 = arith.constant 0 : i32
      %dma_wait3A_351 = arith.constant 0 : i32
      %dma_wait3A_352 = tpu.memref_slice %arg3[%add3A, %add3A_344, %dma_wait3A_350, %dma_wait3A_351] : memref<32x80x2x128xi32, #tpu.memory_space<hbm>> -> memref<1x1x2x128xi32, #tpu.memory_space<hbm>>
      %dma_wait3A_353 = tpu.memref_squeeze %dma_wait3A_352 : memref<1x1x2x128xi32, #tpu.memory_space<hbm>> -> memref<2x128xi32, #tpu.memory_space<hbm>>
      %dma_wait3A_354 = arith.constant 0 : i32
      %dma_wait3A_355 = arith.constant 0 : i32
      %dma_wait3A_356 = tpu.memref_slice %arg6[%dma_wait3A_345, %dma_wait3A_354, %dma_wait3A_355] : memref<4x2x128xi32, #tpu.memory_space<vmem>> -> memref<1x2x128xi32, #tpu.memory_space<vmem>>
      %dma_wait3A_357 = tpu.memref_squeeze %dma_wait3A_356 : memref<1x2x128xi32, #tpu.memory_space<vmem>> -> memref<2x128xi32, #tpu.memory_space<vmem>>
      %dma_wait3A_358 = arith.constant 0 : i32
      %dma_wait3A_359 = arith.constant 0 : i32
      %dma_wait3A_360 = tpu.memref_slice %arg3[%add3A, %add3A_344, %dma_wait3A_358, %dma_wait3A_359] : memref<32x80x2x128xi32, #tpu.memory_space<hbm>> -> memref<1x1x2x128xi32, #tpu.memory_space<hbm>>
      %dma_wait3A_361 = tpu.memref_squeeze %dma_wait3A_360 : memref<1x1x2x128xi32, #tpu.memory_space<hbm>> -> memref<2x128xi32, #tpu.memory_space<hbm>>
      tpu.wait_dma2 semaphore(%arg11 : memref<!tpu.dma_semaphore, #tpu.memory_space<semaphore_mem>>) src(%dma_wait3A_361 : memref<2x128xi32, #tpu.memory_space<hbm>>) dst(%dma_wait3A_357 : memref<2x128xi32, #tpu.memory_space<vmem>>)
      %dma_wait3A_362 = arith.constant 0 : i32
      %dma_wait3A_363 = arith.constant 0 : i32
      %dma_wait3A_364 = arith.constant 1 : i32
      %dma_wait3A_365 = arith.constant 0 : i32
      %dma_wait3A_366 = arith.constant 0 : i32
      %dma_wait3A_367 = tpu.memref_slice %arg7[%dma_wait3A_362, %dma_wait3A_365, %dma_wait3A_366] : memref<2x128x128xf32, #tpu.memory_space<vmem>> -> memref<1x128x128xf32, #tpu.memory_space<vmem>>
      %dma_wait3A_368 = tpu.memref_squeeze %dma_wait3A_367 : memref<1x128x128xf32, #tpu.memory_space<vmem>> -> memref<128x128xf32, #tpu.memory_space<vmem>>
      %dma_wait3A_369 = arith.constant 0 : i32
      %dma_wait3A_370 = tpu.memref_slice %arg6[%dma_wait3A_363, %dma_wait3A_364, %dma_wait3A_369] : memref<4x2x128xi32, #tpu.memory_space<vmem>> -> memref<1x1x128xi32, #tpu.memory_space<vmem>>
      %dma_wait3A_371 = tpu.memref_squeeze %dma_wait3A_370 : memref<1x1x128xi32, #tpu.memory_space<vmem>> -> memref<128xi32, #tpu.memory_space<vmem>>
      %dma_wait3A_372 = arith.constant 0 : i32
      %dma_wait3A_373 = arith.constant 0 : i32
      %dma_wait3A_374 = tpu.memref_slice %arg8[%dma_wait3A_372, %dma_wait3A_373] : memref<10112x128xf32, #tpu.memory_space<vmem_shared>> -> memref<10112x128xf32, #tpu.memory_space<vmem_shared>>
      tpu.wait_indirect_dma semaphore(%arg13 : memref<!tpu.dma_semaphore, #tpu.memory_space<semaphore_mem>>) src(%dma_wait3A_368 : memref<128x128xf32, #tpu.memory_space<vmem>>) dst(%dma_wait3A_374 : memref<10112x128xf32, #tpu.memory_space<vmem_shared>>)
      %dma_start3A_375 = arith.constant 2 : i32
      %dma_start3A_376 = arith.constant 0 : i32
      %dma_start3A_377 = arith.constant 0 : i32
      %dma_start3A_378 = arith.constant 0 : i32
      %dma_start3A_379 = arith.constant 0 : i32
      %dma_start3A_380 = tpu.memref_slice %arg7[%dma_start3A_377, %dma_start3A_378, %dma_start3A_379] : memref<2x128x128xf32, #tpu.memory_space<vmem>> -> memref<1x128x128xf32, #tpu.memory_space<vmem>>
      %dma_start3A_381 = tpu.memref_squeeze %dma_start3A_380 : memref<1x128x128xf32, #tpu.memory_space<vmem>> -> memref<128x128xf32, #tpu.memory_space<vmem>>
      %dma_start3A_382 = arith.constant 0 : i32
      %dma_start3A_383 = tpu.memref_slice %arg6[%dma_start3A_375, %dma_start3A_376, %dma_start3A_382] : memref<4x2x128xi32, #tpu.memory_space<vmem>> -> memref<1x1x128xi32, #tpu.memory_space<vmem>>
      %dma_start3A_384 = tpu.memref_squeeze %dma_start3A_383 : memref<1x1x128xi32, #tpu.memory_space<vmem>> -> memref<128xi32, #tpu.memory_space<vmem>>
      %dma_start3A_385 = arith.constant 0 : i32
      %dma_start3A_386 = arith.constant 0 : i32
      %dma_start3A_387 = tpu.memref_slice %arg2[%dma_start3A_385, %dma_start3A_386] : memref<10000x128xf32, #tpu.memory_space<hbm>> -> memref<10000x128xf32, #tpu.memory_space<hbm>>
      tpu.enqueue_indirect_dma source(%dma_start3A_387 : memref<10000x128xf32, #tpu.memory_space<hbm>>) target(%dma_start3A_381 : memref<128x128xf32, #tpu.memory_space<vmem>>) offsets(%dma_start3A_384 : memref<128xi32, #tpu.memory_space<vmem>>) semaphore(%arg9 : memref<!tpu.dma_semaphore, #tpu.memory_space<semaphore_mem>>)
      %mul3A_388 = arith.constant 4 : i32
      %mul3A_389 = arith.muli %add3A_293, %mul3A_388 : i32
      %add3A_390 = arith.constant 1 : i32
      %add3A_391 = arith.addi %mul3A_389, %add3A_390 : i32
      %dma_wait3A_392 = arith.constant 1 : i32
      %dma_wait3A_393 = arith.constant 0 : i32
      %dma_wait3A_394 = arith.constant 1 : i32
      %dma_wait3A_395 = arith.constant 0 : i32
      %dma_wait3A_396 = arith.constant 0 : i32
      %dma_wait3A_397 = tpu.memref_slice %arg7[%dma_wait3A_394, %dma_wait3A_395, %dma_wait3A_396] : memref<2x128x128xf32, #tpu.memory_space<vmem>> -> memref<1x128x128xf32, #tpu.memory_space<vmem>>
      %dma_wait3A_398 = tpu.memref_squeeze %dma_wait3A_397 : memref<1x128x128xf32, #tpu.memory_space<vmem>> -> memref<128x128xf32, #tpu.memory_space<vmem>>
      %dma_wait3A_399 = arith.constant 0 : i32
      %dma_wait3A_400 = tpu.memref_slice %arg6[%dma_wait3A_392, %dma_wait3A_393, %dma_wait3A_399] : memref<4x2x128xi32, #tpu.memory_space<vmem>> -> memref<1x1x128xi32, #tpu.memory_space<vmem>>
      %dma_wait3A_401 = tpu.memref_squeeze %dma_wait3A_400 : memref<1x1x128xi32, #tpu.memory_space<vmem>> -> memref<128xi32, #tpu.memory_space<vmem>>
      %dma_wait3A_402 = arith.constant 0 : i32
      %dma_wait3A_403 = arith.constant 0 : i32
      %dma_wait3A_404 = tpu.memref_slice %arg2[%dma_wait3A_402, %dma_wait3A_403] : memref<10000x128xf32, #tpu.memory_space<hbm>> -> memref<10000x128xf32, #tpu.memory_space<hbm>>
      tpu.wait_indirect_dma semaphore(%arg10 : memref<!tpu.dma_semaphore, #tpu.memory_space<semaphore_mem>>) src(%dma_wait3A_404 : memref<10000x128xf32, #tpu.memory_space<hbm>>) dst(%dma_wait3A_398 : memref<128x128xf32, #tpu.memory_space<vmem>>)
      %add3A_405 = arith.constant 2 : i32
      %add3A_406 = arith.addi %add3A_391, %add3A_405 : i32
      %dma_start3A_407 = arith.constant 3 : i32
      %dma_start3A_408 = arith.constant 0 : i32
      %dma_start3A_409 = arith.constant 0 : i32
      %dma_start3A_410 = tpu.memref_slice %arg6[%dma_start3A_407, %dma_start3A_408, %dma_start3A_409] : memref<4x2x128xi32, #tpu.memory_space<vmem>> -> memref<1x2x128xi32, #tpu.memory_space<vmem>>
      %dma_start3A_411 = tpu.memref_squeeze %dma_start3A_410 : memref<1x2x128xi32, #tpu.memory_space<vmem>> -> memref<2x128xi32, #tpu.memory_space<vmem>>
      %dma_start3A_412 = arith.constant 0 : i32
      %dma_start3A_413 = arith.constant 0 : i32
      %dma_start3A_414 = tpu.memref_slice %arg3[%add3A, %add3A_406, %dma_start3A_412, %dma_start3A_413] : memref<32x80x2x128xi32, #tpu.memory_space<hbm>> -> memref<1x1x2x128xi32, #tpu.memory_space<hbm>>
      %dma_start3A_415 = tpu.memref_squeeze %dma_start3A_414 : memref<1x1x2x128xi32, #tpu.memory_space<hbm>> -> memref<2x128xi32, #tpu.memory_space<hbm>>
      %dma_start3A_416 = arith.constant 0 : i32
      %dma_start3A_417 = arith.constant 0 : i32
      %dma_start3A_418 = tpu.memref_slice %arg6[%dma_start3A_407, %dma_start3A_416, %dma_start3A_417] : memref<4x2x128xi32, #tpu.memory_space<vmem>> -> memref<1x2x128xi32, #tpu.memory_space<vmem>>
      %dma_start3A_419 = tpu.memref_squeeze %dma_start3A_418 : memref<1x2x128xi32, #tpu.memory_space<vmem>> -> memref<2x128xi32, #tpu.memory_space<vmem>>
      %dma_start3A_420 = arith.constant 0 : i32
      %dma_start3A_421 = arith.constant 0 : i32
      %dma_start3A_422 = tpu.memref_slice %arg3[%add3A, %add3A_406, %dma_start3A_420, %dma_start3A_421] : memref<32x80x2x128xi32, #tpu.memory_space<hbm>> -> memref<1x1x2x128xi32, #tpu.memory_space<hbm>>
      %dma_start3A_423 = tpu.memref_squeeze %dma_start3A_422 : memref<1x1x2x128xi32, #tpu.memory_space<hbm>> -> memref<2x128xi32, #tpu.memory_space<hbm>>
      tpu.enqueue_dma source(%dma_start3A_423 : memref<2x128xi32, #tpu.memory_space<hbm>>) target(%dma_start3A_419 : memref<2x128xi32, #tpu.memory_space<vmem>>) target_semaphore(%arg12 : memref<!tpu.dma_semaphore, #tpu.memory_space<semaphore_mem>>)
      %dma_start3A_424 = arith.constant 1 : i32
      %dma_start3A_425 = arith.constant 1 : i32
      %dma_start3A_426 = arith.constant 1 : i32
      %dma_start3A_427 = arith.constant 0 : i32
      %dma_start3A_428 = arith.constant 0 : i32
      %dma_start3A_429 = tpu.memref_slice %arg7[%dma_start3A_424, %dma_start3A_427, %dma_start3A_428] : memref<2x128x128xf32, #tpu.memory_space<vmem>> -> memref<1x128x128xf32, #tpu.memory_space<vmem>>
      %dma_start3A_430 = tpu.memref_squeeze %dma_start3A_429 : memref<1x128x128xf32, #tpu.memory_space<vmem>> -> memref<128x128xf32, #tpu.memory_space<vmem>>
      %dma_start3A_431 = arith.constant 0 : i32
      %dma_start3A_432 = tpu.memref_slice %arg6[%dma_start3A_425, %dma_start3A_426, %dma_start3A_431] : memref<4x2x128xi32, #tpu.memory_space<vmem>> -> memref<1x1x128xi32, #tpu.memory_space<vmem>>
      %dma_start3A_433 = tpu.memref_squeeze %dma_start3A_432 : memref<1x1x128xi32, #tpu.memory_space<vmem>> -> memref<128xi32, #tpu.memory_space<vmem>>
      %dma_start3A_434 = arith.constant 0 : i32
      %dma_start3A_435 = arith.constant 0 : i32
      %dma_start3A_436 = tpu.memref_slice %arg8[%dma_start3A_434, %dma_start3A_435] : memref<10112x128xf32, #tpu.memory_space<vmem_shared>> -> memref<10112x128xf32, #tpu.memory_space<vmem_shared>>
      tpu.enqueue_indirect_dma source(%dma_start3A_430 : memref<128x128xf32, #tpu.memory_space<vmem>>) target(%dma_start3A_436 : memref<10112x128xf32, #tpu.memory_space<vmem_shared>>) offsets(%dma_start3A_433 : memref<128xi32, #tpu.memory_space<vmem>>) semaphore(%arg14 : memref<!tpu.dma_semaphore, #tpu.memory_space<semaphore_mem>>) {add = true}
      %add3A_437 = arith.constant 2 : i32
      %add3A_438 = arith.addi %add3A_391, %add3A_437 : i32
      %dma_wait3A_439 = arith.constant 3 : i32
      %dma_wait3A_440 = arith.constant 0 : i32
      %dma_wait3A_441 = arith.constant 0 : i32
      %dma_wait3A_442 = tpu.memref_slice %arg6[%dma_wait3A_439, %dma_wait3A_440, %dma_wait3A_441] : memref<4x2x128xi32, #tpu.memory_space<vmem>> -> memref<1x2x128xi32, #tpu.memory_space<vmem>>
      %dma_wait3A_443 = tpu.memref_squeeze %dma_wait3A_442 : memref<1x2x128xi32, #tpu.memory_space<vmem>> -> memref<2x128xi32, #tpu.memory_space<vmem>>
      %dma_wait3A_444 = arith.constant 0 : i32
      %dma_wait3A_445 = arith.constant 0 : i32
      %dma_wait3A_446 = tpu.memref_slice %arg3[%add3A, %add3A_438, %dma_wait3A_444, %dma_wait3A_445] : memref<32x80x2x128xi32, #tpu.memory_space<hbm>> -> memref<1x1x2x128xi32, #tpu.memory_space<hbm>>
      %dma_wait3A_447 = tpu.memref_squeeze %dma_wait3A_446 : memref<1x1x2x128xi32, #tpu.memory_space<hbm>> -> memref<2x128xi32, #tpu.memory_space<hbm>>
      %dma_wait3A_448 = arith.constant 0 : i32
      %dma_wait3A_449 = arith.constant 0 : i32
      %dma_wait3A_450 = tpu.memref_slice %arg6[%dma_wait3A_439, %dma_wait3A_448, %dma_wait3A_449] : memref<4x2x128xi32, #tpu.memory_space<vmem>> -> memref<1x2x128xi32, #tpu.memory_space<vmem>>
      %dma_wait3A_451 = tpu.memref_squeeze %dma_wait3A_450 : memref<1x2x128xi32, #tpu.memory_space<vmem>> -> memref<2x128xi32, #tpu.memory_space<vmem>>
      %dma_wait3A_452 = arith.constant 0 : i32
      %dma_wait3A_453 = arith.constant 0 : i32
      %dma_wait3A_454 = tpu.memref_slice %arg3[%add3A, %add3A_438, %dma_wait3A_452, %dma_wait3A_453] : memref<32x80x2x128xi32, #tpu.memory_space<hbm>> -> memref<1x1x2x128xi32, #tpu.memory_space<hbm>>
      %dma_wait3A_455 = tpu.memref_squeeze %dma_wait3A_454 : memref<1x1x2x128xi32, #tpu.memory_space<hbm>> -> memref<2x128xi32, #tpu.memory_space<hbm>>
      tpu.wait_dma2 semaphore(%arg12 : memref<!tpu.dma_semaphore, #tpu.memory_space<semaphore_mem>>) src(%dma_wait3A_455 : memref<2x128xi32, #tpu.memory_space<hbm>>) dst(%dma_wait3A_451 : memref<2x128xi32, #tpu.memory_space<vmem>>)
      %dma_wait3A_456 = arith.constant 1 : i32
      %dma_wait3A_457 = arith.constant 1 : i32
      %dma_wait3A_458 = arith.constant 1 : i32
      %dma_wait3A_459 = arith.constant 0 : i32
      %dma_wait3A_460 = arith.constant 0 : i32
      %dma_wait3A_461 = tpu.memref_slice %arg7[%dma_wait3A_456, %dma_wait3A_459, %dma_wait3A_460] : memref<2x128x128xf32, #tpu.memory_space<vmem>> -> memref<1x128x128xf32, #tpu.memory_space<vmem>>
      %dma_wait3A_462 = tpu.memref_squeeze %dma_wait3A_461 : memref<1x128x128xf32, #tpu.memory_space<vmem>> -> memref<128x128xf32, #tpu.memory_space<vmem>>
      %dma_wait3A_463 = arith.constant 0 : i32
      %dma_wait3A_464 = tpu.memref_slice %arg6[%dma_wait3A_457, %dma_wait3A_458, %dma_wait3A_463] : memref<4x2x128xi32, #tpu.memory_space<vmem>> -> memref<1x1x128xi32, #tpu.memory_space<vmem>>
      %dma_wait3A_465 = tpu.memref_squeeze %dma_wait3A_464 : memref<1x1x128xi32, #tpu.memory_space<vmem>> -> memref<128xi32, #tpu.memory_space<vmem>>
      %dma_wait3A_466 = arith.constant 0 : i32
      %dma_wait3A_467 = arith.constant 0 : i32
      %dma_wait3A_468 = tpu.memref_slice %arg8[%dma_wait3A_466, %dma_wait3A_467] : memref<10112x128xf32, #tpu.memory_space<vmem_shared>> -> memref<10112x128xf32, #tpu.memory_space<vmem_shared>>
      tpu.wait_indirect_dma semaphore(%arg14 : memref<!tpu.dma_semaphore, #tpu.memory_space<semaphore_mem>>) src(%dma_wait3A_462 : memref<128x128xf32, #tpu.memory_space<vmem>>) dst(%dma_wait3A_468 : memref<10112x128xf32, #tpu.memory_space<vmem_shared>>)
      %dma_start3A_469 = arith.constant 3 : i32
      %dma_start3A_470 = arith.constant 0 : i32
      %dma_start3A_471 = arith.constant 1 : i32
      %dma_start3A_472 = arith.constant 0 : i32
      %dma_start3A_473 = arith.constant 0 : i32
      %dma_start3A_474 = tpu.memref_slice %arg7[%dma_start3A_471, %dma_start3A_472, %dma_start3A_473] : memref<2x128x128xf32, #tpu.memory_space<vmem>> -> memref<1x128x128xf32, #tpu.memory_space<vmem>>
      %dma_start3A_475 = tpu.memref_squeeze %dma_start3A_474 : memref<1x128x128xf32, #tpu.memory_space<vmem>> -> memref<128x128xf32, #tpu.memory_space<vmem>>
      %dma_start3A_476 = arith.constant 0 : i32
      %dma_start3A_477 = tpu.memref_slice %arg6[%dma_start3A_469, %dma_start3A_470, %dma_start3A_476] : memref<4x2x128xi32, #tpu.memory_space<vmem>> -> memref<1x1x128xi32, #tpu.memory_space<vmem>>
      %dma_start3A_478 = tpu.memref_squeeze %dma_start3A_477 : memref<1x1x128xi32, #tpu.memory_space<vmem>> -> memref<128xi32, #tpu.memory_space<vmem>>
      %dma_start3A_479 = arith.constant 0 : i32
      %dma_start3A_480 = arith.constant 0 : i32
      %dma_start3A_481 = tpu.memref_slice %arg2[%dma_start3A_479, %dma_start3A_480] : memref<10000x128xf32, #tpu.memory_space<hbm>> -> memref<10000x128xf32, #tpu.memory_space<hbm>>
      tpu.enqueue_indirect_dma source(%dma_start3A_481 : memref<10000x128xf32, #tpu.memory_space<hbm>>) target(%dma_start3A_475 : memref<128x128xf32, #tpu.memory_space<vmem>>) offsets(%dma_start3A_478 : memref<128xi32, #tpu.memory_space<vmem>>) semaphore(%arg10 : memref<!tpu.dma_semaphore, #tpu.memory_space<semaphore_mem>>)
      %mul3A_482 = arith.constant 4 : i32
      %mul3A_483 = arith.muli %add3A_293, %mul3A_482 : i32
      %add3A_484 = arith.constant 2 : i32
      %add3A_485 = arith.addi %mul3A_483, %add3A_484 : i32
      %dma_wait3A_486 = arith.constant 2 : i32
      %dma_wait3A_487 = arith.constant 0 : i32
      %dma_wait3A_488 = arith.constant 0 : i32
      %dma_wait3A_489 = arith.constant 0 : i32
      %dma_wait3A_490 = arith.constant 0 : i32
      %dma_wait3A_491 = tpu.memref_slice %arg7[%dma_wait3A_488, %dma_wait3A_489, %dma_wait3A_490] : memref<2x128x128xf32, #tpu.memory_space<vmem>> -> memref<1x128x128xf32, #tpu.memory_space<vmem>>
      %dma_wait3A_492 = tpu.memref_squeeze %dma_wait3A_491 : memref<1x128x128xf32, #tpu.memory_space<vmem>> -> memref<128x128xf32, #tpu.memory_space<vmem>>
      %dma_wait3A_493 = arith.constant 0 : i32
      %dma_wait3A_494 = tpu.memref_slice %arg6[%dma_wait3A_486, %dma_wait3A_487, %dma_wait3A_493] : memref<4x2x128xi32, #tpu.memory_space<vmem>> -> memref<1x1x128xi32, #tpu.memory_space<vmem>>
      %dma_wait3A_495 = tpu.memref_squeeze %dma_wait3A_494 : memref<1x1x128xi32, #tpu.memory_space<vmem>> -> memref<128xi32, #tpu.memory_space<vmem>>
      %dma_wait3A_496 = arith.constant 0 : i32
      %dma_wait3A_497 = arith.constant 0 : i32
      %dma_wait3A_498 = tpu.memref_slice %arg2[%dma_wait3A_496, %dma_wait3A_497] : memref<10000x128xf32, #tpu.memory_space<hbm>> -> memref<10000x128xf32, #tpu.memory_space<hbm>>
      tpu.wait_indirect_dma semaphore(%arg9 : memref<!tpu.dma_semaphore, #tpu.memory_space<semaphore_mem>>) src(%dma_wait3A_498 : memref<10000x128xf32, #tpu.memory_space<hbm>>) dst(%dma_wait3A_492 : memref<128x128xf32, #tpu.memory_space<vmem>>)
      %add3A_499 = arith.constant 2 : i32
      %add3A_500 = arith.addi %add3A_485, %add3A_499 : i32
      %dma_start3A_501 = arith.constant 0 : i32
      %dma_start3A_502 = arith.constant 0 : i32
      %dma_start3A_503 = arith.constant 0 : i32
      %dma_start3A_504 = tpu.memref_slice %arg6[%dma_start3A_501, %dma_start3A_502, %dma_start3A_503] : memref<4x2x128xi32, #tpu.memory_space<vmem>> -> memref<1x2x128xi32, #tpu.memory_space<vmem>>
      %dma_start3A_505 = tpu.memref_squeeze %dma_start3A_504 : memref<1x2x128xi32, #tpu.memory_space<vmem>> -> memref<2x128xi32, #tpu.memory_space<vmem>>
      %dma_start3A_506 = arith.constant 0 : i32
      %dma_start3A_507 = arith.constant 0 : i32
      %dma_start3A_508 = tpu.memref_slice %arg3[%add3A, %add3A_500, %dma_start3A_506, %dma_start3A_507] : memref<32x80x2x128xi32, #tpu.memory_space<hbm>> -> memref<1x1x2x128xi32, #tpu.memory_space<hbm>>
      %dma_start3A_509 = tpu.memref_squeeze %dma_start3A_508 : memref<1x1x2x128xi32, #tpu.memory_space<hbm>> -> memref<2x128xi32, #tpu.memory_space<hbm>>
      %dma_start3A_510 = arith.constant 0 : i32
      %dma_start3A_511 = arith.constant 0 : i32
      %dma_start3A_512 = tpu.memref_slice %arg6[%dma_start3A_501, %dma_start3A_510, %dma_start3A_511] : memref<4x2x128xi32, #tpu.memory_space<vmem>> -> memref<1x2x128xi32, #tpu.memory_space<vmem>>
      %dma_start3A_513 = tpu.memref_squeeze %dma_start3A_512 : memref<1x2x128xi32, #tpu.memory_space<vmem>> -> memref<2x128xi32, #tpu.memory_space<vmem>>
      %dma_start3A_514 = arith.constant 0 : i32
      %dma_start3A_515 = arith.constant 0 : i32
      %dma_start3A_516 = tpu.memref_slice %arg3[%add3A, %add3A_500, %dma_start3A_514, %dma_start3A_515] : memref<32x80x2x128xi32, #tpu.memory_space<hbm>> -> memref<1x1x2x128xi32, #tpu.memory_space<hbm>>
      %dma_start3A_517 = tpu.memref_squeeze %dma_start3A_516 : memref<1x1x2x128xi32, #tpu.memory_space<hbm>> -> memref<2x128xi32, #tpu.memory_space<hbm>>
      tpu.enqueue_dma source(%dma_start3A_517 : memref<2x128xi32, #tpu.memory_space<hbm>>) target(%dma_start3A_513 : memref<2x128xi32, #tpu.memory_space<vmem>>) target_semaphore(%arg11 : memref<!tpu.dma_semaphore, #tpu.memory_space<semaphore_mem>>)
      %dma_start3A_518 = arith.constant 0 : i32
      %dma_start3A_519 = arith.constant 2 : i32
      %dma_start3A_520 = arith.constant 1 : i32
      %dma_start3A_521 = arith.constant 0 : i32
      %dma_start3A_522 = arith.constant 0 : i32
      %dma_start3A_523 = tpu.memref_slice %arg7[%dma_start3A_518, %dma_start3A_521, %dma_start3A_522] : memref<2x128x128xf32, #tpu.memory_space<vmem>> -> memref<1x128x128xf32, #tpu.memory_space<vmem>>
      %dma_start3A_524 = tpu.memref_squeeze %dma_start3A_523 : memref<1x128x128xf32, #tpu.memory_space<vmem>> -> memref<128x128xf32, #tpu.memory_space<vmem>>
      %dma_start3A_525 = arith.constant 0 : i32
      %dma_start3A_526 = tpu.memref_slice %arg6[%dma_start3A_519, %dma_start3A_520, %dma_start3A_525] : memref<4x2x128xi32, #tpu.memory_space<vmem>> -> memref<1x1x128xi32, #tpu.memory_space<vmem>>
      %dma_start3A_527 = tpu.memref_squeeze %dma_start3A_526 : memref<1x1x128xi32, #tpu.memory_space<vmem>> -> memref<128xi32, #tpu.memory_space<vmem>>
      %dma_start3A_528 = arith.constant 0 : i32
      %dma_start3A_529 = arith.constant 0 : i32
      %dma_start3A_530 = tpu.memref_slice %arg8[%dma_start3A_528, %dma_start3A_529] : memref<10112x128xf32, #tpu.memory_space<vmem_shared>> -> memref<10112x128xf32, #tpu.memory_space<vmem_shared>>
      tpu.enqueue_indirect_dma source(%dma_start3A_524 : memref<128x128xf32, #tpu.memory_space<vmem>>) target(%dma_start3A_530 : memref<10112x128xf32, #tpu.memory_space<vmem_shared>>) offsets(%dma_start3A_527 : memref<128xi32, #tpu.memory_space<vmem>>) semaphore(%arg13 : memref<!tpu.dma_semaphore, #tpu.memory_space<semaphore_mem>>) {add = true}
      %add3A_531 = arith.constant 2 : i32
      %add3A_532 = arith.addi %add3A_485, %add3A_531 : i32
      %dma_wait3A_533 = arith.constant 0 : i32
      %dma_wait3A_534 = arith.constant 0 : i32
      %dma_wait3A_535 = arith.constant 0 : i32
      %dma_wait3A_536 = tpu.memref_slice %arg6[%dma_wait3A_533, %dma_wait3A_534, %dma_wait3A_535] : memref<4x2x128xi32, #tpu.memory_space<vmem>> -> memref<1x2x128xi32, #tpu.memory_space<vmem>>
      %dma_wait3A_537 = tpu.memref_squeeze %dma_wait3A_536 : memref<1x2x128xi32, #tpu.memory_space<vmem>> -> memref<2x128xi32, #tpu.memory_space<vmem>>
      %dma_wait3A_538 = arith.constant 0 : i32
      %dma_wait3A_539 = arith.constant 0 : i32
      %dma_wait3A_540 = tpu.memref_slice %arg3[%add3A, %add3A_532, %dma_wait3A_538, %dma_wait3A_539] : memref<32x80x2x128xi32, #tpu.memory_space<hbm>> -> memref<1x1x2x128xi32, #tpu.memory_space<hbm>>
      %dma_wait3A_541 = tpu.memref_squeeze %dma_wait3A_540 : memref<1x1x2x128xi32, #tpu.memory_space<hbm>> -> memref<2x128xi32, #tpu.memory_space<hbm>>
      %dma_wait3A_542 = arith.constant 0 : i32
      %dma_wait3A_543 = arith.constant 0 : i32
      %dma_wait3A_544 = tpu.memref_slice %arg6[%dma_wait3A_533, %dma_wait3A_542, %dma_wait3A_543] : memref<4x2x128xi32, #tpu.memory_space<vmem>> -> memref<1x2x128xi32, #tpu.memory_space<vmem>>
      %dma_wait3A_545 = tpu.memref_squeeze %dma_wait3A_544 : memref<1x2x128xi32, #tpu.memory_space<vmem>> -> memref<2x128xi32, #tpu.memory_space<vmem>>
      %dma_wait3A_546 = arith.constant 0 : i32
      %dma_wait3A_547 = arith.constant 0 : i32
      %dma_wait3A_548 = tpu.memref_slice %arg3[%add3A, %add3A_532, %dma_wait3A_546, %dma_wait3A_547] : memref<32x80x2x128xi32, #tpu.memory_space<hbm>> -> memref<1x1x2x128xi32, #tpu.memory_space<hbm>>
      %dma_wait3A_549 = tpu.memref_squeeze %dma_wait3A_548 : memref<1x1x2x128xi32, #tpu.memory_space<hbm>> -> memref<2x128xi32, #tpu.memory_space<hbm>>
      tpu.wait_dma2 semaphore(%arg11 : memref<!tpu.dma_semaphore, #tpu.memory_space<semaphore_mem>>) src(%dma_wait3A_549 : memref<2x128xi32, #tpu.memory_space<hbm>>) dst(%dma_wait3A_545 : memref<2x128xi32, #tpu.memory_space<vmem>>)
      %dma_wait3A_550 = arith.constant 0 : i32
      %dma_wait3A_551 = arith.constant 2 : i32
      %dma_wait3A_552 = arith.constant 1 : i32
      %dma_wait3A_553 = arith.constant 0 : i32
      %dma_wait3A_554 = arith.constant 0 : i32
      %dma_wait3A_555 = tpu.memref_slice %arg7[%dma_wait3A_550, %dma_wait3A_553, %dma_wait3A_554] : memref<2x128x128xf32, #tpu.memory_space<vmem>> -> memref<1x128x128xf32, #tpu.memory_space<vmem>>
      %dma_wait3A_556 = tpu.memref_squeeze %dma_wait3A_555 : memref<1x128x128xf32, #tpu.memory_space<vmem>> -> memref<128x128xf32, #tpu.memory_space<vmem>>
      %dma_wait3A_557 = arith.constant 0 : i32
      %dma_wait3A_558 = tpu.memref_slice %arg6[%dma_wait3A_551, %dma_wait3A_552, %dma_wait3A_557] : memref<4x2x128xi32, #tpu.memory_space<vmem>> -> memref<1x1x128xi32, #tpu.memory_space<vmem>>
      %dma_wait3A_559 = tpu.memref_squeeze %dma_wait3A_558 : memref<1x1x128xi32, #tpu.memory_space<vmem>> -> memref<128xi32, #tpu.memory_space<vmem>>
      %dma_wait3A_560 = arith.constant 0 : i32
      %dma_wait3A_561 = arith.constant 0 : i32
      %dma_wait3A_562 = tpu.memref_slice %arg8[%dma_wait3A_560, %dma_wait3A_561] : memref<10112x128xf32, #tpu.memory_space<vmem_shared>> -> memref<10112x128xf32, #tpu.memory_space<vmem_shared>>
      tpu.wait_indirect_dma semaphore(%arg13 : memref<!tpu.dma_semaphore, #tpu.memory_space<semaphore_mem>>) src(%dma_wait3A_556 : memref<128x128xf32, #tpu.memory_space<vmem>>) dst(%dma_wait3A_562 : memref<10112x128xf32, #tpu.memory_space<vmem_shared>>)
      %dma_start3A_563 = arith.constant 0 : i32
      %dma_start3A_564 = arith.constant 0 : i32
      %dma_start3A_565 = arith.constant 0 : i32
      %dma_start3A_566 = arith.constant 0 : i32
      %dma_start3A_567 = arith.constant 0 : i32
      %dma_start3A_568 = tpu.memref_slice %arg7[%dma_start3A_565, %dma_start3A_566, %dma_start3A_567] : memref<2x128x128xf32, #tpu.memory_space<vmem>> -> memref<1x128x128xf32, #tpu.memory_space<vmem>>
      %dma_start3A_569 = tpu.memref_squeeze %dma_start3A_568 : memref<1x128x128xf32, #tpu.memory_space<vmem>> -> memref<128x128xf32, #tpu.memory_space<vmem>>
      %dma_start3A_570 = arith.constant 0 : i32
      %dma_start3A_571 = tpu.memref_slice %arg6[%dma_start3A_563, %dma_start3A_564, %dma_start3A_570] : memref<4x2x128xi32, #tpu.memory_space<vmem>> -> memref<1x1x128xi32, #tpu.memory_space<vmem>>
      %dma_start3A_572 = tpu.memref_squeeze %dma_start3A_571 : memref<1x1x128xi32, #tpu.memory_space<vmem>> -> memref<128xi32, #tpu.memory_space<vmem>>
      %dma_start3A_573 = arith.constant 0 : i32
      %dma_start3A_574 = arith.constant 0 : i32
      %dma_start3A_575 = tpu.memref_slice %arg2[%dma_start3A_573, %dma_start3A_574] : memref<10000x128xf32, #tpu.memory_space<hbm>> -> memref<10000x128xf32, #tpu.memory_space<hbm>>
      tpu.enqueue_indirect_dma source(%dma_start3A_575 : memref<10000x128xf32, #tpu.memory_space<hbm>>) target(%dma_start3A_569 : memref<128x128xf32, #tpu.memory_space<vmem>>) offsets(%dma_start3A_572 : memref<128xi32, #tpu.memory_space<vmem>>) semaphore(%arg9 : memref<!tpu.dma_semaphore, #tpu.memory_space<semaphore_mem>>)
      %mul3A_576 = arith.constant 4 : i32
      %mul3A_577 = arith.muli %add3A_293, %mul3A_576 : i32
      %add3A_578 = arith.constant 3 : i32
      %add3A_579 = arith.addi %mul3A_577, %add3A_578 : i32
      %dma_wait3A_580 = arith.constant 3 : i32
      %dma_wait3A_581 = arith.constant 0 : i32
      %dma_wait3A_582 = arith.constant 1 : i32
      %dma_wait3A_583 = arith.constant 0 : i32
      %dma_wait3A_584 = arith.constant 0 : i32
      %dma_wait3A_585 = tpu.memref_slice %arg7[%dma_wait3A_582, %dma_wait3A_583, %dma_wait3A_584] : memref<2x128x128xf32, #tpu.memory_space<vmem>> -> memref<1x128x128xf32, #tpu.memory_space<vmem>>
      %dma_wait3A_586 = tpu.memref_squeeze %dma_wait3A_585 : memref<1x128x128xf32, #tpu.memory_space<vmem>> -> memref<128x128xf32, #tpu.memory_space<vmem>>
      %dma_wait3A_587 = arith.constant 0 : i32
      %dma_wait3A_588 = tpu.memref_slice %arg6[%dma_wait3A_580, %dma_wait3A_581, %dma_wait3A_587] : memref<4x2x128xi32, #tpu.memory_space<vmem>> -> memref<1x1x128xi32, #tpu.memory_space<vmem>>
      %dma_wait3A_589 = tpu.memref_squeeze %dma_wait3A_588 : memref<1x1x128xi32, #tpu.memory_space<vmem>> -> memref<128xi32, #tpu.memory_space<vmem>>
      %dma_wait3A_590 = arith.constant 0 : i32
      %dma_wait3A_591 = arith.constant 0 : i32
      %dma_wait3A_592 = tpu.memref_slice %arg2[%dma_wait3A_590, %dma_wait3A_591] : memref<10000x128xf32, #tpu.memory_space<hbm>> -> memref<10000x128xf32, #tpu.memory_space<hbm>>
      tpu.wait_indirect_dma semaphore(%arg10 : memref<!tpu.dma_semaphore, #tpu.memory_space<semaphore_mem>>) src(%dma_wait3A_592 : memref<10000x128xf32, #tpu.memory_space<hbm>>) dst(%dma_wait3A_586 : memref<128x128xf32, #tpu.memory_space<vmem>>)
      %add3A_593 = arith.constant 2 : i32
      %add3A_594 = arith.addi %add3A_579, %add3A_593 : i32
      %dma_start3A_595 = arith.constant 1 : i32
      %dma_start3A_596 = arith.constant 0 : i32
      %dma_start3A_597 = arith.constant 0 : i32
      %dma_start3A_598 = tpu.memref_slice %arg6[%dma_start3A_595, %dma_start3A_596, %dma_start3A_597] : memref<4x2x128xi32, #tpu.memory_space<vmem>> -> memref<1x2x128xi32, #tpu.memory_space<vmem>>
      %dma_start3A_599 = tpu.memref_squeeze %dma_start3A_598 : memref<1x2x128xi32, #tpu.memory_space<vmem>> -> memref<2x128xi32, #tpu.memory_space<vmem>>
      %dma_start3A_600 = arith.constant 0 : i32
      %dma_start3A_601 = arith.constant 0 : i32
      %dma_start3A_602 = tpu.memref_slice %arg3[%add3A, %add3A_594, %dma_start3A_600, %dma_start3A_601] : memref<32x80x2x128xi32, #tpu.memory_space<hbm>> -> memref<1x1x2x128xi32, #tpu.memory_space<hbm>>
      %dma_start3A_603 = tpu.memref_squeeze %dma_start3A_602 : memref<1x1x2x128xi32, #tpu.memory_space<hbm>> -> memref<2x128xi32, #tpu.memory_space<hbm>>
      %dma_start3A_604 = arith.constant 0 : i32
      %dma_start3A_605 = arith.constant 0 : i32
      %dma_start3A_606 = tpu.memref_slice %arg6[%dma_start3A_595, %dma_start3A_604, %dma_start3A_605] : memref<4x2x128xi32, #tpu.memory_space<vmem>> -> memref<1x2x128xi32, #tpu.memory_space<vmem>>
      %dma_start3A_607 = tpu.memref_squeeze %dma_start3A_606 : memref<1x2x128xi32, #tpu.memory_space<vmem>> -> memref<2x128xi32, #tpu.memory_space<vmem>>
      %dma_start3A_608 = arith.constant 0 : i32
      %dma_start3A_609 = arith.constant 0 : i32
      %dma_start3A_610 = tpu.memref_slice %arg3[%add3A, %add3A_594, %dma_start3A_608, %dma_start3A_609] : memref<32x80x2x128xi32, #tpu.memory_space<hbm>> -> memref<1x1x2x128xi32, #tpu.memory_space<hbm>>
      %dma_start3A_611 = tpu.memref_squeeze %dma_start3A_610 : memref<1x1x2x128xi32, #tpu.memory_space<hbm>> -> memref<2x128xi32, #tpu.memory_space<hbm>>
      tpu.enqueue_dma source(%dma_start3A_611 : memref<2x128xi32, #tpu.memory_space<hbm>>) target(%dma_start3A_607 : memref<2x128xi32, #tpu.memory_space<vmem>>) target_semaphore(%arg12 : memref<!tpu.dma_semaphore, #tpu.memory_space<semaphore_mem>>)
      %dma_start3A_612 = arith.constant 1 : i32
      %dma_start3A_613 = arith.constant 3 : i32
      %dma_start3A_614 = arith.constant 1 : i32
      %dma_start3A_615 = arith.constant 0 : i32
      %dma_start3A_616 = arith.constant 0 : i32
      %dma_start3A_617 = tpu.memref_slice %arg7[%dma_start3A_612, %dma_start3A_615, %dma_start3A_616] : memref<2x128x128xf32, #tpu.memory_space<vmem>> -> memref<1x128x128xf32, #tpu.memory_space<vmem>>
      %dma_start3A_618 = tpu.memref_squeeze %dma_start3A_617 : memref<1x128x128xf32, #tpu.memory_space<vmem>> -> memref<128x128xf32, #tpu.memory_space<vmem>>
      %dma_start3A_619 = arith.constant 0 : i32
      %dma_start3A_620 = tpu.memref_slice %arg6[%dma_start3A_613, %dma_start3A_614, %dma_start3A_619] : memref<4x2x128xi32, #tpu.memory_space<vmem>> -> memref<1x1x128xi32, #tpu.memory_space<vmem>>
      %dma_start3A_621 = tpu.memref_squeeze %dma_start3A_620 : memref<1x1x128xi32, #tpu.memory_space<vmem>> -> memref<128xi32, #tpu.memory_space<vmem>>
      %dma_start3A_622 = arith.constant 0 : i32
      %dma_start3A_623 = arith.constant 0 : i32
      %dma_start3A_624 = tpu.memref_slice %arg8[%dma_start3A_622, %dma_start3A_623] : memref<10112x128xf32, #tpu.memory_space<vmem_shared>> -> memref<10112x128xf32, #tpu.memory_space<vmem_shared>>
      tpu.enqueue_indirect_dma source(%dma_start3A_618 : memref<128x128xf32, #tpu.memory_space<vmem>>) target(%dma_start3A_624 : memref<10112x128xf32, #tpu.memory_space<vmem_shared>>) offsets(%dma_start3A_621 : memref<128xi32, #tpu.memory_space<vmem>>) semaphore(%arg14 : memref<!tpu.dma_semaphore, #tpu.memory_space<semaphore_mem>>) {add = true}
      %add3A_625 = arith.constant 2 : i32
      %add3A_626 = arith.addi %add3A_579, %add3A_625 : i32
      %dma_wait3A_627 = arith.constant 1 : i32
      %dma_wait3A_628 = arith.constant 0 : i32
      %dma_wait3A_629 = arith.constant 0 : i32
      %dma_wait3A_630 = tpu.memref_slice %arg6[%dma_wait3A_627, %dma_wait3A_628, %dma_wait3A_629] : memref<4x2x128xi32, #tpu.memory_space<vmem>> -> memref<1x2x128xi32, #tpu.memory_space<vmem>>
      %dma_wait3A_631 = tpu.memref_squeeze %dma_wait3A_630 : memref<1x2x128xi32, #tpu.memory_space<vmem>> -> memref<2x128xi32, #tpu.memory_space<vmem>>
      %dma_wait3A_632 = arith.constant 0 : i32
      %dma_wait3A_633 = arith.constant 0 : i32
      %dma_wait3A_634 = tpu.memref_slice %arg3[%add3A, %add3A_626, %dma_wait3A_632, %dma_wait3A_633] : memref<32x80x2x128xi32, #tpu.memory_space<hbm>> -> memref<1x1x2x128xi32, #tpu.memory_space<hbm>>
      %dma_wait3A_635 = tpu.memref_squeeze %dma_wait3A_634 : memref<1x1x2x128xi32, #tpu.memory_space<hbm>> -> memref<2x128xi32, #tpu.memory_space<hbm>>
      %dma_wait3A_636 = arith.constant 0 : i32
      %dma_wait3A_637 = arith.constant 0 : i32
      %dma_wait3A_638 = tpu.memref_slice %arg6[%dma_wait3A_627, %dma_wait3A_636, %dma_wait3A_637] : memref<4x2x128xi32, #tpu.memory_space<vmem>> -> memref<1x2x128xi32, #tpu.memory_space<vmem>>
      %dma_wait3A_639 = tpu.memref_squeeze %dma_wait3A_638 : memref<1x2x128xi32, #tpu.memory_space<vmem>> -> memref<2x128xi32, #tpu.memory_space<vmem>>
      %dma_wait3A_640 = arith.constant 0 : i32
      %dma_wait3A_641 = arith.constant 0 : i32
      %dma_wait3A_642 = tpu.memref_slice %arg3[%add3A, %add3A_626, %dma_wait3A_640, %dma_wait3A_641] : memref<32x80x2x128xi32, #tpu.memory_space<hbm>> -> memref<1x1x2x128xi32, #tpu.memory_space<hbm>>
      %dma_wait3A_643 = tpu.memref_squeeze %dma_wait3A_642 : memref<1x1x2x128xi32, #tpu.memory_space<hbm>> -> memref<2x128xi32, #tpu.memory_space<hbm>>
      tpu.wait_dma2 semaphore(%arg12 : memref<!tpu.dma_semaphore, #tpu.memory_space<semaphore_mem>>) src(%dma_wait3A_643 : memref<2x128xi32, #tpu.memory_space<hbm>>) dst(%dma_wait3A_639 : memref<2x128xi32, #tpu.memory_space<vmem>>)
      %dma_wait3A_644 = arith.constant 1 : i32
      %dma_wait3A_645 = arith.constant 3 : i32
      %dma_wait3A_646 = arith.constant 1 : i32
      %dma_wait3A_647 = arith.constant 0 : i32
      %dma_wait3A_648 = arith.constant 0 : i32
      %dma_wait3A_649 = tpu.memref_slice %arg7[%dma_wait3A_644, %dma_wait3A_647, %dma_wait3A_648] : memref<2x128x128xf32, #tpu.memory_space<vmem>> -> memref<1x128x128xf32, #tpu.memory_space<vmem>>
      %dma_wait3A_650 = tpu.memref_squeeze %dma_wait3A_649 : memref<1x128x128xf32, #tpu.memory_space<vmem>> -> memref<128x128xf32, #tpu.memory_space<vmem>>
      %dma_wait3A_651 = arith.constant 0 : i32
      %dma_wait3A_652 = tpu.memref_slice %arg6[%dma_wait3A_645, %dma_wait3A_646, %dma_wait3A_651] : memref<4x2x128xi32, #tpu.memory_space<vmem>> -> memref<1x1x128xi32, #tpu.memory_space<vmem>>
      %dma_wait3A_653 = tpu.memref_squeeze %dma_wait3A_652 : memref<1x1x128xi32, #tpu.memory_space<vmem>> -> memref<128xi32, #tpu.memory_space<vmem>>
      %dma_wait3A_654 = arith.constant 0 : i32
      %dma_wait3A_655 = arith.constant 0 : i32
      %dma_wait3A_656 = tpu.memref_slice %arg8[%dma_wait3A_654, %dma_wait3A_655] : memref<10112x128xf32, #tpu.memory_space<vmem_shared>> -> memref<10112x128xf32, #tpu.memory_space<vmem_shared>>
      tpu.wait_indirect_dma semaphore(%arg14 : memref<!tpu.dma_semaphore, #tpu.memory_space<semaphore_mem>>) src(%dma_wait3A_650 : memref<128x128xf32, #tpu.memory_space<vmem>>) dst(%dma_wait3A_656 : memref<10112x128xf32, #tpu.memory_space<vmem_shared>>)
      %dma_start3A_657 = arith.constant 1 : i32
      %dma_start3A_658 = arith.constant 0 : i32
      %dma_start3A_659 = arith.constant 1 : i32
      %dma_start3A_660 = arith.constant 0 : i32
      %dma_start3A_661 = arith.constant 0 : i32
      %dma_start3A_662 = tpu.memref_slice %arg7[%dma_start3A_659, %dma_start3A_660, %dma_start3A_661] : memref<2x128x128xf32, #tpu.memory_space<vmem>> -> memref<1x128x128xf32, #tpu.memory_space<vmem>>
      %dma_start3A_663 = tpu.memref_squeeze %dma_start3A_662 : memref<1x128x128xf32, #tpu.memory_space<vmem>> -> memref<128x128xf32, #tpu.memory_space<vmem>>
      %dma_start3A_664 = arith.constant 0 : i32
      %dma_start3A_665 = tpu.memref_slice %arg6[%dma_start3A_657, %dma_start3A_658, %dma_start3A_664] : memref<4x2x128xi32, #tpu.memory_space<vmem>> -> memref<1x1x128xi32, #tpu.memory_space<vmem>>
      %dma_start3A_666 = tpu.memref_squeeze %dma_start3A_665 : memref<1x1x128xi32, #tpu.memory_space<vmem>> -> memref<128xi32, #tpu.memory_space<vmem>>
      %dma_start3A_667 = arith.constant 0 : i32
      %dma_start3A_668 = arith.constant 0 : i32
      %dma_start3A_669 = tpu.memref_slice %arg2[%dma_start3A_667, %dma_start3A_668] : memref<10000x128xf32, #tpu.memory_space<hbm>> -> memref<10000x128xf32, #tpu.memory_space<hbm>>
      tpu.enqueue_indirect_dma source(%dma_start3A_669 : memref<10000x128xf32, #tpu.memory_space<hbm>>) target(%dma_start3A_663 : memref<128x128xf32, #tpu.memory_space<vmem>>) offsets(%dma_start3A_666 : memref<128xi32, #tpu.memory_space<vmem>>) semaphore(%arg10 : memref<!tpu.dma_semaphore, #tpu.memory_space<semaphore_mem>>)
    }
    %scan3A_34 = arith.constant 19 : i32
    %dma_wait3A = arith.constant 0 : i32
    %dma_wait3A_35 = arith.constant 0 : i32
    %dma_wait3A_36 = arith.constant 0 : i32
    %dma_wait3A_37 = arith.constant 0 : i32
    %dma_wait3A_38 = arith.constant 0 : i32
    %dma_wait3A_39 = tpu.memref_slice %arg7[%dma_wait3A_36, %dma_wait3A_37, %dma_wait3A_38] : memref<2x128x128xf32, #tpu.memory_space<vmem>> -> memref<1x128x128xf32, #tpu.memory_space<vmem>>
    %dma_wait3A_40 = tpu.memref_squeeze %dma_wait3A_39 : memref<1x128x128xf32, #tpu.memory_space<vmem>> -> memref<128x128xf32, #tpu.memory_space<vmem>>
    %dma_wait3A_41 = arith.constant 0 : i32
    %dma_wait3A_42 = tpu.memref_slice %arg6[%dma_wait3A, %dma_wait3A_35, %dma_wait3A_41] : memref<4x2x128xi32, #tpu.memory_space<vmem>> -> memref<1x1x128xi32, #tpu.memory_space<vmem>>
    %dma_wait3A_43 = tpu.memref_squeeze %dma_wait3A_42 : memref<1x1x128xi32, #tpu.memory_space<vmem>> -> memref<128xi32, #tpu.memory_space<vmem>>
    %dma_wait3A_44 = arith.constant 0 : i32
    %dma_wait3A_45 = arith.constant 0 : i32
    %dma_wait3A_46 = tpu.memref_slice %arg2[%dma_wait3A_44, %dma_wait3A_45] : memref<10000x128xf32, #tpu.memory_space<hbm>> -> memref<10000x128xf32, #tpu.memory_space<hbm>>
    tpu.wait_indirect_dma semaphore(%arg9 : memref<!tpu.dma_semaphore, #tpu.memory_space<semaphore_mem>>) src(%dma_wait3A_46 : memref<10000x128xf32, #tpu.memory_space<hbm>>) dst(%dma_wait3A_40 : memref<128x128xf32, #tpu.memory_space<vmem>>)
    %dma_start3A_47 = arith.constant 78 : i32
    %dma_start3A_48 = arith.constant 2 : i32
    %dma_start3A_49 = arith.constant 0 : i32
    %dma_start3A_50 = arith.constant 0 : i32
    %dma_start3A_51 = tpu.memref_slice %arg6[%dma_start3A_48, %dma_start3A_49, %dma_start3A_50] : memref<4x2x128xi32, #tpu.memory_space<vmem>> -> memref<1x2x128xi32, #tpu.memory_space<vmem>>
    %dma_start3A_52 = tpu.memref_squeeze %dma_start3A_51 : memref<1x2x128xi32, #tpu.memory_space<vmem>> -> memref<2x128xi32, #tpu.memory_space<vmem>>
    %dma_start3A_53 = arith.constant 0 : i32
    %dma_start3A_54 = arith.constant 0 : i32
    %dma_start3A_55 = tpu.memref_slice %arg3[%add3A, %dma_start3A_47, %dma_start3A_53, %dma_start3A_54] : memref<32x80x2x128xi32, #tpu.memory_space<hbm>> -> memref<1x1x2x128xi32, #tpu.memory_space<hbm>>
    %dma_start3A_56 = tpu.memref_squeeze %dma_start3A_55 : memref<1x1x2x128xi32, #tpu.memory_space<hbm>> -> memref<2x128xi32, #tpu.memory_space<hbm>>
    %dma_start3A_57 = arith.constant 0 : i32
    %dma_start3A_58 = arith.constant 0 : i32
    %dma_start3A_59 = tpu.memref_slice %arg6[%dma_start3A_48, %dma_start3A_57, %dma_start3A_58] : memref<4x2x128xi32, #tpu.memory_space<vmem>> -> memref<1x2x128xi32, #tpu.memory_space<vmem>>
    %dma_start3A_60 = tpu.memref_squeeze %dma_start3A_59 : memref<1x2x128xi32, #tpu.memory_space<vmem>> -> memref<2x128xi32, #tpu.memory_space<vmem>>
    %dma_start3A_61 = arith.constant 0 : i32
    %dma_start3A_62 = arith.constant 0 : i32
    %dma_start3A_63 = tpu.memref_slice %arg3[%add3A, %dma_start3A_47, %dma_start3A_61, %dma_start3A_62] : memref<32x80x2x128xi32, #tpu.memory_space<hbm>> -> memref<1x1x2x128xi32, #tpu.memory_space<hbm>>
    %dma_start3A_64 = tpu.memref_squeeze %dma_start3A_63 : memref<1x1x2x128xi32, #tpu.memory_space<hbm>> -> memref<2x128xi32, #tpu.memory_space<hbm>>
    tpu.enqueue_dma source(%dma_start3A_64 : memref<2x128xi32, #tpu.memory_space<hbm>>) target(%dma_start3A_60 : memref<2x128xi32, #tpu.memory_space<vmem>>) target_semaphore(%arg11 : memref<!tpu.dma_semaphore, #tpu.memory_space<semaphore_mem>>)
    %dma_start3A_65 = arith.constant 0 : i32
    %dma_start3A_66 = arith.constant 0 : i32
    %dma_start3A_67 = arith.constant 1 : i32
    %dma_start3A_68 = arith.constant 0 : i32
    %dma_start3A_69 = arith.constant 0 : i32
    %dma_start3A_70 = tpu.memref_slice %arg7[%dma_start3A_65, %dma_start3A_68, %dma_start3A_69] : memref<2x128x128xf32, #tpu.memory_space<vmem>> -> memref<1x128x128xf32, #tpu.memory_space<vmem>>
    %dma_start3A_71 = tpu.memref_squeeze %dma_start3A_70 : memref<1x128x128xf32, #tpu.memory_space<vmem>> -> memref<128x128xf32, #tpu.memory_space<vmem>>
    %dma_start3A_72 = arith.constant 0 : i32
    %dma_start3A_73 = tpu.memref_slice %arg6[%dma_start3A_66, %dma_start3A_67, %dma_start3A_72] : memref<4x2x128xi32, #tpu.memory_space<vmem>> -> memref<1x1x128xi32, #tpu.memory_space<vmem>>
    %dma_start3A_74 = tpu.memref_squeeze %dma_start3A_73 : memref<1x1x128xi32, #tpu.memory_space<vmem>> -> memref<128xi32, #tpu.memory_space<vmem>>
    %dma_start3A_75 = arith.constant 0 : i32
    %dma_start3A_76 = arith.constant 0 : i32
    %dma_start3A_77 = tpu.memref_slice %arg8[%dma_start3A_75, %dma_start3A_76] : memref<10112x128xf32, #tpu.memory_space<vmem_shared>> -> memref<10112x128xf32, #tpu.memory_space<vmem_shared>>
    tpu.enqueue_indirect_dma source(%dma_start3A_71 : memref<128x128xf32, #tpu.memory_space<vmem>>) target(%dma_start3A_77 : memref<10112x128xf32, #tpu.memory_space<vmem_shared>>) offsets(%dma_start3A_74 : memref<128xi32, #tpu.memory_space<vmem>>) semaphore(%arg13 : memref<!tpu.dma_semaphore, #tpu.memory_space<semaphore_mem>>) {add = true}
    %dma_wait3A_78 = arith.constant 78 : i32
    %dma_wait3A_79 = arith.constant 2 : i32
    %dma_wait3A_80 = arith.constant 0 : i32
    %dma_wait3A_81 = arith.constant 0 : i32
    %dma_wait3A_82 = tpu.memref_slice %arg6[%dma_wait3A_79, %dma_wait3A_80, %dma_wait3A_81] : memref<4x2x128xi32, #tpu.memory_space<vmem>> -> memref<1x2x128xi32, #tpu.memory_space<vmem>>
    %dma_wait3A_83 = tpu.memref_squeeze %dma_wait3A_82 : memref<1x2x128xi32, #tpu.memory_space<vmem>> -> memref<2x128xi32, #tpu.memory_space<vmem>>
    %dma_wait3A_84 = arith.constant 0 : i32
    %dma_wait3A_85 = arith.constant 0 : i32
    %dma_wait3A_86 = tpu.memref_slice %arg3[%add3A, %dma_wait3A_78, %dma_wait3A_84, %dma_wait3A_85] : memref<32x80x2x128xi32, #tpu.memory_space<hbm>> -> memref<1x1x2x128xi32, #tpu.memory_space<hbm>>
    %dma_wait3A_87 = tpu.memref_squeeze %dma_wait3A_86 : memref<1x1x2x128xi32, #tpu.memory_space<hbm>> -> memref<2x128xi32, #tpu.memory_space<hbm>>
    %dma_wait3A_88 = arith.constant 0 : i32
    %dma_wait3A_89 = arith.constant 0 : i32
    %dma_wait3A_90 = tpu.memref_slice %arg6[%dma_wait3A_79, %dma_wait3A_88, %dma_wait3A_89] : memref<4x2x128xi32, #tpu.memory_space<vmem>> -> memref<1x2x128xi32, #tpu.memory_space<vmem>>
    %dma_wait3A_91 = tpu.memref_squeeze %dma_wait3A_90 : memref<1x2x128xi32, #tpu.memory_space<vmem>> -> memref<2x128xi32, #tpu.memory_space<vmem>>
    %dma_wait3A_92 = arith.constant 0 : i32
    %dma_wait3A_93 = arith.constant 0 : i32
    %dma_wait3A_94 = tpu.memref_slice %arg3[%add3A, %dma_wait3A_78, %dma_wait3A_92, %dma_wait3A_93] : memref<32x80x2x128xi32, #tpu.memory_space<hbm>> -> memref<1x1x2x128xi32, #tpu.memory_space<hbm>>
    %dma_wait3A_95 = tpu.memref_squeeze %dma_wait3A_94 : memref<1x1x2x128xi32, #tpu.memory_space<hbm>> -> memref<2x128xi32, #tpu.memory_space<hbm>>
    tpu.wait_dma2 semaphore(%arg11 : memref<!tpu.dma_semaphore, #tpu.memory_space<semaphore_mem>>) src(%dma_wait3A_95 : memref<2x128xi32, #tpu.memory_space<hbm>>) dst(%dma_wait3A_91 : memref<2x128xi32, #tpu.memory_space<vmem>>)
    %dma_wait3A_96 = arith.constant 0 : i32
    %dma_wait3A_97 = arith.constant 0 : i32
    %dma_wait3A_98 = arith.constant 1 : i32
    %dma_wait3A_99 = arith.constant 0 : i32
    %dma_wait3A_100 = arith.constant 0 : i32
    %dma_wait3A_101 = tpu.memref_slice %arg7[%dma_wait3A_96, %dma_wait3A_99, %dma_wait3A_100] : memref<2x128x128xf32, #tpu.memory_space<vmem>> -> memref<1x128x128xf32, #tpu.memory_space<vmem>>
    %dma_wait3A_102 = tpu.memref_squeeze %dma_wait3A_101 : memref<1x128x128xf32, #tpu.memory_space<vmem>> -> memref<128x128xf32, #tpu.memory_space<vmem>>
    %dma_wait3A_103 = arith.constant 0 : i32
    %dma_wait3A_104 = tpu.memref_slice %arg6[%dma_wait3A_97, %dma_wait3A_98, %dma_wait3A_103] : memref<4x2x128xi32, #tpu.memory_space<vmem>> -> memref<1x1x128xi32, #tpu.memory_space<vmem>>
    %dma_wait3A_105 = tpu.memref_squeeze %dma_wait3A_104 : memref<1x1x128xi32, #tpu.memory_space<vmem>> -> memref<128xi32, #tpu.memory_space<vmem>>
    %dma_wait3A_106 = arith.constant 0 : i32
    %dma_wait3A_107 = arith.constant 0 : i32
    %dma_wait3A_108 = tpu.memref_slice %arg8[%dma_wait3A_106, %dma_wait3A_107] : memref<10112x128xf32, #tpu.memory_space<vmem_shared>> -> memref<10112x128xf32, #tpu.memory_space<vmem_shared>>
    tpu.wait_indirect_dma semaphore(%arg13 : memref<!tpu.dma_semaphore, #tpu.memory_space<semaphore_mem>>) src(%dma_wait3A_102 : memref<128x128xf32, #tpu.memory_space<vmem>>) dst(%dma_wait3A_108 : memref<10112x128xf32, #tpu.memory_space<vmem_shared>>)
    %dma_start3A_109 = arith.constant 2 : i32
    %dma_start3A_110 = arith.constant 0 : i32
    %dma_start3A_111 = arith.constant 0 : i32
    %dma_start3A_112 = arith.constant 0 : i32
    %dma_start3A_113 = arith.constant 0 : i32
    %dma_start3A_114 = tpu.memref_slice %arg7[%dma_start3A_111, %dma_start3A_112, %dma_start3A_113] : memref<2x128x128xf32, #tpu.memory_space<vmem>> -> memref<1x128x128xf32, #tpu.memory_space<vmem>>
    %dma_start3A_115 = tpu.memref_squeeze %dma_start3A_114 : memref<1x128x128xf32, #tpu.memory_space<vmem>> -> memref<128x128xf32, #tpu.memory_space<vmem>>
    %dma_start3A_116 = arith.constant 0 : i32
    %dma_start3A_117 = tpu.memref_slice %arg6[%dma_start3A_109, %dma_start3A_110, %dma_start3A_116] : memref<4x2x128xi32, #tpu.memory_space<vmem>> -> memref<1x1x128xi32, #tpu.memory_space<vmem>>
    %dma_start3A_118 = tpu.memref_squeeze %dma_start3A_117 : memref<1x1x128xi32, #tpu.memory_space<vmem>> -> memref<128xi32, #tpu.memory_space<vmem>>
    %dma_start3A_119 = arith.constant 0 : i32
    %dma_start3A_120 = arith.constant 0 : i32
    %dma_start3A_121 = tpu.memref_slice %arg2[%dma_start3A_119, %dma_start3A_120] : memref<10000x128xf32, #tpu.memory_space<hbm>> -> memref<10000x128xf32, #tpu.memory_space<hbm>>
    tpu.enqueue_indirect_dma source(%dma_start3A_121 : memref<10000x128xf32, #tpu.memory_space<hbm>>) target(%dma_start3A_115 : memref<128x128xf32, #tpu.memory_space<vmem>>) offsets(%dma_start3A_118 : memref<128xi32, #tpu.memory_space<vmem>>) semaphore(%arg9 : memref<!tpu.dma_semaphore, #tpu.memory_space<semaphore_mem>>)
    %dma_wait3A_122 = arith.constant 1 : i32
    %dma_wait3A_123 = arith.constant 0 : i32
    %dma_wait3A_124 = arith.constant 1 : i32
    %dma_wait3A_125 = arith.constant 0 : i32
    %dma_wait3A_126 = arith.constant 0 : i32
    %dma_wait3A_127 = tpu.memref_slice %arg7[%dma_wait3A_124, %dma_wait3A_125, %dma_wait3A_126] : memref<2x128x128xf32, #tpu.memory_space<vmem>> -> memref<1x128x128xf32, #tpu.memory_space<vmem>>
    %dma_wait3A_128 = tpu.memref_squeeze %dma_wait3A_127 : memref<1x128x128xf32, #tpu.memory_space<vmem>> -> memref<128x128xf32, #tpu.memory_space<vmem>>
    %dma_wait3A_129 = arith.constant 0 : i32
    %dma_wait3A_130 = tpu.memref_slice %arg6[%dma_wait3A_122, %dma_wait3A_123, %dma_wait3A_129] : memref<4x2x128xi32, #tpu.memory_space<vmem>> -> memref<1x1x128xi32, #tpu.memory_space<vmem>>
    %dma_wait3A_131 = tpu.memref_squeeze %dma_wait3A_130 : memref<1x1x128xi32, #tpu.memory_space<vmem>> -> memref<128xi32, #tpu.memory_space<vmem>>
    %dma_wait3A_132 = arith.constant 0 : i32
    %dma_wait3A_133 = arith.constant 0 : i32
    %dma_wait3A_134 = tpu.memref_slice %arg2[%dma_wait3A_132, %dma_wait3A_133] : memref<10000x128xf32, #tpu.memory_space<hbm>> -> memref<10000x128xf32, #tpu.memory_space<hbm>>
    tpu.wait_indirect_dma semaphore(%arg10 : memref<!tpu.dma_semaphore, #tpu.memory_space<semaphore_mem>>) src(%dma_wait3A_134 : memref<10000x128xf32, #tpu.memory_space<hbm>>) dst(%dma_wait3A_128 : memref<128x128xf32, #tpu.memory_space<vmem>>)
    %dma_start3A_135 = arith.constant 79 : i32
    %dma_start3A_136 = arith.constant 3 : i32
    %dma_start3A_137 = arith.constant 0 : i32
    %dma_start3A_138 = arith.constant 0 : i32
    %dma_start3A_139 = tpu.memref_slice %arg6[%dma_start3A_136, %dma_start3A_137, %dma_start3A_138] : memref<4x2x128xi32, #tpu.memory_space<vmem>> -> memref<1x2x128xi32, #tpu.memory_space<vmem>>
    %dma_start3A_140 = tpu.memref_squeeze %dma_start3A_139 : memref<1x2x128xi32, #tpu.memory_space<vmem>> -> memref<2x128xi32, #tpu.memory_space<vmem>>
    %dma_start3A_141 = arith.constant 0 : i32
    %dma_start3A_142 = arith.constant 0 : i32
    %dma_start3A_143 = tpu.memref_slice %arg3[%add3A, %dma_start3A_135, %dma_start3A_141, %dma_start3A_142] : memref<32x80x2x128xi32, #tpu.memory_space<hbm>> -> memref<1x1x2x128xi32, #tpu.memory_space<hbm>>
    %dma_start3A_144 = tpu.memref_squeeze %dma_start3A_143 : memref<1x1x2x128xi32, #tpu.memory_space<hbm>> -> memref<2x128xi32, #tpu.memory_space<hbm>>
    %dma_start3A_145 = arith.constant 0 : i32
    %dma_start3A_146 = arith.constant 0 : i32
    %dma_start3A_147 = tpu.memref_slice %arg6[%dma_start3A_136, %dma_start3A_145, %dma_start3A_146] : memref<4x2x128xi32, #tpu.memory_space<vmem>> -> memref<1x2x128xi32, #tpu.memory_space<vmem>>
    %dma_start3A_148 = tpu.memref_squeeze %dma_start3A_147 : memref<1x2x128xi32, #tpu.memory_space<vmem>> -> memref<2x128xi32, #tpu.memory_space<vmem>>
    %dma_start3A_149 = arith.constant 0 : i32
    %dma_start3A_150 = arith.constant 0 : i32
    %dma_start3A_151 = tpu.memref_slice %arg3[%add3A, %dma_start3A_135, %dma_start3A_149, %dma_start3A_150] : memref<32x80x2x128xi32, #tpu.memory_space<hbm>> -> memref<1x1x2x128xi32, #tpu.memory_space<hbm>>
    %dma_start3A_152 = tpu.memref_squeeze %dma_start3A_151 : memref<1x1x2x128xi32, #tpu.memory_space<hbm>> -> memref<2x128xi32, #tpu.memory_space<hbm>>
    tpu.enqueue_dma source(%dma_start3A_152 : memref<2x128xi32, #tpu.memory_space<hbm>>) target(%dma_start3A_148 : memref<2x128xi32, #tpu.memory_space<vmem>>) target_semaphore(%arg12 : memref<!tpu.dma_semaphore, #tpu.memory_space<semaphore_mem>>)
    %dma_start3A_153 = arith.constant 1 : i32
    %dma_start3A_154 = arith.constant 1 : i32
    %dma_start3A_155 = arith.constant 1 : i32
    %dma_start3A_156 = arith.constant 0 : i32
    %dma_start3A_157 = arith.constant 0 : i32
    %dma_start3A_158 = tpu.memref_slice %arg7[%dma_start3A_153, %dma_start3A_156, %dma_start3A_157] : memref<2x128x128xf32, #tpu.memory_space<vmem>> -> memref<1x128x128xf32, #tpu.memory_space<vmem>>
    %dma_start3A_159 = tpu.memref_squeeze %dma_start3A_158 : memref<1x128x128xf32, #tpu.memory_space<vmem>> -> memref<128x128xf32, #tpu.memory_space<vmem>>
    %dma_start3A_160 = arith.constant 0 : i32
    %dma_start3A_161 = tpu.memref_slice %arg6[%dma_start3A_154, %dma_start3A_155, %dma_start3A_160] : memref<4x2x128xi32, #tpu.memory_space<vmem>> -> memref<1x1x128xi32, #tpu.memory_space<vmem>>
    %dma_start3A_162 = tpu.memref_squeeze %dma_start3A_161 : memref<1x1x128xi32, #tpu.memory_space<vmem>> -> memref<128xi32, #tpu.memory_space<vmem>>
    %dma_start3A_163 = arith.constant 0 : i32
    %dma_start3A_164 = arith.constant 0 : i32
    %dma_start3A_165 = tpu.memref_slice %arg8[%dma_start3A_163, %dma_start3A_164] : memref<10112x128xf32, #tpu.memory_space<vmem_shared>> -> memref<10112x128xf32, #tpu.memory_space<vmem_shared>>
    tpu.enqueue_indirect_dma source(%dma_start3A_159 : memref<128x128xf32, #tpu.memory_space<vmem>>) target(%dma_start3A_165 : memref<10112x128xf32, #tpu.memory_space<vmem_shared>>) offsets(%dma_start3A_162 : memref<128xi32, #tpu.memory_space<vmem>>) semaphore(%arg14 : memref<!tpu.dma_semaphore, #tpu.memory_space<semaphore_mem>>) {add = true}
    %dma_wait3A_166 = arith.constant 79 : i32
    %dma_wait3A_167 = arith.constant 3 : i32
    %dma_wait3A_168 = arith.constant 0 : i32
    %dma_wait3A_169 = arith.constant 0 : i32
    %dma_wait3A_170 = tpu.memref_slice %arg6[%dma_wait3A_167, %dma_wait3A_168, %dma_wait3A_169] : memref<4x2x128xi32, #tpu.memory_space<vmem>> -> memref<1x2x128xi32, #tpu.memory_space<vmem>>
    %dma_wait3A_171 = tpu.memref_squeeze %dma_wait3A_170 : memref<1x2x128xi32, #tpu.memory_space<vmem>> -> memref<2x128xi32, #tpu.memory_space<vmem>>
    %dma_wait3A_172 = arith.constant 0 : i32
    %dma_wait3A_173 = arith.constant 0 : i32
    %dma_wait3A_174 = tpu.memref_slice %arg3[%add3A, %dma_wait3A_166, %dma_wait3A_172, %dma_wait3A_173] : memref<32x80x2x128xi32, #tpu.memory_space<hbm>> -> memref<1x1x2x128xi32, #tpu.memory_space<hbm>>
    %dma_wait3A_175 = tpu.memref_squeeze %dma_wait3A_174 : memref<1x1x2x128xi32, #tpu.memory_space<hbm>> -> memref<2x128xi32, #tpu.memory_space<hbm>>
    %dma_wait3A_176 = arith.constant 0 : i32
    %dma_wait3A_177 = arith.constant 0 : i32
    %dma_wait3A_178 = tpu.memref_slice %arg6[%dma_wait3A_167, %dma_wait3A_176, %dma_wait3A_177] : memref<4x2x128xi32, #tpu.memory_space<vmem>> -> memref<1x2x128xi32, #tpu.memory_space<vmem>>
    %dma_wait3A_179 = tpu.memref_squeeze %dma_wait3A_178 : memref<1x2x128xi32, #tpu.memory_space<vmem>> -> memref<2x128xi32, #tpu.memory_space<vmem>>
    %dma_wait3A_180 = arith.constant 0 : i32
    %dma_wait3A_181 = arith.constant 0 : i32
    %dma_wait3A_182 = tpu.memref_slice %arg3[%add3A, %dma_wait3A_166, %dma_wait3A_180, %dma_wait3A_181] : memref<32x80x2x128xi32, #tpu.memory_space<hbm>> -> memref<1x1x2x128xi32, #tpu.memory_space<hbm>>
    %dma_wait3A_183 = tpu.memref_squeeze %dma_wait3A_182 : memref<1x1x2x128xi32, #tpu.memory_space<hbm>> -> memref<2x128xi32, #tpu.memory_space<hbm>>
    tpu.wait_dma2 semaphore(%arg12 : memref<!tpu.dma_semaphore, #tpu.memory_space<semaphore_mem>>) src(%dma_wait3A_183 : memref<2x128xi32, #tpu.memory_space<hbm>>) dst(%dma_wait3A_179 : memref<2x128xi32, #tpu.memory_space<vmem>>)
    %dma_wait3A_184 = arith.constant 1 : i32
    %dma_wait3A_185 = arith.constant 1 : i32
    %dma_wait3A_186 = arith.constant 1 : i32
    %dma_wait3A_187 = arith.constant 0 : i32
    %dma_wait3A_188 = arith.constant 0 : i32
    %dma_wait3A_189 = tpu.memref_slice %arg7[%dma_wait3A_184, %dma_wait3A_187, %dma_wait3A_188] : memref<2x128x128xf32, #tpu.memory_space<vmem>> -> memref<1x128x128xf32, #tpu.memory_space<vmem>>
    %dma_wait3A_190 = tpu.memref_squeeze %dma_wait3A_189 : memref<1x128x128xf32, #tpu.memory_space<vmem>> -> memref<128x128xf32, #tpu.memory_space<vmem>>
    %dma_wait3A_191 = arith.constant 0 : i32
    %dma_wait3A_192 = tpu.memref_slice %arg6[%dma_wait3A_185, %dma_wait3A_186, %dma_wait3A_191] : memref<4x2x128xi32, #tpu.memory_space<vmem>> -> memref<1x1x128xi32, #tpu.memory_space<vmem>>
    %dma_wait3A_193 = tpu.memref_squeeze %dma_wait3A_192 : memref<1x1x128xi32, #tpu.memory_space<vmem>> -> memref<128xi32, #tpu.memory_space<vmem>>
    %dma_wait3A_194 = arith.constant 0 : i32
    %dma_wait3A_195 = arith.constant 0 : i32
    %dma_wait3A_196 = tpu.memref_slice %arg8[%dma_wait3A_194, %dma_wait3A_195] : memref<10112x128xf32, #tpu.memory_space<vmem_shared>> -> memref<10112x128xf32, #tpu.memory_space<vmem_shared>>
    tpu.wait_indirect_dma semaphore(%arg14 : memref<!tpu.dma_semaphore, #tpu.memory_space<semaphore_mem>>) src(%dma_wait3A_190 : memref<128x128xf32, #tpu.memory_space<vmem>>) dst(%dma_wait3A_196 : memref<10112x128xf32, #tpu.memory_space<vmem_shared>>)
    %dma_start3A_197 = arith.constant 3 : i32
    %dma_start3A_198 = arith.constant 0 : i32
    %dma_start3A_199 = arith.constant 1 : i32
    %dma_start3A_200 = arith.constant 0 : i32
    %dma_start3A_201 = arith.constant 0 : i32
    %dma_start3A_202 = tpu.memref_slice %arg7[%dma_start3A_199, %dma_start3A_200, %dma_start3A_201] : memref<2x128x128xf32, #tpu.memory_space<vmem>> -> memref<1x128x128xf32, #tpu.memory_space<vmem>>
    %dma_start3A_203 = tpu.memref_squeeze %dma_start3A_202 : memref<1x128x128xf32, #tpu.memory_space<vmem>> -> memref<128x128xf32, #tpu.memory_space<vmem>>
    %dma_start3A_204 = arith.constant 0 : i32
    %dma_start3A_205 = tpu.memref_slice %arg6[%dma_start3A_197, %dma_start3A_198, %dma_start3A_204] : memref<4x2x128xi32, #tpu.memory_space<vmem>> -> memref<1x1x128xi32, #tpu.memory_space<vmem>>
    %dma_start3A_206 = tpu.memref_squeeze %dma_start3A_205 : memref<1x1x128xi32, #tpu.memory_space<vmem>> -> memref<128xi32, #tpu.memory_space<vmem>>
    %dma_start3A_207 = arith.constant 0 : i32
    %dma_start3A_208 = arith.constant 0 : i32
    %dma_start3A_209 = tpu.memref_slice %arg2[%dma_start3A_207, %dma_start3A_208] : memref<10000x128xf32, #tpu.memory_space<hbm>> -> memref<10000x128xf32, #tpu.memory_space<hbm>>
    tpu.enqueue_indirect_dma source(%dma_start3A_209 : memref<10000x128xf32, #tpu.memory_space<hbm>>) target(%dma_start3A_203 : memref<128x128xf32, #tpu.memory_space<vmem>>) offsets(%dma_start3A_206 : memref<128xi32, #tpu.memory_space<vmem>>) semaphore(%arg10 : memref<!tpu.dma_semaphore, #tpu.memory_space<semaphore_mem>>)
    %dma_wait3A_210 = arith.constant 2 : i32
    %dma_wait3A_211 = arith.constant 0 : i32
    %dma_wait3A_212 = arith.constant 0 : i32
    %dma_wait3A_213 = arith.constant 0 : i32
    %dma_wait3A_214 = arith.constant 0 : i32
    %dma_wait3A_215 = tpu.memref_slice %arg7[%dma_wait3A_212, %dma_wait3A_213, %dma_wait3A_214] : memref<2x128x128xf32, #tpu.memory_space<vmem>> -> memref<1x128x128xf32, #tpu.memory_space<vmem>>
    %dma_wait3A_216 = tpu.memref_squeeze %dma_wait3A_215 : memref<1x128x128xf32, #tpu.memory_space<vmem>> -> memref<128x128xf32, #tpu.memory_space<vmem>>
    %dma_wait3A_217 = arith.constant 0 : i32
    %dma_wait3A_218 = tpu.memref_slice %arg6[%dma_wait3A_210, %dma_wait3A_211, %dma_wait3A_217] : memref<4x2x128xi32, #tpu.memory_space<vmem>> -> memref<1x1x128xi32, #tpu.memory_space<vmem>>
    %dma_wait3A_219 = tpu.memref_squeeze %dma_wait3A_218 : memref<1x1x128xi32, #tpu.memory_space<vmem>> -> memref<128xi32, #tpu.memory_space<vmem>>
    %dma_wait3A_220 = arith.constant 0 : i32
    %dma_wait3A_221 = arith.constant 0 : i32
    %dma_wait3A_222 = tpu.memref_slice %arg2[%dma_wait3A_220, %dma_wait3A_221] : memref<10000x128xf32, #tpu.memory_space<hbm>> -> memref<10000x128xf32, #tpu.memory_space<hbm>>
    tpu.wait_indirect_dma semaphore(%arg9 : memref<!tpu.dma_semaphore, #tpu.memory_space<semaphore_mem>>) src(%dma_wait3A_222 : memref<10000x128xf32, #tpu.memory_space<hbm>>) dst(%dma_wait3A_216 : memref<128x128xf32, #tpu.memory_space<vmem>>)
    %dma_start3A_223 = arith.constant 0 : i32
    %dma_start3A_224 = arith.constant 2 : i32
    %dma_start3A_225 = arith.constant 1 : i32
    %dma_start3A_226 = arith.constant 0 : i32
    %dma_start3A_227 = arith.constant 0 : i32
    %dma_start3A_228 = tpu.memref_slice %arg7[%dma_start3A_223, %dma_start3A_226, %dma_start3A_227] : memref<2x128x128xf32, #tpu.memory_space<vmem>> -> memref<1x128x128xf32, #tpu.memory_space<vmem>>
    %dma_start3A_229 = tpu.memref_squeeze %dma_start3A_228 : memref<1x128x128xf32, #tpu.memory_space<vmem>> -> memref<128x128xf32, #tpu.memory_space<vmem>>
    %dma_start3A_230 = arith.constant 0 : i32
    %dma_start3A_231 = tpu.memref_slice %arg6[%dma_start3A_224, %dma_start3A_225, %dma_start3A_230] : memref<4x2x128xi32, #tpu.memory_space<vmem>> -> memref<1x1x128xi32, #tpu.memory_space<vmem>>
    %dma_start3A_232 = tpu.memref_squeeze %dma_start3A_231 : memref<1x1x128xi32, #tpu.memory_space<vmem>> -> memref<128xi32, #tpu.memory_space<vmem>>
    %dma_start3A_233 = arith.constant 0 : i32
    %dma_start3A_234 = arith.constant 0 : i32
    %dma_start3A_235 = tpu.memref_slice %arg8[%dma_start3A_233, %dma_start3A_234] : memref<10112x128xf32, #tpu.memory_space<vmem_shared>> -> memref<10112x128xf32, #tpu.memory_space<vmem_shared>>
    tpu.enqueue_indirect_dma source(%dma_start3A_229 : memref<128x128xf32, #tpu.memory_space<vmem>>) target(%dma_start3A_235 : memref<10112x128xf32, #tpu.memory_space<vmem_shared>>) offsets(%dma_start3A_232 : memref<128xi32, #tpu.memory_space<vmem>>) semaphore(%arg13 : memref<!tpu.dma_semaphore, #tpu.memory_space<semaphore_mem>>) {add = true}
    %dma_wait3A_236 = arith.constant 0 : i32
    %dma_wait3A_237 = arith.constant 2 : i32
    %dma_wait3A_238 = arith.constant 1 : i32
    %dma_wait3A_239 = arith.constant 0 : i32
    %dma_wait3A_240 = arith.constant 0 : i32
    %dma_wait3A_241 = tpu.memref_slice %arg7[%dma_wait3A_236, %dma_wait3A_239, %dma_wait3A_240] : memref<2x128x128xf32, #tpu.memory_space<vmem>> -> memref<1x128x128xf32, #tpu.memory_space<vmem>>
    %dma_wait3A_242 = tpu.memref_squeeze %dma_wait3A_241 : memref<1x128x128xf32, #tpu.memory_space<vmem>> -> memref<128x128xf32, #tpu.memory_space<vmem>>
    %dma_wait3A_243 = arith.constant 0 : i32
    %dma_wait3A_244 = tpu.memref_slice %arg6[%dma_wait3A_237, %dma_wait3A_238, %dma_wait3A_243] : memref<4x2x128xi32, #tpu.memory_space<vmem>> -> memref<1x1x128xi32, #tpu.memory_space<vmem>>
    %dma_wait3A_245 = tpu.memref_squeeze %dma_wait3A_244 : memref<1x1x128xi32, #tpu.memory_space<vmem>> -> memref<128xi32, #tpu.memory_space<vmem>>
    %dma_wait3A_246 = arith.constant 0 : i32
    %dma_wait3A_247 = arith.constant 0 : i32
    %dma_wait3A_248 = tpu.memref_slice %arg8[%dma_wait3A_246, %dma_wait3A_247] : memref<10112x128xf32, #tpu.memory_space<vmem_shared>> -> memref<10112x128xf32, #tpu.memory_space<vmem_shared>>
    tpu.wait_indirect_dma semaphore(%arg13 : memref<!tpu.dma_semaphore, #tpu.memory_space<semaphore_mem>>) src(%dma_wait3A_242 : memref<128x128xf32, #tpu.memory_space<vmem>>) dst(%dma_wait3A_248 : memref<10112x128xf32, #tpu.memory_space<vmem_shared>>)
    %dma_wait3A_249 = arith.constant 3 : i32
    %dma_wait3A_250 = arith.constant 0 : i32
    %dma_wait3A_251 = arith.constant 1 : i32
    %dma_wait3A_252 = arith.constant 0 : i32
    %dma_wait3A_253 = arith.constant 0 : i32
    %dma_wait3A_254 = tpu.memref_slice %arg7[%dma_wait3A_251, %dma_wait3A_252, %dma_wait3A_253] : memref<2x128x128xf32, #tpu.memory_space<vmem>> -> memref<1x128x128xf32, #tpu.memory_space<vmem>>
    %dma_wait3A_255 = tpu.memref_squeeze %dma_wait3A_254 : memref<1x128x128xf32, #tpu.memory_space<vmem>> -> memref<128x128xf32, #tpu.memory_space<vmem>>
    %dma_wait3A_256 = arith.constant 0 : i32
    %dma_wait3A_257 = tpu.memref_slice %arg6[%dma_wait3A_249, %dma_wait3A_250, %dma_wait3A_256] : memref<4x2x128xi32, #tpu.memory_space<vmem>> -> memref<1x1x128xi32, #tpu.memory_space<vmem>>
    %dma_wait3A_258 = tpu.memref_squeeze %dma_wait3A_257 : memref<1x1x128xi32, #tpu.memory_space<vmem>> -> memref<128xi32, #tpu.memory_space<vmem>>
    %dma_wait3A_259 = arith.constant 0 : i32
    %dma_wait3A_260 = arith.constant 0 : i32
    %dma_wait3A_261 = tpu.memref_slice %arg2[%dma_wait3A_259, %dma_wait3A_260] : memref<10000x128xf32, #tpu.memory_space<hbm>> -> memref<10000x128xf32, #tpu.memory_space<hbm>>
    tpu.wait_indirect_dma semaphore(%arg10 : memref<!tpu.dma_semaphore, #tpu.memory_space<semaphore_mem>>) src(%dma_wait3A_261 : memref<10000x128xf32, #tpu.memory_space<hbm>>) dst(%dma_wait3A_255 : memref<128x128xf32, #tpu.memory_space<vmem>>)
    %dma_start3A_262 = arith.constant 1 : i32
    %dma_start3A_263 = arith.constant 3 : i32
    %dma_start3A_264 = arith.constant 1 : i32
    %dma_start3A_265 = arith.constant 0 : i32
    %dma_start3A_266 = arith.constant 0 : i32
    %dma_start3A_267 = tpu.memref_slice %arg7[%dma_start3A_262, %dma_start3A_265, %dma_start3A_266] : memref<2x128x128xf32, #tpu.memory_space<vmem>> -> memref<1x128x128xf32, #tpu.memory_space<vmem>>
    %dma_start3A_268 = tpu.memref_squeeze %dma_start3A_267 : memref<1x128x128xf32, #tpu.memory_space<vmem>> -> memref<128x128xf32, #tpu.memory_space<vmem>>
    %dma_start3A_269 = arith.constant 0 : i32
    %dma_start3A_270 = tpu.memref_slice %arg6[%dma_start3A_263, %dma_start3A_264, %dma_start3A_269] : memref<4x2x128xi32, #tpu.memory_space<vmem>> -> memref<1x1x128xi32, #tpu.memory_space<vmem>>
    %dma_start3A_271 = tpu.memref_squeeze %dma_start3A_270 : memref<1x1x128xi32, #tpu.memory_space<vmem>> -> memref<128xi32, #tpu.memory_space<vmem>>
    %dma_start3A_272 = arith.constant 0 : i32
    %dma_start3A_273 = arith.constant 0 : i32
    %dma_start3A_274 = tpu.memref_slice %arg8[%dma_start3A_272, %dma_start3A_273] : memref<10112x128xf32, #tpu.memory_space<vmem_shared>> -> memref<10112x128xf32, #tpu.memory_space<vmem_shared>>
    tpu.enqueue_indirect_dma source(%dma_start3A_268 : memref<128x128xf32, #tpu.memory_space<vmem>>) target(%dma_start3A_274 : memref<10112x128xf32, #tpu.memory_space<vmem_shared>>) offsets(%dma_start3A_271 : memref<128xi32, #tpu.memory_space<vmem>>) semaphore(%arg14 : memref<!tpu.dma_semaphore, #tpu.memory_space<semaphore_mem>>) {add = true}
    %dma_wait3A_275 = arith.constant 1 : i32
    %dma_wait3A_276 = arith.constant 3 : i32
    %dma_wait3A_277 = arith.constant 1 : i32
    %dma_wait3A_278 = arith.constant 0 : i32
    %dma_wait3A_279 = arith.constant 0 : i32
    %dma_wait3A_280 = tpu.memref_slice %arg7[%dma_wait3A_275, %dma_wait3A_278, %dma_wait3A_279] : memref<2x128x128xf32, #tpu.memory_space<vmem>> -> memref<1x128x128xf32, #tpu.memory_space<vmem>>
    %dma_wait3A_281 = tpu.memref_squeeze %dma_wait3A_280 : memref<1x128x128xf32, #tpu.memory_space<vmem>> -> memref<128x128xf32, #tpu.memory_space<vmem>>
    %dma_wait3A_282 = arith.constant 0 : i32
    %dma_wait3A_283 = tpu.memref_slice %arg6[%dma_wait3A_276, %dma_wait3A_277, %dma_wait3A_282] : memref<4x2x128xi32, #tpu.memory_space<vmem>> -> memref<1x1x128xi32, #tpu.memory_space<vmem>>
    %dma_wait3A_284 = tpu.memref_squeeze %dma_wait3A_283 : memref<1x1x128xi32, #tpu.memory_space<vmem>> -> memref<128xi32, #tpu.memory_space<vmem>>
    %dma_wait3A_285 = arith.constant 0 : i32
    %dma_wait3A_286 = arith.constant 0 : i32
    %dma_wait3A_287 = tpu.memref_slice %arg8[%dma_wait3A_285, %dma_wait3A_286] : memref<10112x128xf32, #tpu.memory_space<vmem_shared>> -> memref<10112x128xf32, #tpu.memory_space<vmem_shared>>
    tpu.wait_indirect_dma semaphore(%arg14 : memref<!tpu.dma_semaphore, #tpu.memory_space<semaphore_mem>>) src(%dma_wait3A_281 : memref<128x128xf32, #tpu.memory_space<vmem>>) dst(%dma_wait3A_287 : memref<10112x128xf32, #tpu.memory_space<vmem_shared>>)
    %barrier3A_288 = arith.constant 0 : index
    tpu.barrier barrier_id(%barrier3A_288)
    "tpu.region"() ({
      %run_scoped3A_289 = tpu.sem_alloc : memref<!tpu.dma_semaphore, #tpu.memory_space<semaphore_mem>>
      %dma_start3A_290 = arith.constant 0 : i32
      %dma_start3A_291 = tpu.memref_slice %arg5[%arg0, %multiple_of3A, %dma_start3A_290] : memref<2x10112x128xf32, #tpu.memory_space<hbm>> -> memref<1x632x128xf32, #tpu.memory_space<hbm>>
      %dma_start3A_292 = tpu.memref_squeeze %dma_start3A_291 : memref<1x632x128xf32, #tpu.memory_space<hbm>> -> memref<632x128xf32, #tpu.memory_space<hbm>>
      %dma_start3A_293 = arith.constant 0 : i32
      %dma_start3A_294 = tpu.memref_slice %arg8[%multiple_of3A, %dma_start3A_293] : memref<10112x128xf32, #tpu.memory_space<vmem_shared>> -> memref<632x128xf32, #tpu.memory_space<vmem_shared>>
      tpu.enqueue_dma source(%dma_start3A_294 : memref<632x128xf32, #tpu.memory_space<vmem_shared>>) target(%dma_start3A_292 : memref<632x128xf32, #tpu.memory_space<hbm>>) target_semaphore(%run_scoped3A_289 : memref<!tpu.dma_semaphore, #tpu.memory_space<semaphore_mem>>)
      %dma_wait3A_295 = arith.constant 0 : i32
      %dma_wait3A_296 = tpu.memref_slice %arg5[%arg0, %multiple_of3A, %dma_wait3A_295] : memref<2x10112x128xf32, #tpu.memory_space<hbm>> -> memref<1x632x128xf32, #tpu.memory_space<hbm>>
      %dma_wait3A_297 = tpu.memref_squeeze %dma_wait3A_296 : memref<1x632x128xf32, #tpu.memory_space<hbm>> -> memref<632x128xf32, #tpu.memory_space<hbm>>
      %dma_wait3A_298 = arith.constant 0 : i32
      %dma_wait3A_299 = tpu.memref_slice %arg8[%multiple_of3A, %dma_wait3A_298] : memref<10112x128xf32, #tpu.memory_space<vmem_shared>> -> memref<632x128xf32, #tpu.memory_space<vmem_shared>>
      tpu.wait_dma2 semaphore(%run_scoped3A_289 : memref<!tpu.dma_semaphore, #tpu.memory_space<semaphore_mem>>) src(%dma_wait3A_299 : memref<632x128xf32, #tpu.memory_space<vmem_shared>>) dst(%dma_wait3A_297 : memref<632x128xf32, #tpu.memory_space<hbm>>)
      tpu.yield
    }) : () -> ()
    return
  }
}

#map = affine_map<(d0, d1) -> (0, 0)>
#map1 = affine_map<(d0, d1) -> (0)>
module attributes {stable_mosaic.version = 14 : i64} {
  func.func @_sc_cnt_body(%arg0: i32, %arg1: i32, %arg2: memref<32x10240xi32, #tpu.memory_space<hbm>>, %arg3: memref<10112xf32, #tpu.memory_space<hbm>>, %arg4: memref<32x10112xf32, #tpu.memory_space<hbm>>, %arg5: memref<10240xi32, #tpu.memory_space<vmem>>, %arg6: memref<10112xf32, #tpu.memory_space<vmem>>) attributes {dimension_semantics = [#tpu.dimension_semantics<core_parallel>, #tpu.dimension_semantics<subcore_parallel>], iteration_bounds = array<i64: 2, 16>, scalar_prefetch = 0 : i64, scratch_operands = 2 : i64, tpu.core_type = #tpu.core_type<sc_vector_subcore>, window_params = [{transform_indices = #map}, {transform_indices = #map1}, {transform_indices = #map}]} {
    %mul3A = arith.constant 16 : i32
    %mul3A_0 = arith.muli %arg0, %mul3A : i32
    %add3A = arith.addi %mul3A_0, %arg1 : i32
    "tpu.region"() ({
      %run_scoped3A = tpu.sem_alloc : memref<!tpu.dma_semaphore, #tpu.memory_space<semaphore_mem>>
      %dma_start3A = arith.constant 0 : i32
      %dma_start3A_6 = tpu.memref_slice %arg2[%add3A, %dma_start3A] : memref<32x10240xi32, #tpu.memory_space<hbm>> -> memref<1x10240xi32, #tpu.memory_space<hbm>>
      %dma_start3A_7 = tpu.memref_squeeze %dma_start3A_6 : memref<1x10240xi32, #tpu.memory_space<hbm>> -> memref<10240xi32, #tpu.memory_space<hbm>>
      %dma_start3A_8 = arith.constant 0 : i32
      %dma_start3A_9 = tpu.memref_slice %arg2[%add3A, %dma_start3A_8] : memref<32x10240xi32, #tpu.memory_space<hbm>> -> memref<1x10240xi32, #tpu.memory_space<hbm>>
      %dma_start3A_10 = tpu.memref_squeeze %dma_start3A_9 : memref<1x10240xi32, #tpu.memory_space<hbm>> -> memref<10240xi32, #tpu.memory_space<hbm>>
      tpu.enqueue_dma source(%dma_start3A_10 : memref<10240xi32, #tpu.memory_space<hbm>>) target(%arg5 : memref<10240xi32, #tpu.memory_space<vmem>>) target_semaphore(%run_scoped3A : memref<!tpu.dma_semaphore, #tpu.memory_space<semaphore_mem>>)
      %dma_wait3A = arith.constant 0 : i32
      %dma_wait3A_11 = tpu.memref_slice %arg2[%add3A, %dma_wait3A] : memref<32x10240xi32, #tpu.memory_space<hbm>> -> memref<1x10240xi32, #tpu.memory_space<hbm>>
      %dma_wait3A_12 = tpu.memref_squeeze %dma_wait3A_11 : memref<1x10240xi32, #tpu.memory_space<hbm>> -> memref<10240xi32, #tpu.memory_space<hbm>>
      %dma_wait3A_13 = arith.constant 0 : i32
      %dma_wait3A_14 = tpu.memref_slice %arg2[%add3A, %dma_wait3A_13] : memref<32x10240xi32, #tpu.memory_space<hbm>> -> memref<1x10240xi32, #tpu.memory_space<hbm>>
      %dma_wait3A_15 = tpu.memref_squeeze %dma_wait3A_14 : memref<1x10240xi32, #tpu.memory_space<hbm>> -> memref<10240xi32, #tpu.memory_space<hbm>>
      tpu.wait_dma2 semaphore(%run_scoped3A : memref<!tpu.dma_semaphore, #tpu.memory_space<semaphore_mem>>) src(%dma_wait3A_15 : memref<10240xi32, #tpu.memory_space<hbm>>) dst(%arg5 : memref<10240xi32, #tpu.memory_space<vmem>>)
      tpu.yield
    }) : () -> ()
    "tpu.region"() ({
      %run_scoped3A = tpu.sem_alloc : memref<!tpu.dma_semaphore, #tpu.memory_space<semaphore_mem>>
      tpu.enqueue_dma source(%arg3 : memref<10112xf32, #tpu.memory_space<hbm>>) target(%arg6 : memref<10112xf32, #tpu.memory_space<vmem>>) target_semaphore(%run_scoped3A : memref<!tpu.dma_semaphore, #tpu.memory_space<semaphore_mem>>)
      tpu.wait_dma2 semaphore(%run_scoped3A : memref<!tpu.dma_semaphore, #tpu.memory_space<semaphore_mem>>) src(%arg3 : memref<10112xf32, #tpu.memory_space<hbm>>) dst(%arg6 : memref<10112xf32, #tpu.memory_space<vmem>>)
      tpu.yield
    }) : () -> ()
    %broadcast_in_dim3A = arith.constant 1.000000e+00 : f32
    %broadcast_in_dim3A_1 = vector.broadcast %broadcast_in_dim3A : f32 to vector<16xf32>
    %scan3A = arith.constant 0 : i32
    %scan3A_2 = arith.constant 640 : i32
    %scan3A_3 = arith.addi %scan3A, %scan3A_2 : i32
    %scan3A_4 = arith.constant 1 : i32
    scf.for %scan3A_6 = %scan3A to %scan3A_3 step %scan3A_4  : i32 {
      %mul3A_7 = arith.constant 16 : i32
      %mul3A_8 = arith.muli %scan3A_6, %mul3A_7 : i32
      %add3A_9 = arith.constant 0 : i32
      %add3A_10 = arith.addi %add3A_9, %mul3A_8 : i32
      %get3A = arith.index_cast %add3A_10 : i32 to index
      %get3A_11 = tpu.vector_load %arg5[%get3A] {strides = array<i32>} : memref<10240xi32, #tpu.memory_space<vmem>>, vector<16xi32>,
      tpu.vector_store_idx %arg6[%get3A_11], %broadcast_in_dim3A_1 {add = true} : memref<10112xf32, #tpu.memory_space<vmem>>[vector<16xi32>], vector<16xf32>,
    }
    %scan3A_5 = arith.constant 640 : i32
    "tpu.region"() ({
      %run_scoped3A = tpu.sem_alloc : memref<!tpu.dma_semaphore, #tpu.memory_space<semaphore_mem>>
      %dma_start3A = arith.constant 0 : i32
      %dma_start3A_6 = tpu.memref_slice %arg4[%add3A, %dma_start3A] : memref<32x10112xf32, #tpu.memory_space<hbm>> -> memref<1x10112xf32, #tpu.memory_space<hbm>>
      %dma_start3A_7 = tpu.memref_squeeze %dma_start3A_6 : memref<1x10112xf32, #tpu.memory_space<hbm>> -> memref<10112xf32, #tpu.memory_space<hbm>>
      %dma_start3A_8 = arith.constant 0 : i32
      %dma_start3A_9 = tpu.memref_slice %arg4[%add3A, %dma_start3A_8] : memref<32x10112xf32, #tpu.memory_space<hbm>> -> memref<1x10112xf32, #tpu.memory_space<hbm>>
      %dma_start3A_10 = tpu.memref_squeeze %dma_start3A_9 : memref<1x10112xf32, #tpu.memory_space<hbm>> -> memref<10112xf32, #tpu.memory_space<hbm>>
      tpu.enqueue_dma source(%arg6 : memref<10112xf32, #tpu.memory_space<vmem>>) target(%dma_start3A_10 : memref<10112xf32, #tpu.memory_space<hbm>>) target_semaphore(%run_scoped3A : memref<!tpu.dma_semaphore, #tpu.memory_space<semaphore_mem>>)
      %dma_wait3A = arith.constant 0 : i32
      %dma_wait3A_11 = tpu.memref_slice %arg4[%add3A, %dma_wait3A] : memref<32x10112xf32, #tpu.memory_space<hbm>> -> memref<1x10112xf32, #tpu.memory_space<hbm>>
      %dma_wait3A_12 = tpu.memref_squeeze %dma_wait3A_11 : memref<1x10112xf32, #tpu.memory_space<hbm>> -> memref<10112xf32, #tpu.memory_space<hbm>>
      %dma_wait3A_13 = arith.constant 0 : i32
      %dma_wait3A_14 = tpu.memref_slice %arg4[%add3A, %dma_wait3A_13] : memref<32x10112xf32, #tpu.memory_space<hbm>> -> memref<1x10112xf32, #tpu.memory_space<hbm>>
      %dma_wait3A_15 = tpu.memref_squeeze %dma_wait3A_14 : memref<1x10112xf32, #tpu.memory_space<hbm>> -> memref<10112xf32, #tpu.memory_space<hbm>>
      tpu.wait_dma2 semaphore(%run_scoped3A : memref<!tpu.dma_semaphore, #tpu.memory_space<semaphore_mem>>) src(%arg6 : memref<10112xf32, #tpu.memory_space<vmem>>) dst(%dma_wait3A_15 : memref<10112xf32, #tpu.memory_space<hbm>>)
      tpu.yield
    }) : () -> ()
    return
  }
}

#map = affine_map<(d0, d1) -> (0, 0)>
#map1 = affine_map<(d0, d1) -> (0, 0, 0, 0)>
#map2 = affine_map<(d0, d1) -> (0, 0, 0)>
module attributes {stable_mosaic.version = 14 : i64} {
  func.func @_sc_agg_body(%arg0: i32, %arg1: i32, %arg2: memref<10000x128xf32, #tpu.memory_space<hbm>>, %arg3: memref<32x80x2x128xi32, #tpu.memory_space<hbm>>, %arg4: memref<10112x128xf32, #tpu.memory_space<hbm>>, %arg5: memref<2x10112x128xf32, #tpu.memory_space<hbm>>, %arg6: memref<4x2x128xi32, #tpu.memory_space<vmem>>, %arg7: memref<2x128x128xf32, #tpu.memory_space<vmem>>, %arg8: memref<10112x128xf32, #tpu.memory_space<vmem_shared>>, %arg9: memref<!tpu.dma_semaphore, #tpu.memory_space<semaphore_mem>>, %arg10: memref<!tpu.dma_semaphore, #tpu.memory_space<semaphore_mem>>, %arg11: memref<!tpu.dma_semaphore, #tpu.memory_space<semaphore_mem>>, %arg12: memref<!tpu.dma_semaphore, #tpu.memory_space<semaphore_mem>>, %arg13: memref<!tpu.dma_semaphore, #tpu.memory_space<semaphore_mem>>, %arg14: memref<!tpu.dma_semaphore, #tpu.memory_space<semaphore_mem>>) attributes {dimension_semantics = [#tpu.dimension_semantics<core_parallel>, #tpu.dimension_semantics<subcore_parallel>], iteration_bounds = array<i64: 2, 16>, scalar_prefetch = 0 : i64, scratch_operands = 9 : i64, tpu.core_type = #tpu.core_type<sc_vector_subcore>, window_params = [{transform_indices = #map}, {transform_indices = #map1}, {transform_indices = #map}, {transform_indices = #map2}]} {
    %mul3A = arith.constant 16 : i32
    %mul3A_0 = arith.muli %arg0, %mul3A : i32
    %add3A = arith.addi %mul3A_0, %arg1 : i32
    %mul3A_1 = arith.constant 632 : i32
    %mul3A_2 = arith.muli %arg1, %mul3A_1 : i32
    %multiple_of3A = tpu.assume_multiple %mul3A_2, 8 : i32
    "tpu.region"() ({
      %run_scoped3A_289 = tpu.sem_alloc : memref<!tpu.dma_semaphore, #tpu.memory_space<semaphore_mem>>
      %dma_start3A_290 = arith.constant 0 : i32
      %dma_start3A_291 = tpu.memref_slice %arg8[%multiple_of3A, %dma_start3A_290] : memref<10112x128xf32, #tpu.memory_space<vmem_shared>> -> memref<632x128xf32, #tpu.memory_space<vmem_shared>>
      %dma_start3A_292 = arith.constant 0 : i32
      %dma_start3A_293 = tpu.memref_slice %arg4[%multiple_of3A, %dma_start3A_292] : memref<10112x128xf32, #tpu.memory_space<hbm>> -> memref<632x128xf32, #tpu.memory_space<hbm>>
      tpu.enqueue_dma source(%dma_start3A_293 : memref<632x128xf32, #tpu.memory_space<hbm>>) target(%dma_start3A_291 : memref<632x128xf32, #tpu.memory_space<vmem_shared>>) target_semaphore(%run_scoped3A_289 : memref<!tpu.dma_semaphore, #tpu.memory_space<semaphore_mem>>)
      %dma_wait3A_294 = arith.constant 0 : i32
      %dma_wait3A_295 = tpu.memref_slice %arg8[%multiple_of3A, %dma_wait3A_294] : memref<10112x128xf32, #tpu.memory_space<vmem_shared>> -> memref<632x128xf32, #tpu.memory_space<vmem_shared>>
      %dma_wait3A_296 = arith.constant 0 : i32
      %dma_wait3A_297 = tpu.memref_slice %arg4[%multiple_of3A, %dma_wait3A_296] : memref<10112x128xf32, #tpu.memory_space<hbm>> -> memref<632x128xf32, #tpu.memory_space<hbm>>
      tpu.wait_dma2 semaphore(%run_scoped3A_289 : memref<!tpu.dma_semaphore, #tpu.memory_space<semaphore_mem>>) src(%dma_wait3A_297 : memref<632x128xf32, #tpu.memory_space<hbm>>) dst(%dma_wait3A_295 : memref<632x128xf32, #tpu.memory_space<vmem_shared>>)
      tpu.yield
    }) : () -> ()
    %barrier3A = arith.constant 0 : index
    tpu.barrier barrier_id(%barrier3A)
    %run_scoped3A = arith.constant 0 : i32
    %run_scoped3A_3 = arith.constant 0 : i32
    "tpu.region"() ({
      %run_scoped3A_289 = tpu.sem_alloc : memref<!tpu.dma_semaphore, #tpu.memory_space<semaphore_mem>>
      %dma_start3A_290 = arith.constant 0 : i32
      %dma_start3A_291 = arith.constant 0 : i32
      %dma_start3A_292 = tpu.memref_slice %arg6[%run_scoped3A_3, %dma_start3A_290, %dma_start3A_291] : memref<4x2x128xi32, #tpu.memory_space<vmem>> -> memref<1x2x128xi32, #tpu.memory_space<vmem>>
      %dma_start3A_293 = tpu.memref_squeeze %dma_start3A_292 : memref<1x2x128xi32, #tpu.memory_space<vmem>> -> memref<2x128xi32, #tpu.memory_space<vmem>>
      %dma_start3A_294 = arith.constant 0 : i32
      %dma_start3A_295 = arith.constant 0 : i32
      %dma_start3A_296 = tpu.memref_slice %arg3[%add3A, %run_scoped3A, %dma_start3A_294, %dma_start3A_295] : memref<32x80x2x128xi32, #tpu.memory_space<hbm>> -> memref<1x1x2x128xi32, #tpu.memory_space<hbm>>
      %dma_start3A_297 = tpu.memref_squeeze %dma_start3A_296 : memref<1x1x2x128xi32, #tpu.memory_space<hbm>> -> memref<2x128xi32, #tpu.memory_space<hbm>>
      %dma_start3A_298 = arith.constant 0 : i32
      %dma_start3A_299 = arith.constant 0 : i32
      %dma_start3A_300 = tpu.memref_slice %arg6[%run_scoped3A_3, %dma_start3A_298, %dma_start3A_299] : memref<4x2x128xi32, #tpu.memory_space<vmem>> -> memref<1x2x128xi32, #tpu.memory_space<vmem>>
      %dma_start3A_301 = tpu.memref_squeeze %dma_start3A_300 : memref<1x2x128xi32, #tpu.memory_space<vmem>> -> memref<2x128xi32, #tpu.memory_space<vmem>>
      %dma_start3A_302 = arith.constant 0 : i32
      %dma_start3A_303 = arith.constant 0 : i32
      %dma_start3A_304 = tpu.memref_slice %arg3[%add3A, %run_scoped3A, %dma_start3A_302, %dma_start3A_303] : memref<32x80x2x128xi32, #tpu.memory_space<hbm>> -> memref<1x1x2x128xi32, #tpu.memory_space<hbm>>
      %dma_start3A_305 = tpu.memref_squeeze %dma_start3A_304 : memref<1x1x2x128xi32, #tpu.memory_space<hbm>> -> memref<2x128xi32, #tpu.memory_space<hbm>>
      tpu.enqueue_dma source(%dma_start3A_305 : memref<2x128xi32, #tpu.memory_space<hbm>>) target(%dma_start3A_301 : memref<2x128xi32, #tpu.memory_space<vmem>>) target_semaphore(%run_scoped3A_289 : memref<!tpu.dma_semaphore, #tpu.memory_space<semaphore_mem>>)
      %dma_wait3A_306 = arith.constant 0 : i32
      %dma_wait3A_307 = arith.constant 0 : i32
      %dma_wait3A_308 = tpu.memref_slice %arg6[%run_scoped3A_3, %dma_wait3A_306, %dma_wait3A_307] : memref<4x2x128xi32, #tpu.memory_space<vmem>> -> memref<1x2x128xi32, #tpu.memory_space<vmem>>
      %dma_wait3A_309 = tpu.memref_squeeze %dma_wait3A_308 : memref<1x2x128xi32, #tpu.memory_space<vmem>> -> memref<2x128xi32, #tpu.memory_space<vmem>>
      %dma_wait3A_310 = arith.constant 0 : i32
      %dma_wait3A_311 = arith.constant 0 : i32
      %dma_wait3A_312 = tpu.memref_slice %arg3[%add3A, %run_scoped3A, %dma_wait3A_310, %dma_wait3A_311] : memref<32x80x2x128xi32, #tpu.memory_space<hbm>> -> memref<1x1x2x128xi32, #tpu.memory_space<hbm>>
      %dma_wait3A_313 = tpu.memref_squeeze %dma_wait3A_312 : memref<1x1x2x128xi32, #tpu.memory_space<hbm>> -> memref<2x128xi32, #tpu.memory_space<hbm>>
      %dma_wait3A_314 = arith.constant 0 : i32
      %dma_wait3A_315 = arith.constant 0 : i32
      %dma_wait3A_316 = tpu.memref_slice %arg6[%run_scoped3A_3, %dma_wait3A_314, %dma_wait3A_315] : memref<4x2x128xi32, #tpu.memory_space<vmem>> -> memref<1x2x128xi32, #tpu.memory_space<vmem>>
      %dma_wait3A_317 = tpu.memref_squeeze %dma_wait3A_316 : memref<1x2x128xi32, #tpu.memory_space<vmem>> -> memref<2x128xi32, #tpu.memory_space<vmem>>
      %dma_wait3A_318 = arith.constant 0 : i32
      %dma_wait3A_319 = arith.constant 0 : i32
      %dma_wait3A_320 = tpu.memref_slice %arg3[%add3A, %run_scoped3A, %dma_wait3A_318, %dma_wait3A_319] : memref<32x80x2x128xi32, #tpu.memory_space<hbm>> -> memref<1x1x2x128xi32, #tpu.memory_space<hbm>>
      %dma_wait3A_321 = tpu.memref_squeeze %dma_wait3A_320 : memref<1x1x2x128xi32, #tpu.memory_space<hbm>> -> memref<2x128xi32, #tpu.memory_space<hbm>>
      tpu.wait_dma2 semaphore(%run_scoped3A_289 : memref<!tpu.dma_semaphore, #tpu.memory_space<semaphore_mem>>) src(%dma_wait3A_321 : memref<2x128xi32, #tpu.memory_space<hbm>>) dst(%dma_wait3A_317 : memref<2x128xi32, #tpu.memory_space<vmem>>)
      tpu.yield
    }) : () -> ()
    %dma_start3A = arith.constant 0 : i32
    %dma_start3A_4 = arith.constant 0 : i32
    %dma_start3A_5 = arith.constant 0 : i32
    %dma_start3A_6 = arith.constant 0 : i32
    %dma_start3A_7 = arith.constant 0 : i32
    %dma_start3A_8 = tpu.memref_slice %arg7[%dma_start3A_5, %dma_start3A_6, %dma_start3A_7] : memref<2x128x128xf32, #tpu.memory_space<vmem>> -> memref<1x128x128xf32, #tpu.memory_space<vmem>>
    %dma_start3A_9 = tpu.memref_squeeze %dma_start3A_8 : memref<1x128x128xf32, #tpu.memory_space<vmem>> -> memref<128x128xf32, #tpu.memory_space<vmem>>
    %dma_start3A_10 = arith.constant 0 : i32
    %dma_start3A_11 = tpu.memref_slice %arg6[%dma_start3A, %dma_start3A_4, %dma_start3A_10] : memref<4x2x128xi32, #tpu.memory_space<vmem>> -> memref<1x1x128xi32, #tpu.memory_space<vmem>>
    %dma_start3A_12 = tpu.memref_squeeze %dma_start3A_11 : memref<1x1x128xi32, #tpu.memory_space<vmem>> -> memref<128xi32, #tpu.memory_space<vmem>>
    %dma_start3A_13 = arith.constant 0 : i32
    %dma_start3A_14 = arith.constant 0 : i32
    %dma_start3A_15 = tpu.memref_slice %arg2[%dma_start3A_13, %dma_start3A_14] : memref<10000x128xf32, #tpu.memory_space<hbm>> -> memref<10000x128xf32, #tpu.memory_space<hbm>>
    tpu.enqueue_indirect_dma source(%dma_start3A_15 : memref<10000x128xf32, #tpu.memory_space<hbm>>) target(%dma_start3A_9 : memref<128x128xf32, #tpu.memory_space<vmem>>) offsets(%dma_start3A_12 : memref<128xi32, #tpu.memory_space<vmem>>) semaphore(%arg9 : memref<!tpu.dma_semaphore, #tpu.memory_space<semaphore_mem>>)
    %run_scoped3A_16 = arith.constant 1 : i32
    %run_scoped3A_17 = arith.constant 1 : i32
    "tpu.region"() ({
      %run_scoped3A_289 = tpu.sem_alloc : memref<!tpu.dma_semaphore, #tpu.memory_space<semaphore_mem>>
      %dma_start3A_290 = arith.constant 0 : i32
      %dma_start3A_291 = arith.constant 0 : i32
      %dma_start3A_292 = tpu.memref_slice %arg6[%run_scoped3A_17, %dma_start3A_290, %dma_start3A_291] : memref<4x2x128xi32, #tpu.memory_space<vmem>> -> memref<1x2x128xi32, #tpu.memory_space<vmem>>
      %dma_start3A_293 = tpu.memref_squeeze %dma_start3A_292 : memref<1x2x128xi32, #tpu.memory_space<vmem>> -> memref<2x128xi32, #tpu.memory_space<vmem>>
      %dma_start3A_294 = arith.constant 0 : i32
      %dma_start3A_295 = arith.constant 0 : i32
      %dma_start3A_296 = tpu.memref_slice %arg3[%add3A, %run_scoped3A_16, %dma_start3A_294, %dma_start3A_295] : memref<32x80x2x128xi32, #tpu.memory_space<hbm>> -> memref<1x1x2x128xi32, #tpu.memory_space<hbm>>
      %dma_start3A_297 = tpu.memref_squeeze %dma_start3A_296 : memref<1x1x2x128xi32, #tpu.memory_space<hbm>> -> memref<2x128xi32, #tpu.memory_space<hbm>>
      %dma_start3A_298 = arith.constant 0 : i32
      %dma_start3A_299 = arith.constant 0 : i32
      %dma_start3A_300 = tpu.memref_slice %arg6[%run_scoped3A_17, %dma_start3A_298, %dma_start3A_299] : memref<4x2x128xi32, #tpu.memory_space<vmem>> -> memref<1x2x128xi32, #tpu.memory_space<vmem>>
      %dma_start3A_301 = tpu.memref_squeeze %dma_start3A_300 : memref<1x2x128xi32, #tpu.memory_space<vmem>> -> memref<2x128xi32, #tpu.memory_space<vmem>>
      %dma_start3A_302 = arith.constant 0 : i32
      %dma_start3A_303 = arith.constant 0 : i32
      %dma_start3A_304 = tpu.memref_slice %arg3[%add3A, %run_scoped3A_16, %dma_start3A_302, %dma_start3A_303] : memref<32x80x2x128xi32, #tpu.memory_space<hbm>> -> memref<1x1x2x128xi32, #tpu.memory_space<hbm>>
      %dma_start3A_305 = tpu.memref_squeeze %dma_start3A_304 : memref<1x1x2x128xi32, #tpu.memory_space<hbm>> -> memref<2x128xi32, #tpu.memory_space<hbm>>
      tpu.enqueue_dma source(%dma_start3A_305 : memref<2x128xi32, #tpu.memory_space<hbm>>) target(%dma_start3A_301 : memref<2x128xi32, #tpu.memory_space<vmem>>) target_semaphore(%run_scoped3A_289 : memref<!tpu.dma_semaphore, #tpu.memory_space<semaphore_mem>>)
      %dma_wait3A_306 = arith.constant 0 : i32
      %dma_wait3A_307 = arith.constant 0 : i32
      %dma_wait3A_308 = tpu.memref_slice %arg6[%run_scoped3A_17, %dma_wait3A_306, %dma_wait3A_307] : memref<4x2x128xi32, #tpu.memory_space<vmem>> -> memref<1x2x128xi32, #tpu.memory_space<vmem>>
      %dma_wait3A_309 = tpu.memref_squeeze %dma_wait3A_308 : memref<1x2x128xi32, #tpu.memory_space<vmem>> -> memref<2x128xi32, #tpu.memory_space<vmem>>
      %dma_wait3A_310 = arith.constant 0 : i32
      %dma_wait3A_311 = arith.constant 0 : i32
      %dma_wait3A_312 = tpu.memref_slice %arg3[%add3A, %run_scoped3A_16, %dma_wait3A_310, %dma_wait3A_311] : memref<32x80x2x128xi32, #tpu.memory_space<hbm>> -> memref<1x1x2x128xi32, #tpu.memory_space<hbm>>
      %dma_wait3A_313 = tpu.memref_squeeze %dma_wait3A_312 : memref<1x1x2x128xi32, #tpu.memory_space<hbm>> -> memref<2x128xi32, #tpu.memory_space<hbm>>
      %dma_wait3A_314 = arith.constant 0 : i32
      %dma_wait3A_315 = arith.constant 0 : i32
      %dma_wait3A_316 = tpu.memref_slice %arg6[%run_scoped3A_17, %dma_wait3A_314, %dma_wait3A_315] : memref<4x2x128xi32, #tpu.memory_space<vmem>> -> memref<1x2x128xi32, #tpu.memory_space<vmem>>
      %dma_wait3A_317 = tpu.memref_squeeze %dma_wait3A_316 : memref<1x2x128xi32, #tpu.memory_space<vmem>> -> memref<2x128xi32, #tpu.memory_space<vmem>>
      %dma_wait3A_318 = arith.constant 0 : i32
      %dma_wait3A_319 = arith.constant 0 : i32
      %dma_wait3A_320 = tpu.memref_slice %arg3[%add3A, %run_scoped3A_16, %dma_wait3A_318, %dma_wait3A_319] : memref<32x80x2x128xi32, #tpu.memory_space<hbm>> -> memref<1x1x2x128xi32, #tpu.memory_space<hbm>>
      %dma_wait3A_321 = tpu.memref_squeeze %dma_wait3A_320 : memref<1x1x2x128xi32, #tpu.memory_space<hbm>> -> memref<2x128xi32, #tpu.memory_space<hbm>>
      tpu.wait_dma2 semaphore(%run_scoped3A_289 : memref<!tpu.dma_semaphore, #tpu.memory_space<semaphore_mem>>) src(%dma_wait3A_321 : memref<2x128xi32, #tpu.memory_space<hbm>>) dst(%dma_wait3A_317 : memref<2x128xi32, #tpu.memory_space<vmem>>)
      tpu.yield
    }) : () -> ()
    %dma_start3A_18 = arith.constant 1 : i32
    %dma_start3A_19 = arith.constant 0 : i32
    %dma_start3A_20 = arith.constant 1 : i32
    %dma_start3A_21 = arith.constant 0 : i32
    %dma_start3A_22 = arith.constant 0 : i32
    %dma_start3A_23 = tpu.memref_slice %arg7[%dma_start3A_20, %dma_start3A_21, %dma_start3A_22] : memref<2x128x128xf32, #tpu.memory_space<vmem>> -> memref<1x128x128xf32, #tpu.memory_space<vmem>>
    %dma_start3A_24 = tpu.memref_squeeze %dma_start3A_23 : memref<1x128x128xf32, #tpu.memory_space<vmem>> -> memref<128x128xf32, #tpu.memory_space<vmem>>
    %dma_start3A_25 = arith.constant 0 : i32
    %dma_start3A_26 = tpu.memref_slice %arg6[%dma_start3A_18, %dma_start3A_19, %dma_start3A_25] : memref<4x2x128xi32, #tpu.memory_space<vmem>> -> memref<1x1x128xi32, #tpu.memory_space<vmem>>
    %dma_start3A_27 = tpu.memref_squeeze %dma_start3A_26 : memref<1x1x128xi32, #tpu.memory_space<vmem>> -> memref<128xi32, #tpu.memory_space<vmem>>
    %dma_start3A_28 = arith.constant 0 : i32
    %dma_start3A_29 = arith.constant 0 : i32
    %dma_start3A_30 = tpu.memref_slice %arg2[%dma_start3A_28, %dma_start3A_29] : memref<10000x128xf32, #tpu.memory_space<hbm>> -> memref<10000x128xf32, #tpu.memory_space<hbm>>
    tpu.enqueue_indirect_dma source(%dma_start3A_30 : memref<10000x128xf32, #tpu.memory_space<hbm>>) target(%dma_start3A_24 : memref<128x128xf32, #tpu.memory_space<vmem>>) offsets(%dma_start3A_27 : memref<128xi32, #tpu.memory_space<vmem>>) semaphore(%arg10 : memref<!tpu.dma_semaphore, #tpu.memory_space<semaphore_mem>>)
    %scan3A = arith.constant 0 : i32
    %scan3A_31 = arith.constant 19 : i32
    %scan3A_32 = arith.addi %scan3A, %scan3A_31 : i32
    %scan3A_33 = arith.constant 1 : i32
    scf.for %scan3A_289 = %scan3A to %scan3A_32 step %scan3A_33  : i32 {
      %mul3A_290 = arith.constant 1 : i32
      %mul3A_291 = arith.muli %scan3A_289, %mul3A_290 : i32
      %add3A_292 = arith.constant 0 : i32
      %add3A_293 = arith.addi %add3A_292, %mul3A_291 : i32
      %mul3A_294 = arith.constant 4 : i32
      %mul3A_295 = arith.muli %add3A_293, %mul3A_294 : i32
      %add3A_296 = arith.constant 0 : i32
      %add3A_297 = arith.addi %mul3A_295, %add3A_296 : i32
      %dma_wait3A_298 = arith.constant 0 : i32
      %dma_wait3A_299 = arith.constant 0 : i32
      %dma_wait3A_300 = arith.constant 0 : i32
      %dma_wait3A_301 = arith.constant 0 : i32
      %dma_wait3A_302 = arith.constant 0 : i32
      %dma_wait3A_303 = tpu.memref_slice %arg7[%dma_wait3A_300, %dma_wait3A_301, %dma_wait3A_302] : memref<2x128x128xf32, #tpu.memory_space<vmem>> -> memref<1x128x128xf32, #tpu.memory_space<vmem>>
      %dma_wait3A_304 = tpu.memref_squeeze %dma_wait3A_303 : memref<1x128x128xf32, #tpu.memory_space<vmem>> -> memref<128x128xf32, #tpu.memory_space<vmem>>
      %dma_wait3A_305 = arith.constant 0 : i32
      %dma_wait3A_306 = tpu.memref_slice %arg6[%dma_wait3A_298, %dma_wait3A_299, %dma_wait3A_305] : memref<4x2x128xi32, #tpu.memory_space<vmem>> -> memref<1x1x128xi32, #tpu.memory_space<vmem>>
      %dma_wait3A_307 = tpu.memref_squeeze %dma_wait3A_306 : memref<1x1x128xi32, #tpu.memory_space<vmem>> -> memref<128xi32, #tpu.memory_space<vmem>>
      %dma_wait3A_308 = arith.constant 0 : i32
      %dma_wait3A_309 = arith.constant 0 : i32
      %dma_wait3A_310 = tpu.memref_slice %arg2[%dma_wait3A_308, %dma_wait3A_309] : memref<10000x128xf32, #tpu.memory_space<hbm>> -> memref<10000x128xf32, #tpu.memory_space<hbm>>
      tpu.wait_indirect_dma semaphore(%arg9 : memref<!tpu.dma_semaphore, #tpu.memory_space<semaphore_mem>>) src(%dma_wait3A_310 : memref<10000x128xf32, #tpu.memory_space<hbm>>) dst(%dma_wait3A_304 : memref<128x128xf32, #tpu.memory_space<vmem>>)
      %add3A_311 = arith.constant 2 : i32
      %add3A_312 = arith.addi %add3A_297, %add3A_311 : i32
      %dma_start3A_313 = arith.constant 2 : i32
      %dma_start3A_314 = arith.constant 0 : i32
      %dma_start3A_315 = arith.constant 0 : i32
      %dma_start3A_316 = tpu.memref_slice %arg6[%dma_start3A_313, %dma_start3A_314, %dma_start3A_315] : memref<4x2x128xi32, #tpu.memory_space<vmem>> -> memref<1x2x128xi32, #tpu.memory_space<vmem>>
      %dma_start3A_317 = tpu.memref_squeeze %dma_start3A_316 : memref<1x2x128xi32, #tpu.memory_space<vmem>> -> memref<2x128xi32, #tpu.memory_space<vmem>>
      %dma_start3A_318 = arith.constant 0 : i32
      %dma_start3A_319 = arith.constant 0 : i32
      %dma_start3A_320 = tpu.memref_slice %arg3[%add3A, %add3A_312, %dma_start3A_318, %dma_start3A_319] : memref<32x80x2x128xi32, #tpu.memory_space<hbm>> -> memref<1x1x2x128xi32, #tpu.memory_space<hbm>>
      %dma_start3A_321 = tpu.memref_squeeze %dma_start3A_320 : memref<1x1x2x128xi32, #tpu.memory_space<hbm>> -> memref<2x128xi32, #tpu.memory_space<hbm>>
      %dma_start3A_322 = arith.constant 0 : i32
      %dma_start3A_323 = arith.constant 0 : i32
      %dma_start3A_324 = tpu.memref_slice %arg6[%dma_start3A_313, %dma_start3A_322, %dma_start3A_323] : memref<4x2x128xi32, #tpu.memory_space<vmem>> -> memref<1x2x128xi32, #tpu.memory_space<vmem>>
      %dma_start3A_325 = tpu.memref_squeeze %dma_start3A_324 : memref<1x2x128xi32, #tpu.memory_space<vmem>> -> memref<2x128xi32, #tpu.memory_space<vmem>>
      %dma_start3A_326 = arith.constant 0 : i32
      %dma_start3A_327 = arith.constant 0 : i32
      %dma_start3A_328 = tpu.memref_slice %arg3[%add3A, %add3A_312, %dma_start3A_326, %dma_start3A_327] : memref<32x80x2x128xi32, #tpu.memory_space<hbm>> -> memref<1x1x2x128xi32, #tpu.memory_space<hbm>>
      %dma_start3A_329 = tpu.memref_squeeze %dma_start3A_328 : memref<1x1x2x128xi32, #tpu.memory_space<hbm>> -> memref<2x128xi32, #tpu.memory_space<hbm>>
      tpu.enqueue_dma source(%dma_start3A_329 : memref<2x128xi32, #tpu.memory_space<hbm>>) target(%dma_start3A_325 : memref<2x128xi32, #tpu.memory_space<vmem>>) target_semaphore(%arg11 : memref<!tpu.dma_semaphore, #tpu.memory_space<semaphore_mem>>)
      %dma_start3A_330 = arith.constant 0 : i32
      %dma_start3A_331 = arith.constant 0 : i32
      %dma_start3A_332 = arith.constant 1 : i32
      %dma_start3A_333 = arith.constant 0 : i32
      %dma_start3A_334 = arith.constant 0 : i32
      %dma_start3A_335 = tpu.memref_slice %arg7[%dma_start3A_330, %dma_start3A_333, %dma_start3A_334] : memref<2x128x128xf32, #tpu.memory_space<vmem>> -> memref<1x128x128xf32, #tpu.memory_space<vmem>>
      %dma_start3A_336 = tpu.memref_squeeze %dma_start3A_335 : memref<1x128x128xf32, #tpu.memory_space<vmem>> -> memref<128x128xf32, #tpu.memory_space<vmem>>
      %dma_start3A_337 = arith.constant 0 : i32
      %dma_start3A_338 = tpu.memref_slice %arg6[%dma_start3A_331, %dma_start3A_332, %dma_start3A_337] : memref<4x2x128xi32, #tpu.memory_space<vmem>> -> memref<1x1x128xi32, #tpu.memory_space<vmem>>
      %dma_start3A_339 = tpu.memref_squeeze %dma_start3A_338 : memref<1x1x128xi32, #tpu.memory_space<vmem>> -> memref<128xi32, #tpu.memory_space<vmem>>
      %dma_start3A_340 = arith.constant 0 : i32
      %dma_start3A_341 = arith.constant 0 : i32
      %dma_start3A_342 = tpu.memref_slice %arg8[%dma_start3A_340, %dma_start3A_341] : memref<10112x128xf32, #tpu.memory_space<vmem_shared>> -> memref<10112x128xf32, #tpu.memory_space<vmem_shared>>
      tpu.enqueue_indirect_dma source(%dma_start3A_336 : memref<128x128xf32, #tpu.memory_space<vmem>>) target(%dma_start3A_342 : memref<10112x128xf32, #tpu.memory_space<vmem_shared>>) offsets(%dma_start3A_339 : memref<128xi32, #tpu.memory_space<vmem>>) semaphore(%arg13 : memref<!tpu.dma_semaphore, #tpu.memory_space<semaphore_mem>>) {add = true}
      %add3A_343 = arith.constant 2 : i32
      %add3A_344 = arith.addi %add3A_297, %add3A_343 : i32
      %dma_wait3A_345 = arith.constant 2 : i32
      %dma_wait3A_346 = arith.constant 0 : i32
      %dma_wait3A_347 = arith.constant 0 : i32
      %dma_wait3A_348 = tpu.memref_slice %arg6[%dma_wait3A_345, %dma_wait3A_346, %dma_wait3A_347] : memref<4x2x128xi32, #tpu.memory_space<vmem>> -> memref<1x2x128xi32, #tpu.memory_space<vmem>>
      %dma_wait3A_349 = tpu.memref_squeeze %dma_wait3A_348 : memref<1x2x128xi32, #tpu.memory_space<vmem>> -> memref<2x128xi32, #tpu.memory_space<vmem>>
      %dma_wait3A_350 = arith.constant 0 : i32
      %dma_wait3A_351 = arith.constant 0 : i32
      %dma_wait3A_352 = tpu.memref_slice %arg3[%add3A, %add3A_344, %dma_wait3A_350, %dma_wait3A_351] : memref<32x80x2x128xi32, #tpu.memory_space<hbm>> -> memref<1x1x2x128xi32, #tpu.memory_space<hbm>>
      %dma_wait3A_353 = tpu.memref_squeeze %dma_wait3A_352 : memref<1x1x2x128xi32, #tpu.memory_space<hbm>> -> memref<2x128xi32, #tpu.memory_space<hbm>>
      %dma_wait3A_354 = arith.constant 0 : i32
      %dma_wait3A_355 = arith.constant 0 : i32
      %dma_wait3A_356 = tpu.memref_slice %arg6[%dma_wait3A_345, %dma_wait3A_354, %dma_wait3A_355] : memref<4x2x128xi32, #tpu.memory_space<vmem>> -> memref<1x2x128xi32, #tpu.memory_space<vmem>>
      %dma_wait3A_357 = tpu.memref_squeeze %dma_wait3A_356 : memref<1x2x128xi32, #tpu.memory_space<vmem>> -> memref<2x128xi32, #tpu.memory_space<vmem>>
      %dma_wait3A_358 = arith.constant 0 : i32
      %dma_wait3A_359 = arith.constant 0 : i32
      %dma_wait3A_360 = tpu.memref_slice %arg3[%add3A, %add3A_344, %dma_wait3A_358, %dma_wait3A_359] : memref<32x80x2x128xi32, #tpu.memory_space<hbm>> -> memref<1x1x2x128xi32, #tpu.memory_space<hbm>>
      %dma_wait3A_361 = tpu.memref_squeeze %dma_wait3A_360 : memref<1x1x2x128xi32, #tpu.memory_space<hbm>> -> memref<2x128xi32, #tpu.memory_space<hbm>>
      tpu.wait_dma2 semaphore(%arg11 : memref<!tpu.dma_semaphore, #tpu.memory_space<semaphore_mem>>) src(%dma_wait3A_361 : memref<2x128xi32, #tpu.memory_space<hbm>>) dst(%dma_wait3A_357 : memref<2x128xi32, #tpu.memory_space<vmem>>)
      %dma_wait3A_362 = arith.constant 0 : i32
      %dma_wait3A_363 = arith.constant 0 : i32
      %dma_wait3A_364 = arith.constant 1 : i32
      %dma_wait3A_365 = arith.constant 0 : i32
      %dma_wait3A_366 = arith.constant 0 : i32
      %dma_wait3A_367 = tpu.memref_slice %arg7[%dma_wait3A_362, %dma_wait3A_365, %dma_wait3A_366] : memref<2x128x128xf32, #tpu.memory_space<vmem>> -> memref<1x128x128xf32, #tpu.memory_space<vmem>>
      %dma_wait3A_368 = tpu.memref_squeeze %dma_wait3A_367 : memref<1x128x128xf32, #tpu.memory_space<vmem>> -> memref<128x128xf32, #tpu.memory_space<vmem>>
      %dma_wait3A_369 = arith.constant 0 : i32
      %dma_wait3A_370 = tpu.memref_slice %arg6[%dma_wait3A_363, %dma_wait3A_364, %dma_wait3A_369] : memref<4x2x128xi32, #tpu.memory_space<vmem>> -> memref<1x1x128xi32, #tpu.memory_space<vmem>>
      %dma_wait3A_371 = tpu.memref_squeeze %dma_wait3A_370 : memref<1x1x128xi32, #tpu.memory_space<vmem>> -> memref<128xi32, #tpu.memory_space<vmem>>
      %dma_wait3A_372 = arith.constant 0 : i32
      %dma_wait3A_373 = arith.constant 0 : i32
      %dma_wait3A_374 = tpu.memref_slice %arg8[%dma_wait3A_372, %dma_wait3A_373] : memref<10112x128xf32, #tpu.memory_space<vmem_shared>> -> memref<10112x128xf32, #tpu.memory_space<vmem_shared>>
      tpu.wait_indirect_dma semaphore(%arg13 : memref<!tpu.dma_semaphore, #tpu.memory_space<semaphore_mem>>) src(%dma_wait3A_368 : memref<128x128xf32, #tpu.memory_space<vmem>>) dst(%dma_wait3A_374 : memref<10112x128xf32, #tpu.memory_space<vmem_shared>>)
      %dma_start3A_375 = arith.constant 2 : i32
      %dma_start3A_376 = arith.constant 0 : i32
      %dma_start3A_377 = arith.constant 0 : i32
      %dma_start3A_378 = arith.constant 0 : i32
      %dma_start3A_379 = arith.constant 0 : i32
      %dma_start3A_380 = tpu.memref_slice %arg7[%dma_start3A_377, %dma_start3A_378, %dma_start3A_379] : memref<2x128x128xf32, #tpu.memory_space<vmem>> -> memref<1x128x128xf32, #tpu.memory_space<vmem>>
      %dma_start3A_381 = tpu.memref_squeeze %dma_start3A_380 : memref<1x128x128xf32, #tpu.memory_space<vmem>> -> memref<128x128xf32, #tpu.memory_space<vmem>>
      %dma_start3A_382 = arith.constant 0 : i32
      %dma_start3A_383 = tpu.memref_slice %arg6[%dma_start3A_375, %dma_start3A_376, %dma_start3A_382] : memref<4x2x128xi32, #tpu.memory_space<vmem>> -> memref<1x1x128xi32, #tpu.memory_space<vmem>>
      %dma_start3A_384 = tpu.memref_squeeze %dma_start3A_383 : memref<1x1x128xi32, #tpu.memory_space<vmem>> -> memref<128xi32, #tpu.memory_space<vmem>>
      %dma_start3A_385 = arith.constant 0 : i32
      %dma_start3A_386 = arith.constant 0 : i32
      %dma_start3A_387 = tpu.memref_slice %arg2[%dma_start3A_385, %dma_start3A_386] : memref<10000x128xf32, #tpu.memory_space<hbm>> -> memref<10000x128xf32, #tpu.memory_space<hbm>>
      tpu.enqueue_indirect_dma source(%dma_start3A_387 : memref<10000x128xf32, #tpu.memory_space<hbm>>) target(%dma_start3A_381 : memref<128x128xf32, #tpu.memory_space<vmem>>) offsets(%dma_start3A_384 : memref<128xi32, #tpu.memory_space<vmem>>) semaphore(%arg9 : memref<!tpu.dma_semaphore, #tpu.memory_space<semaphore_mem>>)
      %mul3A_388 = arith.constant 4 : i32
      %mul3A_389 = arith.muli %add3A_293, %mul3A_388 : i32
      %add3A_390 = arith.constant 1 : i32
      %add3A_391 = arith.addi %mul3A_389, %add3A_390 : i32
      %dma_wait3A_392 = arith.constant 1 : i32
      %dma_wait3A_393 = arith.constant 0 : i32
      %dma_wait3A_394 = arith.constant 1 : i32
      %dma_wait3A_395 = arith.constant 0 : i32
      %dma_wait3A_396 = arith.constant 0 : i32
      %dma_wait3A_397 = tpu.memref_slice %arg7[%dma_wait3A_394, %dma_wait3A_395, %dma_wait3A_396] : memref<2x128x128xf32, #tpu.memory_space<vmem>> -> memref<1x128x128xf32, #tpu.memory_space<vmem>>
      %dma_wait3A_398 = tpu.memref_squeeze %dma_wait3A_397 : memref<1x128x128xf32, #tpu.memory_space<vmem>> -> memref<128x128xf32, #tpu.memory_space<vmem>>
      %dma_wait3A_399 = arith.constant 0 : i32
      %dma_wait3A_400 = tpu.memref_slice %arg6[%dma_wait3A_392, %dma_wait3A_393, %dma_wait3A_399] : memref<4x2x128xi32, #tpu.memory_space<vmem>> -> memref<1x1x128xi32, #tpu.memory_space<vmem>>
      %dma_wait3A_401 = tpu.memref_squeeze %dma_wait3A_400 : memref<1x1x128xi32, #tpu.memory_space<vmem>> -> memref<128xi32, #tpu.memory_space<vmem>>
      %dma_wait3A_402 = arith.constant 0 : i32
      %dma_wait3A_403 = arith.constant 0 : i32
      %dma_wait3A_404 = tpu.memref_slice %arg2[%dma_wait3A_402, %dma_wait3A_403] : memref<10000x128xf32, #tpu.memory_space<hbm>> -> memref<10000x128xf32, #tpu.memory_space<hbm>>
      tpu.wait_indirect_dma semaphore(%arg10 : memref<!tpu.dma_semaphore, #tpu.memory_space<semaphore_mem>>) src(%dma_wait3A_404 : memref<10000x128xf32, #tpu.memory_space<hbm>>) dst(%dma_wait3A_398 : memref<128x128xf32, #tpu.memory_space<vmem>>)
      %add3A_405 = arith.constant 2 : i32
      %add3A_406 = arith.addi %add3A_391, %add3A_405 : i32
      %dma_start3A_407 = arith.constant 3 : i32
      %dma_start3A_408 = arith.constant 0 : i32
      %dma_start3A_409 = arith.constant 0 : i32
      %dma_start3A_410 = tpu.memref_slice %arg6[%dma_start3A_407, %dma_start3A_408, %dma_start3A_409] : memref<4x2x128xi32, #tpu.memory_space<vmem>> -> memref<1x2x128xi32, #tpu.memory_space<vmem>>
      %dma_start3A_411 = tpu.memref_squeeze %dma_start3A_410 : memref<1x2x128xi32, #tpu.memory_space<vmem>> -> memref<2x128xi32, #tpu.memory_space<vmem>>
      %dma_start3A_412 = arith.constant 0 : i32
      %dma_start3A_413 = arith.constant 0 : i32
      %dma_start3A_414 = tpu.memref_slice %arg3[%add3A, %add3A_406, %dma_start3A_412, %dma_start3A_413] : memref<32x80x2x128xi32, #tpu.memory_space<hbm>> -> memref<1x1x2x128xi32, #tpu.memory_space<hbm>>
      %dma_start3A_415 = tpu.memref_squeeze %dma_start3A_414 : memref<1x1x2x128xi32, #tpu.memory_space<hbm>> -> memref<2x128xi32, #tpu.memory_space<hbm>>
      %dma_start3A_416 = arith.constant 0 : i32
      %dma_start3A_417 = arith.constant 0 : i32
      %dma_start3A_418 = tpu.memref_slice %arg6[%dma_start3A_407, %dma_start3A_416, %dma_start3A_417] : memref<4x2x128xi32, #tpu.memory_space<vmem>> -> memref<1x2x128xi32, #tpu.memory_space<vmem>>
      %dma_start3A_419 = tpu.memref_squeeze %dma_start3A_418 : memref<1x2x128xi32, #tpu.memory_space<vmem>> -> memref<2x128xi32, #tpu.memory_space<vmem>>
      %dma_start3A_420 = arith.constant 0 : i32
      %dma_start3A_421 = arith.constant 0 : i32
      %dma_start3A_422 = tpu.memref_slice %arg3[%add3A, %add3A_406, %dma_start3A_420, %dma_start3A_421] : memref<32x80x2x128xi32, #tpu.memory_space<hbm>> -> memref<1x1x2x128xi32, #tpu.memory_space<hbm>>
      %dma_start3A_423 = tpu.memref_squeeze %dma_start3A_422 : memref<1x1x2x128xi32, #tpu.memory_space<hbm>> -> memref<2x128xi32, #tpu.memory_space<hbm>>
      tpu.enqueue_dma source(%dma_start3A_423 : memref<2x128xi32, #tpu.memory_space<hbm>>) target(%dma_start3A_419 : memref<2x128xi32, #tpu.memory_space<vmem>>) target_semaphore(%arg12 : memref<!tpu.dma_semaphore, #tpu.memory_space<semaphore_mem>>)
      %dma_start3A_424 = arith.constant 1 : i32
      %dma_start3A_425 = arith.constant 1 : i32
      %dma_start3A_426 = arith.constant 1 : i32
      %dma_start3A_427 = arith.constant 0 : i32
      %dma_start3A_428 = arith.constant 0 : i32
      %dma_start3A_429 = tpu.memref_slice %arg7[%dma_start3A_424, %dma_start3A_427, %dma_start3A_428] : memref<2x128x128xf32, #tpu.memory_space<vmem>> -> memref<1x128x128xf32, #tpu.memory_space<vmem>>
      %dma_start3A_430 = tpu.memref_squeeze %dma_start3A_429 : memref<1x128x128xf32, #tpu.memory_space<vmem>> -> memref<128x128xf32, #tpu.memory_space<vmem>>
      %dma_start3A_431 = arith.constant 0 : i32
      %dma_start3A_432 = tpu.memref_slice %arg6[%dma_start3A_425, %dma_start3A_426, %dma_start3A_431] : memref<4x2x128xi32, #tpu.memory_space<vmem>> -> memref<1x1x128xi32, #tpu.memory_space<vmem>>
      %dma_start3A_433 = tpu.memref_squeeze %dma_start3A_432 : memref<1x1x128xi32, #tpu.memory_space<vmem>> -> memref<128xi32, #tpu.memory_space<vmem>>
      %dma_start3A_434 = arith.constant 0 : i32
      %dma_start3A_435 = arith.constant 0 : i32
      %dma_start3A_436 = tpu.memref_slice %arg8[%dma_start3A_434, %dma_start3A_435] : memref<10112x128xf32, #tpu.memory_space<vmem_shared>> -> memref<10112x128xf32, #tpu.memory_space<vmem_shared>>
      tpu.enqueue_indirect_dma source(%dma_start3A_430 : memref<128x128xf32, #tpu.memory_space<vmem>>) target(%dma_start3A_436 : memref<10112x128xf32, #tpu.memory_space<vmem_shared>>) offsets(%dma_start3A_433 : memref<128xi32, #tpu.memory_space<vmem>>) semaphore(%arg14 : memref<!tpu.dma_semaphore, #tpu.memory_space<semaphore_mem>>) {add = true}
      %add3A_437 = arith.constant 2 : i32
      %add3A_438 = arith.addi %add3A_391, %add3A_437 : i32
      %dma_wait3A_439 = arith.constant 3 : i32
      %dma_wait3A_440 = arith.constant 0 : i32
      %dma_wait3A_441 = arith.constant 0 : i32
      %dma_wait3A_442 = tpu.memref_slice %arg6[%dma_wait3A_439, %dma_wait3A_440, %dma_wait3A_441] : memref<4x2x128xi32, #tpu.memory_space<vmem>> -> memref<1x2x128xi32, #tpu.memory_space<vmem>>
      %dma_wait3A_443 = tpu.memref_squeeze %dma_wait3A_442 : memref<1x2x128xi32, #tpu.memory_space<vmem>> -> memref<2x128xi32, #tpu.memory_space<vmem>>
      %dma_wait3A_444 = arith.constant 0 : i32
      %dma_wait3A_445 = arith.constant 0 : i32
      %dma_wait3A_446 = tpu.memref_slice %arg3[%add3A, %add3A_438, %dma_wait3A_444, %dma_wait3A_445] : memref<32x80x2x128xi32, #tpu.memory_space<hbm>> -> memref<1x1x2x128xi32, #tpu.memory_space<hbm>>
      %dma_wait3A_447 = tpu.memref_squeeze %dma_wait3A_446 : memref<1x1x2x128xi32, #tpu.memory_space<hbm>> -> memref<2x128xi32, #tpu.memory_space<hbm>>
      %dma_wait3A_448 = arith.constant 0 : i32
      %dma_wait3A_449 = arith.constant 0 : i32
      %dma_wait3A_450 = tpu.memref_slice %arg6[%dma_wait3A_439, %dma_wait3A_448, %dma_wait3A_449] : memref<4x2x128xi32, #tpu.memory_space<vmem>> -> memref<1x2x128xi32, #tpu.memory_space<vmem>>
      %dma_wait3A_451 = tpu.memref_squeeze %dma_wait3A_450 : memref<1x2x128xi32, #tpu.memory_space<vmem>> -> memref<2x128xi32, #tpu.memory_space<vmem>>
      %dma_wait3A_452 = arith.constant 0 : i32
      %dma_wait3A_453 = arith.constant 0 : i32
      %dma_wait3A_454 = tpu.memref_slice %arg3[%add3A, %add3A_438, %dma_wait3A_452, %dma_wait3A_453] : memref<32x80x2x128xi32, #tpu.memory_space<hbm>> -> memref<1x1x2x128xi32, #tpu.memory_space<hbm>>
      %dma_wait3A_455 = tpu.memref_squeeze %dma_wait3A_454 : memref<1x1x2x128xi32, #tpu.memory_space<hbm>> -> memref<2x128xi32, #tpu.memory_space<hbm>>
      tpu.wait_dma2 semaphore(%arg12 : memref<!tpu.dma_semaphore, #tpu.memory_space<semaphore_mem>>) src(%dma_wait3A_455 : memref<2x128xi32, #tpu.memory_space<hbm>>) dst(%dma_wait3A_451 : memref<2x128xi32, #tpu.memory_space<vmem>>)
      %dma_wait3A_456 = arith.constant 1 : i32
      %dma_wait3A_457 = arith.constant 1 : i32
      %dma_wait3A_458 = arith.constant 1 : i32
      %dma_wait3A_459 = arith.constant 0 : i32
      %dma_wait3A_460 = arith.constant 0 : i32
      %dma_wait3A_461 = tpu.memref_slice %arg7[%dma_wait3A_456, %dma_wait3A_459, %dma_wait3A_460] : memref<2x128x128xf32, #tpu.memory_space<vmem>> -> memref<1x128x128xf32, #tpu.memory_space<vmem>>
      %dma_wait3A_462 = tpu.memref_squeeze %dma_wait3A_461 : memref<1x128x128xf32, #tpu.memory_space<vmem>> -> memref<128x128xf32, #tpu.memory_space<vmem>>
      %dma_wait3A_463 = arith.constant 0 : i32
      %dma_wait3A_464 = tpu.memref_slice %arg6[%dma_wait3A_457, %dma_wait3A_458, %dma_wait3A_463] : memref<4x2x128xi32, #tpu.memory_space<vmem>> -> memref<1x1x128xi32, #tpu.memory_space<vmem>>
      %dma_wait3A_465 = tpu.memref_squeeze %dma_wait3A_464 : memref<1x1x128xi32, #tpu.memory_space<vmem>> -> memref<128xi32, #tpu.memory_space<vmem>>
      %dma_wait3A_466 = arith.constant 0 : i32
      %dma_wait3A_467 = arith.constant 0 : i32
      %dma_wait3A_468 = tpu.memref_slice %arg8[%dma_wait3A_466, %dma_wait3A_467] : memref<10112x128xf32, #tpu.memory_space<vmem_shared>> -> memref<10112x128xf32, #tpu.memory_space<vmem_shared>>
      tpu.wait_indirect_dma semaphore(%arg14 : memref<!tpu.dma_semaphore, #tpu.memory_space<semaphore_mem>>) src(%dma_wait3A_462 : memref<128x128xf32, #tpu.memory_space<vmem>>) dst(%dma_wait3A_468 : memref<10112x128xf32, #tpu.memory_space<vmem_shared>>)
      %dma_start3A_469 = arith.constant 3 : i32
      %dma_start3A_470 = arith.constant 0 : i32
      %dma_start3A_471 = arith.constant 1 : i32
      %dma_start3A_472 = arith.constant 0 : i32
      %dma_start3A_473 = arith.constant 0 : i32
      %dma_start3A_474 = tpu.memref_slice %arg7[%dma_start3A_471, %dma_start3A_472, %dma_start3A_473] : memref<2x128x128xf32, #tpu.memory_space<vmem>> -> memref<1x128x128xf32, #tpu.memory_space<vmem>>
      %dma_start3A_475 = tpu.memref_squeeze %dma_start3A_474 : memref<1x128x128xf32, #tpu.memory_space<vmem>> -> memref<128x128xf32, #tpu.memory_space<vmem>>
      %dma_start3A_476 = arith.constant 0 : i32
      %dma_start3A_477 = tpu.memref_slice %arg6[%dma_start3A_469, %dma_start3A_470, %dma_start3A_476] : memref<4x2x128xi32, #tpu.memory_space<vmem>> -> memref<1x1x128xi32, #tpu.memory_space<vmem>>
      %dma_start3A_478 = tpu.memref_squeeze %dma_start3A_477 : memref<1x1x128xi32, #tpu.memory_space<vmem>> -> memref<128xi32, #tpu.memory_space<vmem>>
      %dma_start3A_479 = arith.constant 0 : i32
      %dma_start3A_480 = arith.constant 0 : i32
      %dma_start3A_481 = tpu.memref_slice %arg2[%dma_start3A_479, %dma_start3A_480] : memref<10000x128xf32, #tpu.memory_space<hbm>> -> memref<10000x128xf32, #tpu.memory_space<hbm>>
      tpu.enqueue_indirect_dma source(%dma_start3A_481 : memref<10000x128xf32, #tpu.memory_space<hbm>>) target(%dma_start3A_475 : memref<128x128xf32, #tpu.memory_space<vmem>>) offsets(%dma_start3A_478 : memref<128xi32, #tpu.memory_space<vmem>>) semaphore(%arg10 : memref<!tpu.dma_semaphore, #tpu.memory_space<semaphore_mem>>)
      %mul3A_482 = arith.constant 4 : i32
      %mul3A_483 = arith.muli %add3A_293, %mul3A_482 : i32
      %add3A_484 = arith.constant 2 : i32
      %add3A_485 = arith.addi %mul3A_483, %add3A_484 : i32
      %dma_wait3A_486 = arith.constant 2 : i32
      %dma_wait3A_487 = arith.constant 0 : i32
      %dma_wait3A_488 = arith.constant 0 : i32
      %dma_wait3A_489 = arith.constant 0 : i32
      %dma_wait3A_490 = arith.constant 0 : i32
      %dma_wait3A_491 = tpu.memref_slice %arg7[%dma_wait3A_488, %dma_wait3A_489, %dma_wait3A_490] : memref<2x128x128xf32, #tpu.memory_space<vmem>> -> memref<1x128x128xf32, #tpu.memory_space<vmem>>
      %dma_wait3A_492 = tpu.memref_squeeze %dma_wait3A_491 : memref<1x128x128xf32, #tpu.memory_space<vmem>> -> memref<128x128xf32, #tpu.memory_space<vmem>>
      %dma_wait3A_493 = arith.constant 0 : i32
      %dma_wait3A_494 = tpu.memref_slice %arg6[%dma_wait3A_486, %dma_wait3A_487, %dma_wait3A_493] : memref<4x2x128xi32, #tpu.memory_space<vmem>> -> memref<1x1x128xi32, #tpu.memory_space<vmem>>
      %dma_wait3A_495 = tpu.memref_squeeze %dma_wait3A_494 : memref<1x1x128xi32, #tpu.memory_space<vmem>> -> memref<128xi32, #tpu.memory_space<vmem>>
      %dma_wait3A_496 = arith.constant 0 : i32
      %dma_wait3A_497 = arith.constant 0 : i32
      %dma_wait3A_498 = tpu.memref_slice %arg2[%dma_wait3A_496, %dma_wait3A_497] : memref<10000x128xf32, #tpu.memory_space<hbm>> -> memref<10000x128xf32, #tpu.memory_space<hbm>>
      tpu.wait_indirect_dma semaphore(%arg9 : memref<!tpu.dma_semaphore, #tpu.memory_space<semaphore_mem>>) src(%dma_wait3A_498 : memref<10000x128xf32, #tpu.memory_space<hbm>>) dst(%dma_wait3A_492 : memref<128x128xf32, #tpu.memory_space<vmem>>)
      %add3A_499 = arith.constant 2 : i32
      %add3A_500 = arith.addi %add3A_485, %add3A_499 : i32
      %dma_start3A_501 = arith.constant 0 : i32
      %dma_start3A_502 = arith.constant 0 : i32
      %dma_start3A_503 = arith.constant 0 : i32
      %dma_start3A_504 = tpu.memref_slice %arg6[%dma_start3A_501, %dma_start3A_502, %dma_start3A_503] : memref<4x2x128xi32, #tpu.memory_space<vmem>> -> memref<1x2x128xi32, #tpu.memory_space<vmem>>
      %dma_start3A_505 = tpu.memref_squeeze %dma_start3A_504 : memref<1x2x128xi32, #tpu.memory_space<vmem>> -> memref<2x128xi32, #tpu.memory_space<vmem>>
      %dma_start3A_506 = arith.constant 0 : i32
      %dma_start3A_507 = arith.constant 0 : i32
      %dma_start3A_508 = tpu.memref_slice %arg3[%add3A, %add3A_500, %dma_start3A_506, %dma_start3A_507] : memref<32x80x2x128xi32, #tpu.memory_space<hbm>> -> memref<1x1x2x128xi32, #tpu.memory_space<hbm>>
      %dma_start3A_509 = tpu.memref_squeeze %dma_start3A_508 : memref<1x1x2x128xi32, #tpu.memory_space<hbm>> -> memref<2x128xi32, #tpu.memory_space<hbm>>
      %dma_start3A_510 = arith.constant 0 : i32
      %dma_start3A_511 = arith.constant 0 : i32
      %dma_start3A_512 = tpu.memref_slice %arg6[%dma_start3A_501, %dma_start3A_510, %dma_start3A_511] : memref<4x2x128xi32, #tpu.memory_space<vmem>> -> memref<1x2x128xi32, #tpu.memory_space<vmem>>
      %dma_start3A_513 = tpu.memref_squeeze %dma_start3A_512 : memref<1x2x128xi32, #tpu.memory_space<vmem>> -> memref<2x128xi32, #tpu.memory_space<vmem>>
      %dma_start3A_514 = arith.constant 0 : i32
      %dma_start3A_515 = arith.constant 0 : i32
      %dma_start3A_516 = tpu.memref_slice %arg3[%add3A, %add3A_500, %dma_start3A_514, %dma_start3A_515] : memref<32x80x2x128xi32, #tpu.memory_space<hbm>> -> memref<1x1x2x128xi32, #tpu.memory_space<hbm>>
      %dma_start3A_517 = tpu.memref_squeeze %dma_start3A_516 : memref<1x1x2x128xi32, #tpu.memory_space<hbm>> -> memref<2x128xi32, #tpu.memory_space<hbm>>
      tpu.enqueue_dma source(%dma_start3A_517 : memref<2x128xi32, #tpu.memory_space<hbm>>) target(%dma_start3A_513 : memref<2x128xi32, #tpu.memory_space<vmem>>) target_semaphore(%arg11 : memref<!tpu.dma_semaphore, #tpu.memory_space<semaphore_mem>>)
      %dma_start3A_518 = arith.constant 0 : i32
      %dma_start3A_519 = arith.constant 2 : i32
      %dma_start3A_520 = arith.constant 1 : i32
      %dma_start3A_521 = arith.constant 0 : i32
      %dma_start3A_522 = arith.constant 0 : i32
      %dma_start3A_523 = tpu.memref_slice %arg7[%dma_start3A_518, %dma_start3A_521, %dma_start3A_522] : memref<2x128x128xf32, #tpu.memory_space<vmem>> -> memref<1x128x128xf32, #tpu.memory_space<vmem>>
      %dma_start3A_524 = tpu.memref_squeeze %dma_start3A_523 : memref<1x128x128xf32, #tpu.memory_space<vmem>> -> memref<128x128xf32, #tpu.memory_space<vmem>>
      %dma_start3A_525 = arith.constant 0 : i32
      %dma_start3A_526 = tpu.memref_slice %arg6[%dma_start3A_519, %dma_start3A_520, %dma_start3A_525] : memref<4x2x128xi32, #tpu.memory_space<vmem>> -> memref<1x1x128xi32, #tpu.memory_space<vmem>>
      %dma_start3A_527 = tpu.memref_squeeze %dma_start3A_526 : memref<1x1x128xi32, #tpu.memory_space<vmem>> -> memref<128xi32, #tpu.memory_space<vmem>>
      %dma_start3A_528 = arith.constant 0 : i32
      %dma_start3A_529 = arith.constant 0 : i32
      %dma_start3A_530 = tpu.memref_slice %arg8[%dma_start3A_528, %dma_start3A_529] : memref<10112x128xf32, #tpu.memory_space<vmem_shared>> -> memref<10112x128xf32, #tpu.memory_space<vmem_shared>>
      tpu.enqueue_indirect_dma source(%dma_start3A_524 : memref<128x128xf32, #tpu.memory_space<vmem>>) target(%dma_start3A_530 : memref<10112x128xf32, #tpu.memory_space<vmem_shared>>) offsets(%dma_start3A_527 : memref<128xi32, #tpu.memory_space<vmem>>) semaphore(%arg13 : memref<!tpu.dma_semaphore, #tpu.memory_space<semaphore_mem>>) {add = true}
      %add3A_531 = arith.constant 2 : i32
      %add3A_532 = arith.addi %add3A_485, %add3A_531 : i32
      %dma_wait3A_533 = arith.constant 0 : i32
      %dma_wait3A_534 = arith.constant 0 : i32
      %dma_wait3A_535 = arith.constant 0 : i32
      %dma_wait3A_536 = tpu.memref_slice %arg6[%dma_wait3A_533, %dma_wait3A_534, %dma_wait3A_535] : memref<4x2x128xi32, #tpu.memory_space<vmem>> -> memref<1x2x128xi32, #tpu.memory_space<vmem>>
      %dma_wait3A_537 = tpu.memref_squeeze %dma_wait3A_536 : memref<1x2x128xi32, #tpu.memory_space<vmem>> -> memref<2x128xi32, #tpu.memory_space<vmem>>
      %dma_wait3A_538 = arith.constant 0 : i32
      %dma_wait3A_539 = arith.constant 0 : i32
      %dma_wait3A_540 = tpu.memref_slice %arg3[%add3A, %add3A_532, %dma_wait3A_538, %dma_wait3A_539] : memref<32x80x2x128xi32, #tpu.memory_space<hbm>> -> memref<1x1x2x128xi32, #tpu.memory_space<hbm>>
      %dma_wait3A_541 = tpu.memref_squeeze %dma_wait3A_540 : memref<1x1x2x128xi32, #tpu.memory_space<hbm>> -> memref<2x128xi32, #tpu.memory_space<hbm>>
      %dma_wait3A_542 = arith.constant 0 : i32
      %dma_wait3A_543 = arith.constant 0 : i32
      %dma_wait3A_544 = tpu.memref_slice %arg6[%dma_wait3A_533, %dma_wait3A_542, %dma_wait3A_543] : memref<4x2x128xi32, #tpu.memory_space<vmem>> -> memref<1x2x128xi32, #tpu.memory_space<vmem>>
      %dma_wait3A_545 = tpu.memref_squeeze %dma_wait3A_544 : memref<1x2x128xi32, #tpu.memory_space<vmem>> -> memref<2x128xi32, #tpu.memory_space<vmem>>
      %dma_wait3A_546 = arith.constant 0 : i32
      %dma_wait3A_547 = arith.constant 0 : i32
      %dma_wait3A_548 = tpu.memref_slice %arg3[%add3A, %add3A_532, %dma_wait3A_546, %dma_wait3A_547] : memref<32x80x2x128xi32, #tpu.memory_space<hbm>> -> memref<1x1x2x128xi32, #tpu.memory_space<hbm>>
      %dma_wait3A_549 = tpu.memref_squeeze %dma_wait3A_548 : memref<1x1x2x128xi32, #tpu.memory_space<hbm>> -> memref<2x128xi32, #tpu.memory_space<hbm>>
      tpu.wait_dma2 semaphore(%arg11 : memref<!tpu.dma_semaphore, #tpu.memory_space<semaphore_mem>>) src(%dma_wait3A_549 : memref<2x128xi32, #tpu.memory_space<hbm>>) dst(%dma_wait3A_545 : memref<2x128xi32, #tpu.memory_space<vmem>>)
      %dma_wait3A_550 = arith.constant 0 : i32
      %dma_wait3A_551 = arith.constant 2 : i32
      %dma_wait3A_552 = arith.constant 1 : i32
      %dma_wait3A_553 = arith.constant 0 : i32
      %dma_wait3A_554 = arith.constant 0 : i32
      %dma_wait3A_555 = tpu.memref_slice %arg7[%dma_wait3A_550, %dma_wait3A_553, %dma_wait3A_554] : memref<2x128x128xf32, #tpu.memory_space<vmem>> -> memref<1x128x128xf32, #tpu.memory_space<vmem>>
      %dma_wait3A_556 = tpu.memref_squeeze %dma_wait3A_555 : memref<1x128x128xf32, #tpu.memory_space<vmem>> -> memref<128x128xf32, #tpu.memory_space<vmem>>
      %dma_wait3A_557 = arith.constant 0 : i32
      %dma_wait3A_558 = tpu.memref_slice %arg6[%dma_wait3A_551, %dma_wait3A_552, %dma_wait3A_557] : memref<4x2x128xi32, #tpu.memory_space<vmem>> -> memref<1x1x128xi32, #tpu.memory_space<vmem>>
      %dma_wait3A_559 = tpu.memref_squeeze %dma_wait3A_558 : memref<1x1x128xi32, #tpu.memory_space<vmem>> -> memref<128xi32, #tpu.memory_space<vmem>>
      %dma_wait3A_560 = arith.constant 0 : i32
      %dma_wait3A_561 = arith.constant 0 : i32
      %dma_wait3A_562 = tpu.memref_slice %arg8[%dma_wait3A_560, %dma_wait3A_561] : memref<10112x128xf32, #tpu.memory_space<vmem_shared>> -> memref<10112x128xf32, #tpu.memory_space<vmem_shared>>
      tpu.wait_indirect_dma semaphore(%arg13 : memref<!tpu.dma_semaphore, #tpu.memory_space<semaphore_mem>>) src(%dma_wait3A_556 : memref<128x128xf32, #tpu.memory_space<vmem>>) dst(%dma_wait3A_562 : memref<10112x128xf32, #tpu.memory_space<vmem_shared>>)
      %dma_start3A_563 = arith.constant 0 : i32
      %dma_start3A_564 = arith.constant 0 : i32
      %dma_start3A_565 = arith.constant 0 : i32
      %dma_start3A_566 = arith.constant 0 : i32
      %dma_start3A_567 = arith.constant 0 : i32
      %dma_start3A_568 = tpu.memref_slice %arg7[%dma_start3A_565, %dma_start3A_566, %dma_start3A_567] : memref<2x128x128xf32, #tpu.memory_space<vmem>> -> memref<1x128x128xf32, #tpu.memory_space<vmem>>
      %dma_start3A_569 = tpu.memref_squeeze %dma_start3A_568 : memref<1x128x128xf32, #tpu.memory_space<vmem>> -> memref<128x128xf32, #tpu.memory_space<vmem>>
      %dma_start3A_570 = arith.constant 0 : i32
      %dma_start3A_571 = tpu.memref_slice %arg6[%dma_start3A_563, %dma_start3A_564, %dma_start3A_570] : memref<4x2x128xi32, #tpu.memory_space<vmem>> -> memref<1x1x128xi32, #tpu.memory_space<vmem>>
      %dma_start3A_572 = tpu.memref_squeeze %dma_start3A_571 : memref<1x1x128xi32, #tpu.memory_space<vmem>> -> memref<128xi32, #tpu.memory_space<vmem>>
      %dma_start3A_573 = arith.constant 0 : i32
      %dma_start3A_574 = arith.constant 0 : i32
      %dma_start3A_575 = tpu.memref_slice %arg2[%dma_start3A_573, %dma_start3A_574] : memref<10000x128xf32, #tpu.memory_space<hbm>> -> memref<10000x128xf32, #tpu.memory_space<hbm>>
      tpu.enqueue_indirect_dma source(%dma_start3A_575 : memref<10000x128xf32, #tpu.memory_space<hbm>>) target(%dma_start3A_569 : memref<128x128xf32, #tpu.memory_space<vmem>>) offsets(%dma_start3A_572 : memref<128xi32, #tpu.memory_space<vmem>>) semaphore(%arg9 : memref<!tpu.dma_semaphore, #tpu.memory_space<semaphore_mem>>)
      %mul3A_576 = arith.constant 4 : i32
      %mul3A_577 = arith.muli %add3A_293, %mul3A_576 : i32
      %add3A_578 = arith.constant 3 : i32
      %add3A_579 = arith.addi %mul3A_577, %add3A_578 : i32
      %dma_wait3A_580 = arith.constant 3 : i32
      %dma_wait3A_581 = arith.constant 0 : i32
      %dma_wait3A_582 = arith.constant 1 : i32
      %dma_wait3A_583 = arith.constant 0 : i32
      %dma_wait3A_584 = arith.constant 0 : i32
      %dma_wait3A_585 = tpu.memref_slice %arg7[%dma_wait3A_582, %dma_wait3A_583, %dma_wait3A_584] : memref<2x128x128xf32, #tpu.memory_space<vmem>> -> memref<1x128x128xf32, #tpu.memory_space<vmem>>
      %dma_wait3A_586 = tpu.memref_squeeze %dma_wait3A_585 : memref<1x128x128xf32, #tpu.memory_space<vmem>> -> memref<128x128xf32, #tpu.memory_space<vmem>>
      %dma_wait3A_587 = arith.constant 0 : i32
      %dma_wait3A_588 = tpu.memref_slice %arg6[%dma_wait3A_580, %dma_wait3A_581, %dma_wait3A_587] : memref<4x2x128xi32, #tpu.memory_space<vmem>> -> memref<1x1x128xi32, #tpu.memory_space<vmem>>
      %dma_wait3A_589 = tpu.memref_squeeze %dma_wait3A_588 : memref<1x1x128xi32, #tpu.memory_space<vmem>> -> memref<128xi32, #tpu.memory_space<vmem>>
      %dma_wait3A_590 = arith.constant 0 : i32
      %dma_wait3A_591 = arith.constant 0 : i32
      %dma_wait3A_592 = tpu.memref_slice %arg2[%dma_wait3A_590, %dma_wait3A_591] : memref<10000x128xf32, #tpu.memory_space<hbm>> -> memref<10000x128xf32, #tpu.memory_space<hbm>>
      tpu.wait_indirect_dma semaphore(%arg10 : memref<!tpu.dma_semaphore, #tpu.memory_space<semaphore_mem>>) src(%dma_wait3A_592 : memref<10000x128xf32, #tpu.memory_space<hbm>>) dst(%dma_wait3A_586 : memref<128x128xf32, #tpu.memory_space<vmem>>)
      %add3A_593 = arith.constant 2 : i32
      %add3A_594 = arith.addi %add3A_579, %add3A_593 : i32
      %dma_start3A_595 = arith.constant 1 : i32
      %dma_start3A_596 = arith.constant 0 : i32
      %dma_start3A_597 = arith.constant 0 : i32
      %dma_start3A_598 = tpu.memref_slice %arg6[%dma_start3A_595, %dma_start3A_596, %dma_start3A_597] : memref<4x2x128xi32, #tpu.memory_space<vmem>> -> memref<1x2x128xi32, #tpu.memory_space<vmem>>
      %dma_start3A_599 = tpu.memref_squeeze %dma_start3A_598 : memref<1x2x128xi32, #tpu.memory_space<vmem>> -> memref<2x128xi32, #tpu.memory_space<vmem>>
      %dma_start3A_600 = arith.constant 0 : i32
      %dma_start3A_601 = arith.constant 0 : i32
      %dma_start3A_602 = tpu.memref_slice %arg3[%add3A, %add3A_594, %dma_start3A_600, %dma_start3A_601] : memref<32x80x2x128xi32, #tpu.memory_space<hbm>> -> memref<1x1x2x128xi32, #tpu.memory_space<hbm>>
      %dma_start3A_603 = tpu.memref_squeeze %dma_start3A_602 : memref<1x1x2x128xi32, #tpu.memory_space<hbm>> -> memref<2x128xi32, #tpu.memory_space<hbm>>
      %dma_start3A_604 = arith.constant 0 : i32
      %dma_start3A_605 = arith.constant 0 : i32
      %dma_start3A_606 = tpu.memref_slice %arg6[%dma_start3A_595, %dma_start3A_604, %dma_start3A_605] : memref<4x2x128xi32, #tpu.memory_space<vmem>> -> memref<1x2x128xi32, #tpu.memory_space<vmem>>
      %dma_start3A_607 = tpu.memref_squeeze %dma_start3A_606 : memref<1x2x128xi32, #tpu.memory_space<vmem>> -> memref<2x128xi32, #tpu.memory_space<vmem>>
      %dma_start3A_608 = arith.constant 0 : i32
      %dma_start3A_609 = arith.constant 0 : i32
      %dma_start3A_610 = tpu.memref_slice %arg3[%add3A, %add3A_594, %dma_start3A_608, %dma_start3A_609] : memref<32x80x2x128xi32, #tpu.memory_space<hbm>> -> memref<1x1x2x128xi32, #tpu.memory_space<hbm>>
      %dma_start3A_611 = tpu.memref_squeeze %dma_start3A_610 : memref<1x1x2x128xi32, #tpu.memory_space<hbm>> -> memref<2x128xi32, #tpu.memory_space<hbm>>
      tpu.enqueue_dma source(%dma_start3A_611 : memref<2x128xi32, #tpu.memory_space<hbm>>) target(%dma_start3A_607 : memref<2x128xi32, #tpu.memory_space<vmem>>) target_semaphore(%arg12 : memref<!tpu.dma_semaphore, #tpu.memory_space<semaphore_mem>>)
      %dma_start3A_612 = arith.constant 1 : i32
      %dma_start3A_613 = arith.constant 3 : i32
      %dma_start3A_614 = arith.constant 1 : i32
      %dma_start3A_615 = arith.constant 0 : i32
      %dma_start3A_616 = arith.constant 0 : i32
      %dma_start3A_617 = tpu.memref_slice %arg7[%dma_start3A_612, %dma_start3A_615, %dma_start3A_616] : memref<2x128x128xf32, #tpu.memory_space<vmem>> -> memref<1x128x128xf32, #tpu.memory_space<vmem>>
      %dma_start3A_618 = tpu.memref_squeeze %dma_start3A_617 : memref<1x128x128xf32, #tpu.memory_space<vmem>> -> memref<128x128xf32, #tpu.memory_space<vmem>>
      %dma_start3A_619 = arith.constant 0 : i32
      %dma_start3A_620 = tpu.memref_slice %arg6[%dma_start3A_613, %dma_start3A_614, %dma_start3A_619] : memref<4x2x128xi32, #tpu.memory_space<vmem>> -> memref<1x1x128xi32, #tpu.memory_space<vmem>>
      %dma_start3A_621 = tpu.memref_squeeze %dma_start3A_620 : memref<1x1x128xi32, #tpu.memory_space<vmem>> -> memref<128xi32, #tpu.memory_space<vmem>>
      %dma_start3A_622 = arith.constant 0 : i32
      %dma_start3A_623 = arith.constant 0 : i32
      %dma_start3A_624 = tpu.memref_slice %arg8[%dma_start3A_622, %dma_start3A_623] : memref<10112x128xf32, #tpu.memory_space<vmem_shared>> -> memref<10112x128xf32, #tpu.memory_space<vmem_shared>>
      tpu.enqueue_indirect_dma source(%dma_start3A_618 : memref<128x128xf32, #tpu.memory_space<vmem>>) target(%dma_start3A_624 : memref<10112x128xf32, #tpu.memory_space<vmem_shared>>) offsets(%dma_start3A_621 : memref<128xi32, #tpu.memory_space<vmem>>) semaphore(%arg14 : memref<!tpu.dma_semaphore, #tpu.memory_space<semaphore_mem>>) {add = true}
      %add3A_625 = arith.constant 2 : i32
      %add3A_626 = arith.addi %add3A_579, %add3A_625 : i32
      %dma_wait3A_627 = arith.constant 1 : i32
      %dma_wait3A_628 = arith.constant 0 : i32
      %dma_wait3A_629 = arith.constant 0 : i32
      %dma_wait3A_630 = tpu.memref_slice %arg6[%dma_wait3A_627, %dma_wait3A_628, %dma_wait3A_629] : memref<4x2x128xi32, #tpu.memory_space<vmem>> -> memref<1x2x128xi32, #tpu.memory_space<vmem>>
      %dma_wait3A_631 = tpu.memref_squeeze %dma_wait3A_630 : memref<1x2x128xi32, #tpu.memory_space<vmem>> -> memref<2x128xi32, #tpu.memory_space<vmem>>
      %dma_wait3A_632 = arith.constant 0 : i32
      %dma_wait3A_633 = arith.constant 0 : i32
      %dma_wait3A_634 = tpu.memref_slice %arg3[%add3A, %add3A_626, %dma_wait3A_632, %dma_wait3A_633] : memref<32x80x2x128xi32, #tpu.memory_space<hbm>> -> memref<1x1x2x128xi32, #tpu.memory_space<hbm>>
      %dma_wait3A_635 = tpu.memref_squeeze %dma_wait3A_634 : memref<1x1x2x128xi32, #tpu.memory_space<hbm>> -> memref<2x128xi32, #tpu.memory_space<hbm>>
      %dma_wait3A_636 = arith.constant 0 : i32
      %dma_wait3A_637 = arith.constant 0 : i32
      %dma_wait3A_638 = tpu.memref_slice %arg6[%dma_wait3A_627, %dma_wait3A_636, %dma_wait3A_637] : memref<4x2x128xi32, #tpu.memory_space<vmem>> -> memref<1x2x128xi32, #tpu.memory_space<vmem>>
      %dma_wait3A_639 = tpu.memref_squeeze %dma_wait3A_638 : memref<1x2x128xi32, #tpu.memory_space<vmem>> -> memref<2x128xi32, #tpu.memory_space<vmem>>
      %dma_wait3A_640 = arith.constant 0 : i32
      %dma_wait3A_641 = arith.constant 0 : i32
      %dma_wait3A_642 = tpu.memref_slice %arg3[%add3A, %add3A_626, %dma_wait3A_640, %dma_wait3A_641] : memref<32x80x2x128xi32, #tpu.memory_space<hbm>> -> memref<1x1x2x128xi32, #tpu.memory_space<hbm>>
      %dma_wait3A_643 = tpu.memref_squeeze %dma_wait3A_642 : memref<1x1x2x128xi32, #tpu.memory_space<hbm>> -> memref<2x128xi32, #tpu.memory_space<hbm>>
      tpu.wait_dma2 semaphore(%arg12 : memref<!tpu.dma_semaphore, #tpu.memory_space<semaphore_mem>>) src(%dma_wait3A_643 : memref<2x128xi32, #tpu.memory_space<hbm>>) dst(%dma_wait3A_639 : memref<2x128xi32, #tpu.memory_space<vmem>>)
      %dma_wait3A_644 = arith.constant 1 : i32
      %dma_wait3A_645 = arith.constant 3 : i32
      %dma_wait3A_646 = arith.constant 1 : i32
      %dma_wait3A_647 = arith.constant 0 : i32
      %dma_wait3A_648 = arith.constant 0 : i32
      %dma_wait3A_649 = tpu.memref_slice %arg7[%dma_wait3A_644, %dma_wait3A_647, %dma_wait3A_648] : memref<2x128x128xf32, #tpu.memory_space<vmem>> -> memref<1x128x128xf32, #tpu.memory_space<vmem>>
      %dma_wait3A_650 = tpu.memref_squeeze %dma_wait3A_649 : memref<1x128x128xf32, #tpu.memory_space<vmem>> -> memref<128x128xf32, #tpu.memory_space<vmem>>
      %dma_wait3A_651 = arith.constant 0 : i32
      %dma_wait3A_652 = tpu.memref_slice %arg6[%dma_wait3A_645, %dma_wait3A_646, %dma_wait3A_651] : memref<4x2x128xi32, #tpu.memory_space<vmem>> -> memref<1x1x128xi32, #tpu.memory_space<vmem>>
      %dma_wait3A_653 = tpu.memref_squeeze %dma_wait3A_652 : memref<1x1x128xi32, #tpu.memory_space<vmem>> -> memref<128xi32, #tpu.memory_space<vmem>>
      %dma_wait3A_654 = arith.constant 0 : i32
      %dma_wait3A_655 = arith.constant 0 : i32
      %dma_wait3A_656 = tpu.memref_slice %arg8[%dma_wait3A_654, %dma_wait3A_655] : memref<10112x128xf32, #tpu.memory_space<vmem_shared>> -> memref<10112x128xf32, #tpu.memory_space<vmem_shared>>
      tpu.wait_indirect_dma semaphore(%arg14 : memref<!tpu.dma_semaphore, #tpu.memory_space<semaphore_mem>>) src(%dma_wait3A_650 : memref<128x128xf32, #tpu.memory_space<vmem>>) dst(%dma_wait3A_656 : memref<10112x128xf32, #tpu.memory_space<vmem_shared>>)
      %dma_start3A_657 = arith.constant 1 : i32
      %dma_start3A_658 = arith.constant 0 : i32
      %dma_start3A_659 = arith.constant 1 : i32
      %dma_start3A_660 = arith.constant 0 : i32
      %dma_start3A_661 = arith.constant 0 : i32
      %dma_start3A_662 = tpu.memref_slice %arg7[%dma_start3A_659, %dma_start3A_660, %dma_start3A_661] : memref<2x128x128xf32, #tpu.memory_space<vmem>> -> memref<1x128x128xf32, #tpu.memory_space<vmem>>
      %dma_start3A_663 = tpu.memref_squeeze %dma_start3A_662 : memref<1x128x128xf32, #tpu.memory_space<vmem>> -> memref<128x128xf32, #tpu.memory_space<vmem>>
      %dma_start3A_664 = arith.constant 0 : i32
      %dma_start3A_665 = tpu.memref_slice %arg6[%dma_start3A_657, %dma_start3A_658, %dma_start3A_664] : memref<4x2x128xi32, #tpu.memory_space<vmem>> -> memref<1x1x128xi32, #tpu.memory_space<vmem>>
      %dma_start3A_666 = tpu.memref_squeeze %dma_start3A_665 : memref<1x1x128xi32, #tpu.memory_space<vmem>> -> memref<128xi32, #tpu.memory_space<vmem>>
      %dma_start3A_667 = arith.constant 0 : i32
      %dma_start3A_668 = arith.constant 0 : i32
      %dma_start3A_669 = tpu.memref_slice %arg2[%dma_start3A_667, %dma_start3A_668] : memref<10000x128xf32, #tpu.memory_space<hbm>> -> memref<10000x128xf32, #tpu.memory_space<hbm>>
      tpu.enqueue_indirect_dma source(%dma_start3A_669 : memref<10000x128xf32, #tpu.memory_space<hbm>>) target(%dma_start3A_663 : memref<128x128xf32, #tpu.memory_space<vmem>>) offsets(%dma_start3A_666 : memref<128xi32, #tpu.memory_space<vmem>>) semaphore(%arg10 : memref<!tpu.dma_semaphore, #tpu.memory_space<semaphore_mem>>)
    }
    %scan3A_34 = arith.constant 19 : i32
    %dma_wait3A = arith.constant 0 : i32
    %dma_wait3A_35 = arith.constant 0 : i32
    %dma_wait3A_36 = arith.constant 0 : i32
    %dma_wait3A_37 = arith.constant 0 : i32
    %dma_wait3A_38 = arith.constant 0 : i32
    %dma_wait3A_39 = tpu.memref_slice %arg7[%dma_wait3A_36, %dma_wait3A_37, %dma_wait3A_38] : memref<2x128x128xf32, #tpu.memory_space<vmem>> -> memref<1x128x128xf32, #tpu.memory_space<vmem>>
    %dma_wait3A_40 = tpu.memref_squeeze %dma_wait3A_39 : memref<1x128x128xf32, #tpu.memory_space<vmem>> -> memref<128x128xf32, #tpu.memory_space<vmem>>
    %dma_wait3A_41 = arith.constant 0 : i32
    %dma_wait3A_42 = tpu.memref_slice %arg6[%dma_wait3A, %dma_wait3A_35, %dma_wait3A_41] : memref<4x2x128xi32, #tpu.memory_space<vmem>> -> memref<1x1x128xi32, #tpu.memory_space<vmem>>
    %dma_wait3A_43 = tpu.memref_squeeze %dma_wait3A_42 : memref<1x1x128xi32, #tpu.memory_space<vmem>> -> memref<128xi32, #tpu.memory_space<vmem>>
    %dma_wait3A_44 = arith.constant 0 : i32
    %dma_wait3A_45 = arith.constant 0 : i32
    %dma_wait3A_46 = tpu.memref_slice %arg2[%dma_wait3A_44, %dma_wait3A_45] : memref<10000x128xf32, #tpu.memory_space<hbm>> -> memref<10000x128xf32, #tpu.memory_space<hbm>>
    tpu.wait_indirect_dma semaphore(%arg9 : memref<!tpu.dma_semaphore, #tpu.memory_space<semaphore_mem>>) src(%dma_wait3A_46 : memref<10000x128xf32, #tpu.memory_space<hbm>>) dst(%dma_wait3A_40 : memref<128x128xf32, #tpu.memory_space<vmem>>)
    %dma_start3A_47 = arith.constant 78 : i32
    %dma_start3A_48 = arith.constant 2 : i32
    %dma_start3A_49 = arith.constant 0 : i32
    %dma_start3A_50 = arith.constant 0 : i32
    %dma_start3A_51 = tpu.memref_slice %arg6[%dma_start3A_48, %dma_start3A_49, %dma_start3A_50] : memref<4x2x128xi32, #tpu.memory_space<vmem>> -> memref<1x2x128xi32, #tpu.memory_space<vmem>>
    %dma_start3A_52 = tpu.memref_squeeze %dma_start3A_51 : memref<1x2x128xi32, #tpu.memory_space<vmem>> -> memref<2x128xi32, #tpu.memory_space<vmem>>
    %dma_start3A_53 = arith.constant 0 : i32
    %dma_start3A_54 = arith.constant 0 : i32
    %dma_start3A_55 = tpu.memref_slice %arg3[%add3A, %dma_start3A_47, %dma_start3A_53, %dma_start3A_54] : memref<32x80x2x128xi32, #tpu.memory_space<hbm>> -> memref<1x1x2x128xi32, #tpu.memory_space<hbm>>
    %dma_start3A_56 = tpu.memref_squeeze %dma_start3A_55 : memref<1x1x2x128xi32, #tpu.memory_space<hbm>> -> memref<2x128xi32, #tpu.memory_space<hbm>>
    %dma_start3A_57 = arith.constant 0 : i32
    %dma_start3A_58 = arith.constant 0 : i32
    %dma_start3A_59 = tpu.memref_slice %arg6[%dma_start3A_48, %dma_start3A_57, %dma_start3A_58] : memref<4x2x128xi32, #tpu.memory_space<vmem>> -> memref<1x2x128xi32, #tpu.memory_space<vmem>>
    %dma_start3A_60 = tpu.memref_squeeze %dma_start3A_59 : memref<1x2x128xi32, #tpu.memory_space<vmem>> -> memref<2x128xi32, #tpu.memory_space<vmem>>
    %dma_start3A_61 = arith.constant 0 : i32
    %dma_start3A_62 = arith.constant 0 : i32
    %dma_start3A_63 = tpu.memref_slice %arg3[%add3A, %dma_start3A_47, %dma_start3A_61, %dma_start3A_62] : memref<32x80x2x128xi32, #tpu.memory_space<hbm>> -> memref<1x1x2x128xi32, #tpu.memory_space<hbm>>
    %dma_start3A_64 = tpu.memref_squeeze %dma_start3A_63 : memref<1x1x2x128xi32, #tpu.memory_space<hbm>> -> memref<2x128xi32, #tpu.memory_space<hbm>>
    tpu.enqueue_dma source(%dma_start3A_64 : memref<2x128xi32, #tpu.memory_space<hbm>>) target(%dma_start3A_60 : memref<2x128xi32, #tpu.memory_space<vmem>>) target_semaphore(%arg11 : memref<!tpu.dma_semaphore, #tpu.memory_space<semaphore_mem>>)
    %dma_start3A_65 = arith.constant 0 : i32
    %dma_start3A_66 = arith.constant 0 : i32
    %dma_start3A_67 = arith.constant 1 : i32
    %dma_start3A_68 = arith.constant 0 : i32
    %dma_start3A_69 = arith.constant 0 : i32
    %dma_start3A_70 = tpu.memref_slice %arg7[%dma_start3A_65, %dma_start3A_68, %dma_start3A_69] : memref<2x128x128xf32, #tpu.memory_space<vmem>> -> memref<1x128x128xf32, #tpu.memory_space<vmem>>
    %dma_start3A_71 = tpu.memref_squeeze %dma_start3A_70 : memref<1x128x128xf32, #tpu.memory_space<vmem>> -> memref<128x128xf32, #tpu.memory_space<vmem>>
    %dma_start3A_72 = arith.constant 0 : i32
    %dma_start3A_73 = tpu.memref_slice %arg6[%dma_start3A_66, %dma_start3A_67, %dma_start3A_72] : memref<4x2x128xi32, #tpu.memory_space<vmem>> -> memref<1x1x128xi32, #tpu.memory_space<vmem>>
    %dma_start3A_74 = tpu.memref_squeeze %dma_start3A_73 : memref<1x1x128xi32, #tpu.memory_space<vmem>> -> memref<128xi32, #tpu.memory_space<vmem>>
    %dma_start3A_75 = arith.constant 0 : i32
    %dma_start3A_76 = arith.constant 0 : i32
    %dma_start3A_77 = tpu.memref_slice %arg8[%dma_start3A_75, %dma_start3A_76] : memref<10112x128xf32, #tpu.memory_space<vmem_shared>> -> memref<10112x128xf32, #tpu.memory_space<vmem_shared>>
    tpu.enqueue_indirect_dma source(%dma_start3A_71 : memref<128x128xf32, #tpu.memory_space<vmem>>) target(%dma_start3A_77 : memref<10112x128xf32, #tpu.memory_space<vmem_shared>>) offsets(%dma_start3A_74 : memref<128xi32, #tpu.memory_space<vmem>>) semaphore(%arg13 : memref<!tpu.dma_semaphore, #tpu.memory_space<semaphore_mem>>) {add = true}
    %dma_wait3A_78 = arith.constant 78 : i32
    %dma_wait3A_79 = arith.constant 2 : i32
    %dma_wait3A_80 = arith.constant 0 : i32
    %dma_wait3A_81 = arith.constant 0 : i32
    %dma_wait3A_82 = tpu.memref_slice %arg6[%dma_wait3A_79, %dma_wait3A_80, %dma_wait3A_81] : memref<4x2x128xi32, #tpu.memory_space<vmem>> -> memref<1x2x128xi32, #tpu.memory_space<vmem>>
    %dma_wait3A_83 = tpu.memref_squeeze %dma_wait3A_82 : memref<1x2x128xi32, #tpu.memory_space<vmem>> -> memref<2x128xi32, #tpu.memory_space<vmem>>
    %dma_wait3A_84 = arith.constant 0 : i32
    %dma_wait3A_85 = arith.constant 0 : i32
    %dma_wait3A_86 = tpu.memref_slice %arg3[%add3A, %dma_wait3A_78, %dma_wait3A_84, %dma_wait3A_85] : memref<32x80x2x128xi32, #tpu.memory_space<hbm>> -> memref<1x1x2x128xi32, #tpu.memory_space<hbm>>
    %dma_wait3A_87 = tpu.memref_squeeze %dma_wait3A_86 : memref<1x1x2x128xi32, #tpu.memory_space<hbm>> -> memref<2x128xi32, #tpu.memory_space<hbm>>
    %dma_wait3A_88 = arith.constant 0 : i32
    %dma_wait3A_89 = arith.constant 0 : i32
    %dma_wait3A_90 = tpu.memref_slice %arg6[%dma_wait3A_79, %dma_wait3A_88, %dma_wait3A_89] : memref<4x2x128xi32, #tpu.memory_space<vmem>> -> memref<1x2x128xi32, #tpu.memory_space<vmem>>
    %dma_wait3A_91 = tpu.memref_squeeze %dma_wait3A_90 : memref<1x2x128xi32, #tpu.memory_space<vmem>> -> memref<2x128xi32, #tpu.memory_space<vmem>>
    %dma_wait3A_92 = arith.constant 0 : i32
    %dma_wait3A_93 = arith.constant 0 : i32
    %dma_wait3A_94 = tpu.memref_slice %arg3[%add3A, %dma_wait3A_78, %dma_wait3A_92, %dma_wait3A_93] : memref<32x80x2x128xi32, #tpu.memory_space<hbm>> -> memref<1x1x2x128xi32, #tpu.memory_space<hbm>>
    %dma_wait3A_95 = tpu.memref_squeeze %dma_wait3A_94 : memref<1x1x2x128xi32, #tpu.memory_space<hbm>> -> memref<2x128xi32, #tpu.memory_space<hbm>>
    tpu.wait_dma2 semaphore(%arg11 : memref<!tpu.dma_semaphore, #tpu.memory_space<semaphore_mem>>) src(%dma_wait3A_95 : memref<2x128xi32, #tpu.memory_space<hbm>>) dst(%dma_wait3A_91 : memref<2x128xi32, #tpu.memory_space<vmem>>)
    %dma_wait3A_96 = arith.constant 0 : i32
    %dma_wait3A_97 = arith.constant 0 : i32
    %dma_wait3A_98 = arith.constant 1 : i32
    %dma_wait3A_99 = arith.constant 0 : i32
    %dma_wait3A_100 = arith.constant 0 : i32
    %dma_wait3A_101 = tpu.memref_slice %arg7[%dma_wait3A_96, %dma_wait3A_99, %dma_wait3A_100] : memref<2x128x128xf32, #tpu.memory_space<vmem>> -> memref<1x128x128xf32, #tpu.memory_space<vmem>>
    %dma_wait3A_102 = tpu.memref_squeeze %dma_wait3A_101 : memref<1x128x128xf32, #tpu.memory_space<vmem>> -> memref<128x128xf32, #tpu.memory_space<vmem>>
    %dma_wait3A_103 = arith.constant 0 : i32
    %dma_wait3A_104 = tpu.memref_slice %arg6[%dma_wait3A_97, %dma_wait3A_98, %dma_wait3A_103] : memref<4x2x128xi32, #tpu.memory_space<vmem>> -> memref<1x1x128xi32, #tpu.memory_space<vmem>>
    %dma_wait3A_105 = tpu.memref_squeeze %dma_wait3A_104 : memref<1x1x128xi32, #tpu.memory_space<vmem>> -> memref<128xi32, #tpu.memory_space<vmem>>
    %dma_wait3A_106 = arith.constant 0 : i32
    %dma_wait3A_107 = arith.constant 0 : i32
    %dma_wait3A_108 = tpu.memref_slice %arg8[%dma_wait3A_106, %dma_wait3A_107] : memref<10112x128xf32, #tpu.memory_space<vmem_shared>> -> memref<10112x128xf32, #tpu.memory_space<vmem_shared>>
    tpu.wait_indirect_dma semaphore(%arg13 : memref<!tpu.dma_semaphore, #tpu.memory_space<semaphore_mem>>) src(%dma_wait3A_102 : memref<128x128xf32, #tpu.memory_space<vmem>>) dst(%dma_wait3A_108 : memref<10112x128xf32, #tpu.memory_space<vmem_shared>>)
    %dma_start3A_109 = arith.constant 2 : i32
    %dma_start3A_110 = arith.constant 0 : i32
    %dma_start3A_111 = arith.constant 0 : i32
    %dma_start3A_112 = arith.constant 0 : i32
    %dma_start3A_113 = arith.constant 0 : i32
    %dma_start3A_114 = tpu.memref_slice %arg7[%dma_start3A_111, %dma_start3A_112, %dma_start3A_113] : memref<2x128x128xf32, #tpu.memory_space<vmem>> -> memref<1x128x128xf32, #tpu.memory_space<vmem>>
    %dma_start3A_115 = tpu.memref_squeeze %dma_start3A_114 : memref<1x128x128xf32, #tpu.memory_space<vmem>> -> memref<128x128xf32, #tpu.memory_space<vmem>>
    %dma_start3A_116 = arith.constant 0 : i32
    %dma_start3A_117 = tpu.memref_slice %arg6[%dma_start3A_109, %dma_start3A_110, %dma_start3A_116] : memref<4x2x128xi32, #tpu.memory_space<vmem>> -> memref<1x1x128xi32, #tpu.memory_space<vmem>>
    %dma_start3A_118 = tpu.memref_squeeze %dma_start3A_117 : memref<1x1x128xi32, #tpu.memory_space<vmem>> -> memref<128xi32, #tpu.memory_space<vmem>>
    %dma_start3A_119 = arith.constant 0 : i32
    %dma_start3A_120 = arith.constant 0 : i32
    %dma_start3A_121 = tpu.memref_slice %arg2[%dma_start3A_119, %dma_start3A_120] : memref<10000x128xf32, #tpu.memory_space<hbm>> -> memref<10000x128xf32, #tpu.memory_space<hbm>>
    tpu.enqueue_indirect_dma source(%dma_start3A_121 : memref<10000x128xf32, #tpu.memory_space<hbm>>) target(%dma_start3A_115 : memref<128x128xf32, #tpu.memory_space<vmem>>) offsets(%dma_start3A_118 : memref<128xi32, #tpu.memory_space<vmem>>) semaphore(%arg9 : memref<!tpu.dma_semaphore, #tpu.memory_space<semaphore_mem>>)
    %dma_wait3A_122 = arith.constant 1 : i32
    %dma_wait3A_123 = arith.constant 0 : i32
    %dma_wait3A_124 = arith.constant 1 : i32
    %dma_wait3A_125 = arith.constant 0 : i32
    %dma_wait3A_126 = arith.constant 0 : i32
    %dma_wait3A_127 = tpu.memref_slice %arg7[%dma_wait3A_124, %dma_wait3A_125, %dma_wait3A_126] : memref<2x128x128xf32, #tpu.memory_space<vmem>> -> memref<1x128x128xf32, #tpu.memory_space<vmem>>
    %dma_wait3A_128 = tpu.memref_squeeze %dma_wait3A_127 : memref<1x128x128xf32, #tpu.memory_space<vmem>> -> memref<128x128xf32, #tpu.memory_space<vmem>>
    %dma_wait3A_129 = arith.constant 0 : i32
    %dma_wait3A_130 = tpu.memref_slice %arg6[%dma_wait3A_122, %dma_wait3A_123, %dma_wait3A_129] : memref<4x2x128xi32, #tpu.memory_space<vmem>> -> memref<1x1x128xi32, #tpu.memory_space<vmem>>
    %dma_wait3A_131 = tpu.memref_squeeze %dma_wait3A_130 : memref<1x1x128xi32, #tpu.memory_space<vmem>> -> memref<128xi32, #tpu.memory_space<vmem>>
    %dma_wait3A_132 = arith.constant 0 : i32
    %dma_wait3A_133 = arith.constant 0 : i32
    %dma_wait3A_134 = tpu.memref_slice %arg2[%dma_wait3A_132, %dma_wait3A_133] : memref<10000x128xf32, #tpu.memory_space<hbm>> -> memref<10000x128xf32, #tpu.memory_space<hbm>>
    tpu.wait_indirect_dma semaphore(%arg10 : memref<!tpu.dma_semaphore, #tpu.memory_space<semaphore_mem>>) src(%dma_wait3A_134 : memref<10000x128xf32, #tpu.memory_space<hbm>>) dst(%dma_wait3A_128 : memref<128x128xf32, #tpu.memory_space<vmem>>)
    %dma_start3A_135 = arith.constant 79 : i32
    %dma_start3A_136 = arith.constant 3 : i32
    %dma_start3A_137 = arith.constant 0 : i32
    %dma_start3A_138 = arith.constant 0 : i32
    %dma_start3A_139 = tpu.memref_slice %arg6[%dma_start3A_136, %dma_start3A_137, %dma_start3A_138] : memref<4x2x128xi32, #tpu.memory_space<vmem>> -> memref<1x2x128xi32, #tpu.memory_space<vmem>>
    %dma_start3A_140 = tpu.memref_squeeze %dma_start3A_139 : memref<1x2x128xi32, #tpu.memory_space<vmem>> -> memref<2x128xi32, #tpu.memory_space<vmem>>
    %dma_start3A_141 = arith.constant 0 : i32
    %dma_start3A_142 = arith.constant 0 : i32
    %dma_start3A_143 = tpu.memref_slice %arg3[%add3A, %dma_start3A_135, %dma_start3A_141, %dma_start3A_142] : memref<32x80x2x128xi32, #tpu.memory_space<hbm>> -> memref<1x1x2x128xi32, #tpu.memory_space<hbm>>
    %dma_start3A_144 = tpu.memref_squeeze %dma_start3A_143 : memref<1x1x2x128xi32, #tpu.memory_space<hbm>> -> memref<2x128xi32, #tpu.memory_space<hbm>>
    %dma_start3A_145 = arith.constant 0 : i32
    %dma_start3A_146 = arith.constant 0 : i32
    %dma_start3A_147 = tpu.memref_slice %arg6[%dma_start3A_136, %dma_start3A_145, %dma_start3A_146] : memref<4x2x128xi32, #tpu.memory_space<vmem>> -> memref<1x2x128xi32, #tpu.memory_space<vmem>>
    %dma_start3A_148 = tpu.memref_squeeze %dma_start3A_147 : memref<1x2x128xi32, #tpu.memory_space<vmem>> -> memref<2x128xi32, #tpu.memory_space<vmem>>
    %dma_start3A_149 = arith.constant 0 : i32
    %dma_start3A_150 = arith.constant 0 : i32
    %dma_start3A_151 = tpu.memref_slice %arg3[%add3A, %dma_start3A_135, %dma_start3A_149, %dma_start3A_150] : memref<32x80x2x128xi32, #tpu.memory_space<hbm>> -> memref<1x1x2x128xi32, #tpu.memory_space<hbm>>
    %dma_start3A_152 = tpu.memref_squeeze %dma_start3A_151 : memref<1x1x2x128xi32, #tpu.memory_space<hbm>> -> memref<2x128xi32, #tpu.memory_space<hbm>>
    tpu.enqueue_dma source(%dma_start3A_152 : memref<2x128xi32, #tpu.memory_space<hbm>>) target(%dma_start3A_148 : memref<2x128xi32, #tpu.memory_space<vmem>>) target_semaphore(%arg12 : memref<!tpu.dma_semaphore, #tpu.memory_space<semaphore_mem>>)
    %dma_start3A_153 = arith.constant 1 : i32
    %dma_start3A_154 = arith.constant 1 : i32
    %dma_start3A_155 = arith.constant 1 : i32
    %dma_start3A_156 = arith.constant 0 : i32
    %dma_start3A_157 = arith.constant 0 : i32
    %dma_start3A_158 = tpu.memref_slice %arg7[%dma_start3A_153, %dma_start3A_156, %dma_start3A_157] : memref<2x128x128xf32, #tpu.memory_space<vmem>> -> memref<1x128x128xf32, #tpu.memory_space<vmem>>
    %dma_start3A_159 = tpu.memref_squeeze %dma_start3A_158 : memref<1x128x128xf32, #tpu.memory_space<vmem>> -> memref<128x128xf32, #tpu.memory_space<vmem>>
    %dma_start3A_160 = arith.constant 0 : i32
    %dma_start3A_161 = tpu.memref_slice %arg6[%dma_start3A_154, %dma_start3A_155, %dma_start3A_160] : memref<4x2x128xi32, #tpu.memory_space<vmem>> -> memref<1x1x128xi32, #tpu.memory_space<vmem>>
    %dma_start3A_162 = tpu.memref_squeeze %dma_start3A_161 : memref<1x1x128xi32, #tpu.memory_space<vmem>> -> memref<128xi32, #tpu.memory_space<vmem>>
    %dma_start3A_163 = arith.constant 0 : i32
    %dma_start3A_164 = arith.constant 0 : i32
    %dma_start3A_165 = tpu.memref_slice %arg8[%dma_start3A_163, %dma_start3A_164] : memref<10112x128xf32, #tpu.memory_space<vmem_shared>> -> memref<10112x128xf32, #tpu.memory_space<vmem_shared>>
    tpu.enqueue_indirect_dma source(%dma_start3A_159 : memref<128x128xf32, #tpu.memory_space<vmem>>) target(%dma_start3A_165 : memref<10112x128xf32, #tpu.memory_space<vmem_shared>>) offsets(%dma_start3A_162 : memref<128xi32, #tpu.memory_space<vmem>>) semaphore(%arg14 : memref<!tpu.dma_semaphore, #tpu.memory_space<semaphore_mem>>) {add = true}
    %dma_wait3A_166 = arith.constant 79 : i32
    %dma_wait3A_167 = arith.constant 3 : i32
    %dma_wait3A_168 = arith.constant 0 : i32
    %dma_wait3A_169 = arith.constant 0 : i32
    %dma_wait3A_170 = tpu.memref_slice %arg6[%dma_wait3A_167, %dma_wait3A_168, %dma_wait3A_169] : memref<4x2x128xi32, #tpu.memory_space<vmem>> -> memref<1x2x128xi32, #tpu.memory_space<vmem>>
    %dma_wait3A_171 = tpu.memref_squeeze %dma_wait3A_170 : memref<1x2x128xi32, #tpu.memory_space<vmem>> -> memref<2x128xi32, #tpu.memory_space<vmem>>
    %dma_wait3A_172 = arith.constant 0 : i32
    %dma_wait3A_173 = arith.constant 0 : i32
    %dma_wait3A_174 = tpu.memref_slice %arg3[%add3A, %dma_wait3A_166, %dma_wait3A_172, %dma_wait3A_173] : memref<32x80x2x128xi32, #tpu.memory_space<hbm>> -> memref<1x1x2x128xi32, #tpu.memory_space<hbm>>
    %dma_wait3A_175 = tpu.memref_squeeze %dma_wait3A_174 : memref<1x1x2x128xi32, #tpu.memory_space<hbm>> -> memref<2x128xi32, #tpu.memory_space<hbm>>
    %dma_wait3A_176 = arith.constant 0 : i32
    %dma_wait3A_177 = arith.constant 0 : i32
    %dma_wait3A_178 = tpu.memref_slice %arg6[%dma_wait3A_167, %dma_wait3A_176, %dma_wait3A_177] : memref<4x2x128xi32, #tpu.memory_space<vmem>> -> memref<1x2x128xi32, #tpu.memory_space<vmem>>
    %dma_wait3A_179 = tpu.memref_squeeze %dma_wait3A_178 : memref<1x2x128xi32, #tpu.memory_space<vmem>> -> memref<2x128xi32, #tpu.memory_space<vmem>>
    %dma_wait3A_180 = arith.constant 0 : i32
    %dma_wait3A_181 = arith.constant 0 : i32
    %dma_wait3A_182 = tpu.memref_slice %arg3[%add3A, %dma_wait3A_166, %dma_wait3A_180, %dma_wait3A_181] : memref<32x80x2x128xi32, #tpu.memory_space<hbm>> -> memref<1x1x2x128xi32, #tpu.memory_space<hbm>>
    %dma_wait3A_183 = tpu.memref_squeeze %dma_wait3A_182 : memref<1x1x2x128xi32, #tpu.memory_space<hbm>> -> memref<2x128xi32, #tpu.memory_space<hbm>>
    tpu.wait_dma2 semaphore(%arg12 : memref<!tpu.dma_semaphore, #tpu.memory_space<semaphore_mem>>) src(%dma_wait3A_183 : memref<2x128xi32, #tpu.memory_space<hbm>>) dst(%dma_wait3A_179 : memref<2x128xi32, #tpu.memory_space<vmem>>)
    %dma_wait3A_184 = arith.constant 1 : i32
    %dma_wait3A_185 = arith.constant 1 : i32
    %dma_wait3A_186 = arith.constant 1 : i32
    %dma_wait3A_187 = arith.constant 0 : i32
    %dma_wait3A_188 = arith.constant 0 : i32
    %dma_wait3A_189 = tpu.memref_slice %arg7[%dma_wait3A_184, %dma_wait3A_187, %dma_wait3A_188] : memref<2x128x128xf32, #tpu.memory_space<vmem>> -> memref<1x128x128xf32, #tpu.memory_space<vmem>>
    %dma_wait3A_190 = tpu.memref_squeeze %dma_wait3A_189 : memref<1x128x128xf32, #tpu.memory_space<vmem>> -> memref<128x128xf32, #tpu.memory_space<vmem>>
    %dma_wait3A_191 = arith.constant 0 : i32
    %dma_wait3A_192 = tpu.memref_slice %arg6[%dma_wait3A_185, %dma_wait3A_186, %dma_wait3A_191] : memref<4x2x128xi32, #tpu.memory_space<vmem>> -> memref<1x1x128xi32, #tpu.memory_space<vmem>>
    %dma_wait3A_193 = tpu.memref_squeeze %dma_wait3A_192 : memref<1x1x128xi32, #tpu.memory_space<vmem>> -> memref<128xi32, #tpu.memory_space<vmem>>
    %dma_wait3A_194 = arith.constant 0 : i32
    %dma_wait3A_195 = arith.constant 0 : i32
    %dma_wait3A_196 = tpu.memref_slice %arg8[%dma_wait3A_194, %dma_wait3A_195] : memref<10112x128xf32, #tpu.memory_space<vmem_shared>> -> memref<10112x128xf32, #tpu.memory_space<vmem_shared>>
    tpu.wait_indirect_dma semaphore(%arg14 : memref<!tpu.dma_semaphore, #tpu.memory_space<semaphore_mem>>) src(%dma_wait3A_190 : memref<128x128xf32, #tpu.memory_space<vmem>>) dst(%dma_wait3A_196 : memref<10112x128xf32, #tpu.memory_space<vmem_shared>>)
    %dma_start3A_197 = arith.constant 3 : i32
    %dma_start3A_198 = arith.constant 0 : i32
    %dma_start3A_199 = arith.constant 1 : i32
    %dma_start3A_200 = arith.constant 0 : i32
    %dma_start3A_201 = arith.constant 0 : i32
    %dma_start3A_202 = tpu.memref_slice %arg7[%dma_start3A_199, %dma_start3A_200, %dma_start3A_201] : memref<2x128x128xf32, #tpu.memory_space<vmem>> -> memref<1x128x128xf32, #tpu.memory_space<vmem>>
    %dma_start3A_203 = tpu.memref_squeeze %dma_start3A_202 : memref<1x128x128xf32, #tpu.memory_space<vmem>> -> memref<128x128xf32, #tpu.memory_space<vmem>>
    %dma_start3A_204 = arith.constant 0 : i32
    %dma_start3A_205 = tpu.memref_slice %arg6[%dma_start3A_197, %dma_start3A_198, %dma_start3A_204] : memref<4x2x128xi32, #tpu.memory_space<vmem>> -> memref<1x1x128xi32, #tpu.memory_space<vmem>>
    %dma_start3A_206 = tpu.memref_squeeze %dma_start3A_205 : memref<1x1x128xi32, #tpu.memory_space<vmem>> -> memref<128xi32, #tpu.memory_space<vmem>>
    %dma_start3A_207 = arith.constant 0 : i32
    %dma_start3A_208 = arith.constant 0 : i32
    %dma_start3A_209 = tpu.memref_slice %arg2[%dma_start3A_207, %dma_start3A_208] : memref<10000x128xf32, #tpu.memory_space<hbm>> -> memref<10000x128xf32, #tpu.memory_space<hbm>>
    tpu.enqueue_indirect_dma source(%dma_start3A_209 : memref<10000x128xf32, #tpu.memory_space<hbm>>) target(%dma_start3A_203 : memref<128x128xf32, #tpu.memory_space<vmem>>) offsets(%dma_start3A_206 : memref<128xi32, #tpu.memory_space<vmem>>) semaphore(%arg10 : memref<!tpu.dma_semaphore, #tpu.memory_space<semaphore_mem>>)
    %dma_wait3A_210 = arith.constant 2 : i32
    %dma_wait3A_211 = arith.constant 0 : i32
    %dma_wait3A_212 = arith.constant 0 : i32
    %dma_wait3A_213 = arith.constant 0 : i32
    %dma_wait3A_214 = arith.constant 0 : i32
    %dma_wait3A_215 = tpu.memref_slice %arg7[%dma_wait3A_212, %dma_wait3A_213, %dma_wait3A_214] : memref<2x128x128xf32, #tpu.memory_space<vmem>> -> memref<1x128x128xf32, #tpu.memory_space<vmem>>
    %dma_wait3A_216 = tpu.memref_squeeze %dma_wait3A_215 : memref<1x128x128xf32, #tpu.memory_space<vmem>> -> memref<128x128xf32, #tpu.memory_space<vmem>>
    %dma_wait3A_217 = arith.constant 0 : i32
    %dma_wait3A_218 = tpu.memref_slice %arg6[%dma_wait3A_210, %dma_wait3A_211, %dma_wait3A_217] : memref<4x2x128xi32, #tpu.memory_space<vmem>> -> memref<1x1x128xi32, #tpu.memory_space<vmem>>
    %dma_wait3A_219 = tpu.memref_squeeze %dma_wait3A_218 : memref<1x1x128xi32, #tpu.memory_space<vmem>> -> memref<128xi32, #tpu.memory_space<vmem>>
    %dma_wait3A_220 = arith.constant 0 : i32
    %dma_wait3A_221 = arith.constant 0 : i32
    %dma_wait3A_222 = tpu.memref_slice %arg2[%dma_wait3A_220, %dma_wait3A_221] : memref<10000x128xf32, #tpu.memory_space<hbm>> -> memref<10000x128xf32, #tpu.memory_space<hbm>>
    tpu.wait_indirect_dma semaphore(%arg9 : memref<!tpu.dma_semaphore, #tpu.memory_space<semaphore_mem>>) src(%dma_wait3A_222 : memref<10000x128xf32, #tpu.memory_space<hbm>>) dst(%dma_wait3A_216 : memref<128x128xf32, #tpu.memory_space<vmem>>)
    %dma_start3A_223 = arith.constant 0 : i32
    %dma_start3A_224 = arith.constant 2 : i32
    %dma_start3A_225 = arith.constant 1 : i32
    %dma_start3A_226 = arith.constant 0 : i32
    %dma_start3A_227 = arith.constant 0 : i32
    %dma_start3A_228 = tpu.memref_slice %arg7[%dma_start3A_223, %dma_start3A_226, %dma_start3A_227] : memref<2x128x128xf32, #tpu.memory_space<vmem>> -> memref<1x128x128xf32, #tpu.memory_space<vmem>>
    %dma_start3A_229 = tpu.memref_squeeze %dma_start3A_228 : memref<1x128x128xf32, #tpu.memory_space<vmem>> -> memref<128x128xf32, #tpu.memory_space<vmem>>
    %dma_start3A_230 = arith.constant 0 : i32
    %dma_start3A_231 = tpu.memref_slice %arg6[%dma_start3A_224, %dma_start3A_225, %dma_start3A_230] : memref<4x2x128xi32, #tpu.memory_space<vmem>> -> memref<1x1x128xi32, #tpu.memory_space<vmem>>
    %dma_start3A_232 = tpu.memref_squeeze %dma_start3A_231 : memref<1x1x128xi32, #tpu.memory_space<vmem>> -> memref<128xi32, #tpu.memory_space<vmem>>
    %dma_start3A_233 = arith.constant 0 : i32
    %dma_start3A_234 = arith.constant 0 : i32
    %dma_start3A_235 = tpu.memref_slice %arg8[%dma_start3A_233, %dma_start3A_234] : memref<10112x128xf32, #tpu.memory_space<vmem_shared>> -> memref<10112x128xf32, #tpu.memory_space<vmem_shared>>
    tpu.enqueue_indirect_dma source(%dma_start3A_229 : memref<128x128xf32, #tpu.memory_space<vmem>>) target(%dma_start3A_235 : memref<10112x128xf32, #tpu.memory_space<vmem_shared>>) offsets(%dma_start3A_232 : memref<128xi32, #tpu.memory_space<vmem>>) semaphore(%arg13 : memref<!tpu.dma_semaphore, #tpu.memory_space<semaphore_mem>>) {add = true}
    %dma_wait3A_236 = arith.constant 0 : i32
    %dma_wait3A_237 = arith.constant 2 : i32
    %dma_wait3A_238 = arith.constant 1 : i32
    %dma_wait3A_239 = arith.constant 0 : i32
    %dma_wait3A_240 = arith.constant 0 : i32
    %dma_wait3A_241 = tpu.memref_slice %arg7[%dma_wait3A_236, %dma_wait3A_239, %dma_wait3A_240] : memref<2x128x128xf32, #tpu.memory_space<vmem>> -> memref<1x128x128xf32, #tpu.memory_space<vmem>>
    %dma_wait3A_242 = tpu.memref_squeeze %dma_wait3A_241 : memref<1x128x128xf32, #tpu.memory_space<vmem>> -> memref<128x128xf32, #tpu.memory_space<vmem>>
    %dma_wait3A_243 = arith.constant 0 : i32
    %dma_wait3A_244 = tpu.memref_slice %arg6[%dma_wait3A_237, %dma_wait3A_238, %dma_wait3A_243] : memref<4x2x128xi32, #tpu.memory_space<vmem>> -> memref<1x1x128xi32, #tpu.memory_space<vmem>>
    %dma_wait3A_245 = tpu.memref_squeeze %dma_wait3A_244 : memref<1x1x128xi32, #tpu.memory_space<vmem>> -> memref<128xi32, #tpu.memory_space<vmem>>
    %dma_wait3A_246 = arith.constant 0 : i32
    %dma_wait3A_247 = arith.constant 0 : i32
    %dma_wait3A_248 = tpu.memref_slice %arg8[%dma_wait3A_246, %dma_wait3A_247] : memref<10112x128xf32, #tpu.memory_space<vmem_shared>> -> memref<10112x128xf32, #tpu.memory_space<vmem_shared>>
    tpu.wait_indirect_dma semaphore(%arg13 : memref<!tpu.dma_semaphore, #tpu.memory_space<semaphore_mem>>) src(%dma_wait3A_242 : memref<128x128xf32, #tpu.memory_space<vmem>>) dst(%dma_wait3A_248 : memref<10112x128xf32, #tpu.memory_space<vmem_shared>>)
    %dma_wait3A_249 = arith.constant 3 : i32
    %dma_wait3A_250 = arith.constant 0 : i32
    %dma_wait3A_251 = arith.constant 1 : i32
    %dma_wait3A_252 = arith.constant 0 : i32
    %dma_wait3A_253 = arith.constant 0 : i32
    %dma_wait3A_254 = tpu.memref_slice %arg7[%dma_wait3A_251, %dma_wait3A_252, %dma_wait3A_253] : memref<2x128x128xf32, #tpu.memory_space<vmem>> -> memref<1x128x128xf32, #tpu.memory_space<vmem>>
    %dma_wait3A_255 = tpu.memref_squeeze %dma_wait3A_254 : memref<1x128x128xf32, #tpu.memory_space<vmem>> -> memref<128x128xf32, #tpu.memory_space<vmem>>
    %dma_wait3A_256 = arith.constant 0 : i32
    %dma_wait3A_257 = tpu.memref_slice %arg6[%dma_wait3A_249, %dma_wait3A_250, %dma_wait3A_256] : memref<4x2x128xi32, #tpu.memory_space<vmem>> -> memref<1x1x128xi32, #tpu.memory_space<vmem>>
    %dma_wait3A_258 = tpu.memref_squeeze %dma_wait3A_257 : memref<1x1x128xi32, #tpu.memory_space<vmem>> -> memref<128xi32, #tpu.memory_space<vmem>>
    %dma_wait3A_259 = arith.constant 0 : i32
    %dma_wait3A_260 = arith.constant 0 : i32
    %dma_wait3A_261 = tpu.memref_slice %arg2[%dma_wait3A_259, %dma_wait3A_260] : memref<10000x128xf32, #tpu.memory_space<hbm>> -> memref<10000x128xf32, #tpu.memory_space<hbm>>
    tpu.wait_indirect_dma semaphore(%arg10 : memref<!tpu.dma_semaphore, #tpu.memory_space<semaphore_mem>>) src(%dma_wait3A_261 : memref<10000x128xf32, #tpu.memory_space<hbm>>) dst(%dma_wait3A_255 : memref<128x128xf32, #tpu.memory_space<vmem>>)
    %dma_start3A_262 = arith.constant 1 : i32
    %dma_start3A_263 = arith.constant 3 : i32
    %dma_start3A_264 = arith.constant 1 : i32
    %dma_start3A_265 = arith.constant 0 : i32
    %dma_start3A_266 = arith.constant 0 : i32
    %dma_start3A_267 = tpu.memref_slice %arg7[%dma_start3A_262, %dma_start3A_265, %dma_start3A_266] : memref<2x128x128xf32, #tpu.memory_space<vmem>> -> memref<1x128x128xf32, #tpu.memory_space<vmem>>
    %dma_start3A_268 = tpu.memref_squeeze %dma_start3A_267 : memref<1x128x128xf32, #tpu.memory_space<vmem>> -> memref<128x128xf32, #tpu.memory_space<vmem>>
    %dma_start3A_269 = arith.constant 0 : i32
    %dma_start3A_270 = tpu.memref_slice %arg6[%dma_start3A_263, %dma_start3A_264, %dma_start3A_269] : memref<4x2x128xi32, #tpu.memory_space<vmem>> -> memref<1x1x128xi32, #tpu.memory_space<vmem>>
    %dma_start3A_271 = tpu.memref_squeeze %dma_start3A_270 : memref<1x1x128xi32, #tpu.memory_space<vmem>> -> memref<128xi32, #tpu.memory_space<vmem>>
    %dma_start3A_272 = arith.constant 0 : i32
    %dma_start3A_273 = arith.constant 0 : i32
    %dma_start3A_274 = tpu.memref_slice %arg8[%dma_start3A_272, %dma_start3A_273] : memref<10112x128xf32, #tpu.memory_space<vmem_shared>> -> memref<10112x128xf32, #tpu.memory_space<vmem_shared>>
    tpu.enqueue_indirect_dma source(%dma_start3A_268 : memref<128x128xf32, #tpu.memory_space<vmem>>) target(%dma_start3A_274 : memref<10112x128xf32, #tpu.memory_space<vmem_shared>>) offsets(%dma_start3A_271 : memref<128xi32, #tpu.memory_space<vmem>>) semaphore(%arg14 : memref<!tpu.dma_semaphore, #tpu.memory_space<semaphore_mem>>) {add = true}
    %dma_wait3A_275 = arith.constant 1 : i32
    %dma_wait3A_276 = arith.constant 3 : i32
    %dma_wait3A_277 = arith.constant 1 : i32
    %dma_wait3A_278 = arith.constant 0 : i32
    %dma_wait3A_279 = arith.constant 0 : i32
    %dma_wait3A_280 = tpu.memref_slice %arg7[%dma_wait3A_275, %dma_wait3A_278, %dma_wait3A_279] : memref<2x128x128xf32, #tpu.memory_space<vmem>> -> memref<1x128x128xf32, #tpu.memory_space<vmem>>
    %dma_wait3A_281 = tpu.memref_squeeze %dma_wait3A_280 : memref<1x128x128xf32, #tpu.memory_space<vmem>> -> memref<128x128xf32, #tpu.memory_space<vmem>>
    %dma_wait3A_282 = arith.constant 0 : i32
    %dma_wait3A_283 = tpu.memref_slice %arg6[%dma_wait3A_276, %dma_wait3A_277, %dma_wait3A_282] : memref<4x2x128xi32, #tpu.memory_space<vmem>> -> memref<1x1x128xi32, #tpu.memory_space<vmem>>
    %dma_wait3A_284 = tpu.memref_squeeze %dma_wait3A_283 : memref<1x1x128xi32, #tpu.memory_space<vmem>> -> memref<128xi32, #tpu.memory_space<vmem>>
    %dma_wait3A_285 = arith.constant 0 : i32
    %dma_wait3A_286 = arith.constant 0 : i32
    %dma_wait3A_287 = tpu.memref_slice %arg8[%dma_wait3A_285, %dma_wait3A_286] : memref<10112x128xf32, #tpu.memory_space<vmem_shared>> -> memref<10112x128xf32, #tpu.memory_space<vmem_shared>>
    tpu.wait_indirect_dma semaphore(%arg14 : memref<!tpu.dma_semaphore, #tpu.memory_space<semaphore_mem>>) src(%dma_wait3A_281 : memref<128x128xf32, #tpu.memory_space<vmem>>) dst(%dma_wait3A_287 : memref<10112x128xf32, #tpu.memory_space<vmem_shared>>)
    %barrier3A_288 = arith.constant 0 : index
    tpu.barrier barrier_id(%barrier3A_288)
    "tpu.region"() ({
      %run_scoped3A_289 = tpu.sem_alloc : memref<!tpu.dma_semaphore, #tpu.memory_space<semaphore_mem>>
      %dma_start3A_290 = arith.constant 0 : i32
      %dma_start3A_291 = tpu.memref_slice %arg5[%arg0, %multiple_of3A, %dma_start3A_290] : memref<2x10112x128xf32, #tpu.memory_space<hbm>> -> memref<1x632x128xf32, #tpu.memory_space<hbm>>
      %dma_start3A_292 = tpu.memref_squeeze %dma_start3A_291 : memref<1x632x128xf32, #tpu.memory_space<hbm>> -> memref<632x128xf32, #tpu.memory_space<hbm>>
      %dma_start3A_293 = arith.constant 0 : i32
      %dma_start3A_294 = tpu.memref_slice %arg8[%multiple_of3A, %dma_start3A_293] : memref<10112x128xf32, #tpu.memory_space<vmem_shared>> -> memref<632x128xf32, #tpu.memory_space<vmem_shared>>
      tpu.enqueue_dma source(%dma_start3A_294 : memref<632x128xf32, #tpu.memory_space<vmem_shared>>) target(%dma_start3A_292 : memref<632x128xf32, #tpu.memory_space<hbm>>) target_semaphore(%run_scoped3A_289 : memref<!tpu.dma_semaphore, #tpu.memory_space<semaphore_mem>>)
      %dma_wait3A_295 = arith.constant 0 : i32
      %dma_wait3A_296 = tpu.memref_slice %arg5[%arg0, %multiple_of3A, %dma_wait3A_295] : memref<2x10112x128xf32, #tpu.memory_space<hbm>> -> memref<1x632x128xf32, #tpu.memory_space<hbm>>
      %dma_wait3A_297 = tpu.memref_squeeze %dma_wait3A_296 : memref<1x632x128xf32, #tpu.memory_space<hbm>> -> memref<632x128xf32, #tpu.memory_space<hbm>>
      %dma_wait3A_298 = arith.constant 0 : i32
      %dma_wait3A_299 = tpu.memref_slice %arg8[%multiple_of3A, %dma_wait3A_298] : memref<10112x128xf32, #tpu.memory_space<vmem_shared>> -> memref<632x128xf32, #tpu.memory_space<vmem_shared>>
      tpu.wait_dma2 semaphore(%run_scoped3A_289 : memref<!tpu.dma_semaphore, #tpu.memory_space<semaphore_mem>>) src(%dma_wait3A_299 : memref<632x128xf32, #tpu.memory_space<vmem_shared>>) dst(%dma_wait3A_297 : memref<632x128xf32, #tpu.memory_space<hbm>>)
      tpu.yield
    }) : () -> ()
    return
  }
}

module attributes {stable_mosaic.version = 14 : i64} {
  func.func @_tc_body(%arg0: i32, %arg1: memref<1x2000x128xf32, #tpu.memory_space<vmem>>, %arg2: memref<1x2000x128xf32, #tpu.memory_space<vmem>>, %arg3: memref<2000x32xf32, #tpu.memory_space<vmem>>, %arg4: memref<2000x128xf32, #tpu.memory_space<vmem>>, %arg5: memref<128x128xf32, #tpu.memory_space<vmem>>, %arg6: memref<128x128xf32, #tpu.memory_space<vmem>>, %arg7: memref<1x128xf32, #tpu.memory_space<vmem>>, %arg8: memref<2000x128xf32, #tpu.memory_space<vmem>>) attributes {dimension_semantics = [#tpu.dimension_semantics<arbitrary>], iteration_bounds = array<i64: 5>, scalar_prefetch = 0 : i64, scratch_operands = 0 : i64, tpu.core_type = #tpu.core_type<tc>, window_params = [{transform_indices = @transform_0, window_bounds = array<i64: 1, 2000, 128>}, {transform_indices = @transform_1, window_bounds = array<i64: 1, 2000, 128>}, {transform_indices = @transform_2, window_bounds = array<i64: 2000, 32>}, {transform_indices = @transform_3, window_bounds = array<i64: 2000, 128>}, {pipeline_mode = #tpu.pipeline_mode<synchronous>, transform_indices = @transform_4, window_bounds = array<i64: 128, 128>}, {pipeline_mode = #tpu.pipeline_mode<synchronous>, transform_indices = @transform_5, window_bounds = array<i64: 128, 128>}, {pipeline_mode = #tpu.pipeline_mode<synchronous>, transform_indices = @transform_6, window_bounds = array<i64: 1, 128>}, {transform_indices = @transform_7, window_bounds = array<i64: 2000, 128>}]} {
    %get3A = arith.constant 0 : index
    %get3A_0 = arith.constant 0 : index
    %get3A_1 = vector.load %arg3[%get3A, %get3A_0] : memref<2000x32xf32, #tpu.memory_space<vmem>>, vector<2000x32xf32>
    %reduce_sum3A = arith.constant dense<0.000000e+00> : vector<2000xf32>
    %reduce_sum3A_2 = vector.multi_reduction <add>, %get3A_1, %reduce_sum3A [1] : vector<2000x32xf32> to vector<2000xf32>
    %max3A = arith.constant 1.000000e+00 : f32
    %max3A_3 = vector.broadcast %max3A : f32 to vector<2000xf32>
    %max3A_4 = arith.maximumf %reduce_sum3A_2, %max3A_3 : vector<2000xf32>
    %broadcast_in_dim3A = vector.shape_cast %max3A_4 : vector<2000xf32> to vector<2000x1xf32>
    %get3A_5 = arith.constant 0 : index
    %get3A_6 = arith.constant 0 : index
    %get3A_7 = arith.constant 0 : index
    %get3A_8 = vector.load %arg1[%get3A_5, %get3A_6, %get3A_7] : memref<1x2000x128xf32, #tpu.memory_space<vmem>>, vector<1x2000x128xf32>
    %get3A_9 = vector.shape_cast %get3A_8 : vector<1x2000x128xf32> to vector<2000x128xf32>
    %get3A_10 = arith.constant 0 : index
    %get3A_11 = arith.constant 0 : index
    %get3A_12 = arith.constant 0 : index
    %get3A_13 = vector.load %arg2[%get3A_10, %get3A_11, %get3A_12] : memref<1x2000x128xf32, #tpu.memory_space<vmem>>, vector<1x2000x128xf32>
    %get3A_14 = vector.shape_cast %get3A_13 : vector<1x2000x128xf32> to vector<2000x128xf32>
    %add3A = arith.addf %get3A_9, %get3A_14 : vector<2000x128xf32>
    %div3A = vector.broadcast %broadcast_in_dim3A : vector<2000x1xf32> to vector<2000x128xf32>
    %div3A_15 = arith.divf %add3A, %div3A : vector<2000x128xf32>
    %get3A_16 = arith.constant 0 : index
    %get3A_17 = arith.constant 0 : index
    %get3A_18 = vector.load %arg5[%get3A_16, %get3A_17] : memref<128x128xf32, #tpu.memory_space<vmem>>, vector<128x128xf32>
    %dot_general3A = arith.constant dense<0.000000e+00> : vector<2000x128xf32>
    %dot_general3A_19 = tpu.matmul %div3A_15, %get3A_18, %dot_general3A {dimension_numbers = #tpu.dot_dimension_numbers<[1], [0], [0], [1], [0, 0, 1, 1], [], []>, transpose_lhs_hint = false} : vector<2000x128xf32>, vector<128x128xf32>, vector<2000x128xf32> -> vector<2000x128xf32>
    %get3A_20 = arith.constant 0 : index
    %get3A_21 = arith.constant 0 : index
    %get3A_22 = vector.load %arg4[%get3A_20, %get3A_21] : memref<2000x128xf32, #tpu.memory_space<vmem>>, vector<2000x128xf32>
    %get3A_23 = arith.constant 0 : index
    %get3A_24 = arith.constant 0 : index
    %get3A_25 = vector.load %arg6[%get3A_23, %get3A_24] : memref<128x128xf32, #tpu.memory_space<vmem>>, vector<128x128xf32>
    %dot_general3A_26 = arith.constant dense<0.000000e+00> : vector<2000x128xf32>
    %dot_general3A_27 = tpu.matmul %get3A_22, %get3A_25, %dot_general3A_26 {dimension_numbers = #tpu.dot_dimension_numbers<[1], [0], [0], [1], [0, 0, 1, 1], [], []>, transpose_lhs_hint = false} : vector<2000x128xf32>, vector<128x128xf32>, vector<2000x128xf32> -> vector<2000x128xf32>
    %add3A_28 = arith.addf %dot_general3A_19, %dot_general3A_27 : vector<2000x128xf32>
    %get3A_29 = arith.constant 0 : index
    %get3A_30 = arith.constant 0 : index
    %get3A_31 = vector.load %arg7[%get3A_29, %get3A_30] : memref<1x128xf32, #tpu.memory_space<vmem>>, vector<1x128xf32>
    %add3A_32 = vector.broadcast %get3A_31 : vector<1x128xf32> to vector<2000x128xf32>
    %add3A_33 = arith.addf %add3A_28, %add3A_32 : vector<2000x128xf32>
    %max3A_34 = arith.constant 0.000000e+00 : f32
    %max3A_35 = vector.broadcast %max3A_34 : f32 to vector<2000x128xf32>
    %max3A_36 = arith.maximumf %add3A_33, %max3A_35 : vector<2000x128xf32>
    %swap3A = arith.constant 0 : index
    %swap3A_37 = arith.constant 0 : index
    %swap3A_38 = vector.load %arg8[%swap3A, %swap3A_37] : memref<2000x128xf32, #tpu.memory_space<vmem>>, vector<2000x128xf32>
    tpu.vector_store %arg8[%swap3A, %swap3A_37], %max3A_36 {strides = array<i32>} : memref<2000x128xf32, #tpu.memory_space<vmem>>, vector<2000x128xf32>,
    return
  }
  func.func @transform_0(%arg0: i32) -> (i32, i32, i32) {
    %c0_i32 = arith.constant 0 : i32
    %c0_i32_0 = arith.constant 0 : i32
    %c0_i32_1 = arith.constant 0 : i32
    return %c0_i32, %arg0, %c0_i32_0 : i32, i32, i32
  }
  func.func @transform_1(%arg0: i32) -> (i32, i32, i32) {
    %c1_i32 = arith.constant 1 : i32
    %c0_i32 = arith.constant 0 : i32
    %c0_i32_0 = arith.constant 0 : i32
    return %c1_i32, %arg0, %c0_i32 : i32, i32, i32
  }
  func.func @transform_2(%arg0: i32) -> (i32, i32) {
    %c0_i32 = arith.constant 0 : i32
    %c0_i32_0 = arith.constant 0 : i32
    return %arg0, %c0_i32 : i32, i32
  }
  func.func @transform_3(%arg0: i32) -> (i32, i32) {
    %c0_i32 = arith.constant 0 : i32
    %c0_i32_0 = arith.constant 0 : i32
    return %arg0, %c0_i32 : i32, i32
  }
  func.func @transform_4(%arg0: i32) -> (i32, i32) {
    %c0_i32 = arith.constant 0 : i32
    %c0_i32_0 = arith.constant 0 : i32
    %c0_i32_1 = arith.constant 0 : i32
    return %c0_i32, %c0_i32_0 : i32, i32
  }
  func.func @transform_5(%arg0: i32) -> (i32, i32) {
    %c0_i32 = arith.constant 0 : i32
    %c0_i32_0 = arith.constant 0 : i32
    %c0_i32_1 = arith.constant 0 : i32
    return %c0_i32, %c0_i32_0 : i32, i32
  }
  func.func @transform_6(%arg0: i32) -> (i32, i32) {
    %c0_i32 = arith.constant 0 : i32
    %c0_i32_0 = arith.constant 0 : i32
    %c0_i32_1 = arith.constant 0 : i32
    return %c0_i32, %c0_i32_0 : i32, i32
  }
  func.func @transform_7(%arg0: i32) -> (i32, i32) {
    %c0_i32 = arith.constant 0 : i32
    %c0_i32_0 = arith.constant 0 : i32
    return %arg0, %c0_i32 : i32, i32
  }
}

module attributes {stable_mosaic.version = 14 : i64} {
  func.func @_tc_body(%arg0: i32, %arg1: memref<1x2000x128xf32, #tpu.memory_space<vmem>>, %arg2: memref<1x2000x128xf32, #tpu.memory_space<vmem>>, %arg3: memref<2000x32xf32, #tpu.memory_space<vmem>>, %arg4: memref<2000x128xf32, #tpu.memory_space<vmem>>, %arg5: memref<128x128xf32, #tpu.memory_space<vmem>>, %arg6: memref<128x128xf32, #tpu.memory_space<vmem>>, %arg7: memref<1x128xf32, #tpu.memory_space<vmem>>, %arg8: memref<2000x128xf32, #tpu.memory_space<vmem>>) attributes {dimension_semantics = [#tpu.dimension_semantics<arbitrary>], iteration_bounds = array<i64: 5>, scalar_prefetch = 0 : i64, scratch_operands = 0 : i64, tpu.core_type = #tpu.core_type<tc>, window_params = [{transform_indices = @transform_0, window_bounds = array<i64: 1, 2000, 128>}, {transform_indices = @transform_1, window_bounds = array<i64: 1, 2000, 128>}, {transform_indices = @transform_2, window_bounds = array<i64: 2000, 32>}, {transform_indices = @transform_3, window_bounds = array<i64: 2000, 128>}, {pipeline_mode = #tpu.pipeline_mode<synchronous>, transform_indices = @transform_4, window_bounds = array<i64: 128, 128>}, {pipeline_mode = #tpu.pipeline_mode<synchronous>, transform_indices = @transform_5, window_bounds = array<i64: 128, 128>}, {pipeline_mode = #tpu.pipeline_mode<synchronous>, transform_indices = @transform_6, window_bounds = array<i64: 1, 128>}, {transform_indices = @transform_7, window_bounds = array<i64: 2000, 128>}]} {
    %get3A = arith.constant 0 : index
    %get3A_0 = arith.constant 0 : index
    %get3A_1 = vector.load %arg3[%get3A, %get3A_0] : memref<2000x32xf32, #tpu.memory_space<vmem>>, vector<2000x32xf32>
    %reduce_sum3A = arith.constant dense<0.000000e+00> : vector<2000xf32>
    %reduce_sum3A_2 = vector.multi_reduction <add>, %get3A_1, %reduce_sum3A [1] : vector<2000x32xf32> to vector<2000xf32>
    %max3A = arith.constant 1.000000e+00 : f32
    %max3A_3 = vector.broadcast %max3A : f32 to vector<2000xf32>
    %max3A_4 = arith.maximumf %reduce_sum3A_2, %max3A_3 : vector<2000xf32>
    %broadcast_in_dim3A = vector.shape_cast %max3A_4 : vector<2000xf32> to vector<2000x1xf32>
    %get3A_5 = arith.constant 0 : index
    %get3A_6 = arith.constant 0 : index
    %get3A_7 = arith.constant 0 : index
    %get3A_8 = vector.load %arg1[%get3A_5, %get3A_6, %get3A_7] : memref<1x2000x128xf32, #tpu.memory_space<vmem>>, vector<1x2000x128xf32>
    %get3A_9 = vector.shape_cast %get3A_8 : vector<1x2000x128xf32> to vector<2000x128xf32>
    %get3A_10 = arith.constant 0 : index
    %get3A_11 = arith.constant 0 : index
    %get3A_12 = arith.constant 0 : index
    %get3A_13 = vector.load %arg2[%get3A_10, %get3A_11, %get3A_12] : memref<1x2000x128xf32, #tpu.memory_space<vmem>>, vector<1x2000x128xf32>
    %get3A_14 = vector.shape_cast %get3A_13 : vector<1x2000x128xf32> to vector<2000x128xf32>
    %add3A = arith.addf %get3A_9, %get3A_14 : vector<2000x128xf32>
    %div3A = vector.broadcast %broadcast_in_dim3A : vector<2000x1xf32> to vector<2000x128xf32>
    %div3A_15 = arith.divf %add3A, %div3A : vector<2000x128xf32>
    %get3A_16 = arith.constant 0 : index
    %get3A_17 = arith.constant 0 : index
    %get3A_18 = vector.load %arg5[%get3A_16, %get3A_17] : memref<128x128xf32, #tpu.memory_space<vmem>>, vector<128x128xf32>
    %dot_general3A = arith.constant dense<0.000000e+00> : vector<2000x128xf32>
    %dot_general3A_19 = tpu.matmul %div3A_15, %get3A_18, %dot_general3A {dimension_numbers = #tpu.dot_dimension_numbers<[1], [0], [0], [1], [0, 0, 1, 1], [], []>, transpose_lhs_hint = false} : vector<2000x128xf32>, vector<128x128xf32>, vector<2000x128xf32> -> vector<2000x128xf32>
    %get3A_20 = arith.constant 0 : index
    %get3A_21 = arith.constant 0 : index
    %get3A_22 = vector.load %arg4[%get3A_20, %get3A_21] : memref<2000x128xf32, #tpu.memory_space<vmem>>, vector<2000x128xf32>
    %get3A_23 = arith.constant 0 : index
    %get3A_24 = arith.constant 0 : index
    %get3A_25 = vector.load %arg6[%get3A_23, %get3A_24] : memref<128x128xf32, #tpu.memory_space<vmem>>, vector<128x128xf32>
    %dot_general3A_26 = arith.constant dense<0.000000e+00> : vector<2000x128xf32>
    %dot_general3A_27 = tpu.matmul %get3A_22, %get3A_25, %dot_general3A_26 {dimension_numbers = #tpu.dot_dimension_numbers<[1], [0], [0], [1], [0, 0, 1, 1], [], []>, transpose_lhs_hint = false} : vector<2000x128xf32>, vector<128x128xf32>, vector<2000x128xf32> -> vector<2000x128xf32>
    %add3A_28 = arith.addf %dot_general3A_19, %dot_general3A_27 : vector<2000x128xf32>
    %get3A_29 = arith.constant 0 : index
    %get3A_30 = arith.constant 0 : index
    %get3A_31 = vector.load %arg7[%get3A_29, %get3A_30] : memref<1x128xf32, #tpu.memory_space<vmem>>, vector<1x128xf32>
    %add3A_32 = vector.broadcast %get3A_31 : vector<1x128xf32> to vector<2000x128xf32>
    %add3A_33 = arith.addf %add3A_28, %add3A_32 : vector<2000x128xf32>
    %reduce_max3A = arith.constant dense<0xFF800000> : vector<2000xf32>
    %reduce_max3A_34 = vector.multi_reduction <maximumf>, %add3A_33, %reduce_max3A [1] : vector<2000x128xf32> to vector<2000xf32>
    %broadcast_in_dim3A_35 = vector.shape_cast %reduce_max3A_34 : vector<2000xf32> to vector<2000x1xf32>
    %sub3A = vector.broadcast %broadcast_in_dim3A_35 : vector<2000x1xf32> to vector<2000x128xf32>
    %sub3A_36 = arith.subf %add3A_33, %sub3A : vector<2000x128xf32>
    %exp3A = math.exp %sub3A_36 : vector<2000x128xf32>
    %reduce_sum3A_37 = arith.constant dense<0.000000e+00> : vector<2000xf32>
    %reduce_sum3A_38 = vector.multi_reduction <add>, %exp3A, %reduce_sum3A_37 [1] : vector<2000x128xf32> to vector<2000xf32>
    %broadcast_in_dim3A_39 = vector.shape_cast %reduce_sum3A_38 : vector<2000xf32> to vector<2000x1xf32>
    %log3A = math.log %broadcast_in_dim3A_39 : vector<2000x1xf32>
    %add3A_40 = arith.addf %log3A, %broadcast_in_dim3A_35 : vector<2000x1xf32>
    %sub3A_41 = vector.broadcast %add3A_40 : vector<2000x1xf32> to vector<2000x128xf32>
    %sub3A_42 = arith.subf %add3A_33, %sub3A_41 : vector<2000x128xf32>
    %swap3A = arith.constant 0 : index
    %swap3A_43 = arith.constant 0 : index
    %swap3A_44 = vector.load %arg8[%swap3A, %swap3A_43] : memref<2000x128xf32, #tpu.memory_space<vmem>>, vector<2000x128xf32>
    tpu.vector_store %arg8[%swap3A, %swap3A_43], %sub3A_42 {strides = array<i32>} : memref<2000x128xf32, #tpu.memory_space<vmem>>, vector<2000x128xf32>,
    return
  }
  func.func @transform_0(%arg0: i32) -> (i32, i32, i32) {
    %c0_i32 = arith.constant 0 : i32
    %c0_i32_0 = arith.constant 0 : i32
    %c0_i32_1 = arith.constant 0 : i32
    return %c0_i32, %arg0, %c0_i32_0 : i32, i32, i32
  }
  func.func @transform_1(%arg0: i32) -> (i32, i32, i32) {
    %c1_i32 = arith.constant 1 : i32
    %c0_i32 = arith.constant 0 : i32
    %c0_i32_0 = arith.constant 0 : i32
    return %c1_i32, %arg0, %c0_i32 : i32, i32, i32
  }
  func.func @transform_2(%arg0: i32) -> (i32, i32) {
    %c0_i32 = arith.constant 0 : i32
    %c0_i32_0 = arith.constant 0 : i32
    return %arg0, %c0_i32 : i32, i32
  }
  func.func @transform_3(%arg0: i32) -> (i32, i32) {
    %c0_i32 = arith.constant 0 : i32
    %c0_i32_0 = arith.constant 0 : i32
    return %arg0, %c0_i32 : i32, i32
  }
  func.func @transform_4(%arg0: i32) -> (i32, i32) {
    %c0_i32 = arith.constant 0 : i32
    %c0_i32_0 = arith.constant 0 : i32
    %c0_i32_1 = arith.constant 0 : i32
    return %c0_i32, %c0_i32_0 : i32, i32
  }
  func.func @transform_5(%arg0: i32) -> (i32, i32) {
    %c0_i32 = arith.constant 0 : i32
    %c0_i32_0 = arith.constant 0 : i32
    %c0_i32_1 = arith.constant 0 : i32
    return %c0_i32, %c0_i32_0 : i32, i32
  }
  func.func @transform_6(%arg0: i32) -> (i32, i32) {
    %c0_i32 = arith.constant 0 : i32
    %c0_i32_0 = arith.constant 0 : i32
    %c0_i32_1 = arith.constant 0 : i32
    return %c0_i32, %c0_i32_0 : i32, i32
  }
  func.func @transform_7(%arg0: i32) -> (i32, i32) {
    %c0_i32 = arith.constant 0 : i32
    %c0_i32_0 = arith.constant 0 : i32
    return %arg0, %c0_i32 : i32, i32
  }
}

</mosaic_0001>

<sc_bundles>
// kernel: kernel.10.cloned.1.call-start
scs
__scs_entry_jumppad:
0x0: {  	(pc) =	sbr.rel $0x88, $3  }
0x1: {  	(tag) =	ssettag $0x0;
	lr =	simm.s32 $0x1  }
0x2: {  	[smem:$0x3F99] =	sst lr;
	_ =	strace $0xD0000000  }
0x3: {  	_ = 	snop  }
0x4: {  	_ = 	snop  }
0x5: {  	_ = 	snop  }
0x6: {  	_ = 	snop  }
0x7: {  	_ = 	snop  }
__scs_overlays_trampoline_lowered:
0x8: {  	[smem:$0x3FA8] =	sst s0  }
0x9: {  	[smem:$0x3FA9] =	sst s1  }
0xa: {  	[smem:$0x3FAA] =	sst s2  }
0xb: {  	[smem:$0x3FAB] =	sst s3  }
0xc: {  	[smem:$0x3FAC] =	sst s4  }
0xd: {  	[smem:$0x3FAD] =	sst s5  }
0xe: {  	[smem:$0x3FAE] =	sst s6  }
0xf: {  	[smem:$0x3FAF] =	sst s7  }
0x10: {  	[smem:$0x3FB0] =	sst s8  }
0x11: {  	[smem:$0x3FB1] =	sst s9;
	s0 =	simm.s32 @!p0 $0x0  }
0x12: {  	s1 =	sld [smem:$0x3F97];
	s0 =	simm.s32 @p0 $0x1  }
0x13: {  	[smem:$0x3FB2] =	sst s0;
	s0 =	simm.s32 @!p1 $0x0  }
0x14: {  	s2 =	sld [smem:$0x3F96];
	s0 =	simm.s32 @p1 $0x1  }
0x15: {  	[smem:$0x3FB3] =	sst s0;
	s0 =	simm.s32 @!p2 $0x0  }
0x16: {  	s3 =	sld [smem:$0x3FDB];
	s0 =	simm.s32 @p2 $0x1  }
0x17: {  	s4 =	simm.s32 $0x1BF5;
	[smem:$0x3FB5] =	sst s0  }
0x18: {  	s0 =	sld [smem:$0x3F98];
	_ =	swait.ge [sflag:s4], $0x0  }
0x19: {  	s7 =	sld [smem:$0x3F99]  }
0x1a: {  	s8 =	sadd.s32 $0xFFFFE003, lr  }
0x1b: {  	s9 =	sadd.s32 $0xFFFFFEF7, lr;
	s5 =	simm.s32 $0xFFFFFFFF;
	p2 =	slt.u32 s8, $0xFFFFF086  }
0x1c: {  	p1 =	slt.u32 s9, $0xF7A;
	s5 =	simm.s32 @!p2 $0x0  }
0x1d: {  	s5 =	simm.s32 @p1 $0x1;
	p0 =	seq.s32 s7, s2  }
0x1e: {  	s7 =	smul.u32 @!p0 $0xF7A, s2;
	p2 =	seq.s32 @!p0 s5, $0x0  }
0x1f: {  	s9 =	smul.u32 $0xF7A, s1;
	s8 =	simm.s32 @!p0 $0x1BF5;
	p2 =	por !p2, p0  }
0x20: {  	[sflag:s8] =	ssyncset.s32 @!p0 $0xFFFFF086;
	s6 =	sadd.s32 @!p0 s3, s7;
	s7 =	simm.s32 @!p0 $0x108  }
0x21: {  	s3 =	sadd.s32 s3, s9;
	s6 =	sadd.s32 @!p0 $0x88, s6;
	s7 =	simm.s32 @p2 $0x1082  }
0x22: {  	[simem:s7], [sflag:s8] =	dma.local @!p0 [hbm:s6], $0xF7A  }
0x23: {  	s9 =	sor.u32 $0xD0000000, s2;
	s6 =	simm.s32 $0x108;
	_ =	swait.ge @!p0 [sflag:s8], $0x0  }
0x24: {  	s3 =	sadd.s32 $0x88, s3;
	s6 =	simm.s32 @!p1 $0x1082;
	[sflag:s4] =	ssyncset.s32 $0xFFFFF086  }
0x25: {  	[simem:s6], [sflag:s4] =	dma.local [hbm:s3], $0xF7A  }
0x26: {  	[smem:$0x3F99] =	sst s1;
	(tag) =	ssettag s2;
	_ =	strace s9  }
0x27: {  	s1 =	sld [smem:$0x3FA9]  }
0x28: {  	s2 =	sld [smem:$0x3FAA]  }
0x29: {  	s4 =	sld [smem:$0x3FAC]  }
0x2a: {  	p0 =	seq.s32 s5, $0x0;
	s5 =	sld [smem:$0x3FAD]  }
0x2b: {  	s6 =	sld [smem:$0x3FAE]  }
0x2c: {  	s7 =	sld [smem:$0x3FAF]  }
0x2d: {  	s3 =	simm.s32 $0x108;
	s8 =	sld [smem:$0x3FB0]  }
0x2e: {  	s3 =	simm.s32 @!p0 $0x1082;
	s9 =	sld [smem:$0x3FB1]  }
0x2f: {  	lr =	sadd.s32 s0, s3;
	s0 =	sld [smem:$0x3FA8]  }
0x30: {  	s3 =	sld [smem:$0x3FAB]  }
0x31: {  	[smem:$0x3FB4] =	sst s10  }
0x32: {  	s10 =	sld [smem:$0x3FB2];
	_ =	sdelay $0x3  }
0x33: {  	p0 =	seq.s32 s10, $0x1;
	s10 =	sld [smem:$0x3FB4];
	_ =	sdelay $0x3  }
0x34: {  	[smem:$0x3FB4] =	sst s10  }
0x35: {  	s10 =	sld [smem:$0x3FB3];
	_ =	sdelay $0x3  }
0x36: {  	p1 =	seq.s32 s10, $0x1;
	s10 =	sld [smem:$0x3FB4];
	_ =	sdelay $0x3  }
0x37: {  	[smem:$0x3FB4] =	sst s10  }
0x38: {  	s10 =	sld [smem:$0x3FB5]  }
0x39: {  	_ = 	snop;
	(pc) =	sbr.ind lr, $3  }
0x3a: {  	_ = 	snop  }
0x3b: {  	_ = 	snop  }
0x3c: {  	p2 =	seq.s32 s10, $0x1;
	s10 =	sld [smem:$0x3FB4]  }
0x3d: {  	_ =	shalt  }
0x3e: {  	_ =	shalt  }
0x3f: {  	_ =	shalt  }
0x40: {  	_ =	shalt  }
0x41: {  	_ =	shalt  }
0x42: {  	_ =	shalt  }
0x43: {  	_ =	shalt  }
0x44: {  	_ =	shalt  }
0x45: {  	_ =	shalt  }
0x46: {  	_ =	shalt  }
0x47: {  	_ =	shalt  }
0x48: {  	_ =	shalt  }
0x49: {  	_ =	shalt  }
0x4a: {  	_ =	shalt  }
0x4b: {  	_ =	shalt  }
0x4c: {  	_ =	shalt  }
0x4d: {  	_ =	shalt  }
0x4e: {  	_ =	shalt  }
0x4f: {  	_ =	shalt  }
0x50: {  	_ =	shalt  }
0x51: {  	_ =	shalt  }
0x52: {  	_ =	shalt  }
0x53: {  	_ =	shalt  }
0x54: {  	_ =	shalt  }
0x55: {  	_ =	shalt  }
0x56: {  	_ =	shalt  }
0x57: {  	_ =	shalt  }
0x58: {  	_ =	shalt  }
0x59: {  	_ =	shalt  }
0x5a: {  	_ =	shalt  }
0x5b: {  	_ =	shalt  }
0x5c: {  	_ =	shalt  }
0x5d: {  	_ =	shalt  }
0x5e: {  	_ =	shalt  }
0x5f: {  	_ =	shalt  }
0x60: {  	_ =	shalt  }
0x61: {  	_ =	shalt  }
0x62: {  	_ =	shalt  }
0x63: {  	_ =	shalt  }
0x64: {  	_ =	shalt  }
0x65: {  	_ =	shalt  }
0x66: {  	_ =	shalt  }
0x67: {  	_ =	shalt  }
0x68: {  	_ =	shalt  }
0x69: {  	_ =	shalt  }
0x6a: {  	_ =	shalt  }
0x6b: {  	_ =	shalt  }
0x6c: {  	_ =	shalt  }
0x6d: {  	_ =	shalt  }
0x6e: {  	_ =	shalt  }
0x6f: {  	_ =	shalt  }
0x70: {  	_ =	shalt  }
0x71: {  	_ =	shalt  }
0x72: {  	_ =	shalt  }
0x73: {  	_ =	shalt  }
0x74: {  	_ =	shalt  }
0x75: {  	_ =	shalt  }
0x76: {  	_ =	shalt  }
0x77: {  	_ =	shalt  }
0x78: {  	_ =	shalt  }
0x79: {  	_ =	shalt  }
0x7a: {  	_ =	shalt  }
0x7b: {  	_ =	shalt  }
0x7c: {  	_ =	shalt  }
0x7d: {  	_ =	shalt  }
0x7e: {  	_ =	shalt  }
0x7f: {  	_ =	shalt  }
0x80: {  	_ =	shalt  }
0x81: {  	_ =	shalt  }
0x82: {  	_ =	shalt  }
0x83: {  	_ =	shalt  }
0x84: {  	_ =	shalt  }
0x85: {  	_ =	shalt  }
0x86: {  	_ =	shalt  }
0x87: {  	_ =	shalt  }
.Lfunc_end0:
.L_simem_size_0:
called_computation.1_lowered:
.L_overlay_start_0:
0x88: {  	s2 =	sld [smem:$0x3FD9]  }
0x89: {  	s3 =	sld [smem:$0x3FFE];
	_ =	sdelay $0x1  }
0x8a: {  	s1 =	srdreg.scid  }
0x8b: {  	s0 =	sand.u32 $0x1, s1  }
0x8c: {  	s17 =	sshll.u32 s0, $0xA;
	s2 =	sadd.s32 s3, s2  }
0x8d: {  	s2 =	sadd.s32 s2, s17  }
0x8e: {  	[smem:$0x3FC0] =	sst s2  }
0x8f: {  	_ = 	snop  }
0x90: {  	s18 =	sld [smem:$0x3FC9];
	(tm) =	ssettm $0x1  }
0x91: {  	s19 =	sld [smem:$0x3FFB];
	_ =	sdelay $0x3  }
0x92: {  	_ =	strace s19  }
0x93: {  	s2 =	sld [smem:$0x3FFC];
	_ =	sdelay $0x3  }
0x94: {  	_ =	strace s2  }
0x95: {  	s2 =	sld [smem:$0x3FFD];
	_ =	sdelay $0x3  }
0x96: {  	_ =	strace s2  }
0x97: {  	_ =	strace $0x8FFFFFFF  }
0x98: {  	s20 =	sld [smem:$0x3FDB];
	_ =	sdelay $0x1  }
0x99: {  	s4 =	simm.s32 $_scs_section_size  }
0x9a: {  	s5 =	simm.s32 $_size__tile_overlayer_lowered;
	s6 =	simm.s32 $_tile_overlayer_lowered  }
0x9b: {  	s7 =	simm.s32 $0x1BFF;
	s21 =	sshll.u32 s6, $0x1;
	s4 =	sadd.s32 s4, s20  }
0x9c: {  	s22 =	simm.s32 $0x0;
	s5 =	sshll.u32 s5, $0x1;
	s6 =	sadd.s32 s21, s4  }
0x9d: {  	[timem:s22], [sflag:s7] =	dma.local [hbm:s6], s5  }
0x9e: {  	_ =	swait.ge [sflag:s7], s5  }
0x9f: {  	s5 =	ssub.s32 $0x0, s5;
	[sflag:s7] =	ssyncset.done $0x0  }
0xa0: {  	[sflag:s7] =	ssyncadd.s32 s5;
	_ =	sdelay $0x1  }
0xa1: {  	s23 =	simm.s32 $0x1B8B  }
0xa2: {  	_ =	swait.ge [sflag:s23], $0x1  }
0xa3: {  	[sflag:s23] =	ssyncset.done $0x0  }
0xa4: {  	[sflag:s23] =	ssyncadd.s32 $0xFFFFFFFF  }
0xa5: {  	s5 =	sld [smem:$0x0]  }
0xa6: {  	s6 =	sand.u32 $0xFFFFFFFE, s1  }
0xa7: {  	p0 =	sne.s32 s1, s6  }
0xa8: {  	s6 =	sshll.u32 @p0 s6, $0xE  }
0xa9: {  	s6 =	sadd.s32 @p0 $0x11B8D, s6;
	s7 =	sshll.u32 @p0 s5, $0x11  }
0xaa: {  	s6 =	sor.u32 @p0 s7, s6  }
0xab: {  	[sflag:s6] =	ssyncadd.remote.s32 @p0 $0x1;
	_ =	sdelay $0x1  }
0xac: {  	s6 =	simm.s32 @p0 $0x1B8D  }
0xad: {  	_ =	swait.eq @p0 [sflag:s6], $0x1  }
0xae: {  	[sflag:s6] =	ssyncadd.s32 @p0 $0xFFFFFFFF  }
0xaf: {  	s7 =	sshll.u32 @!p0 s1, $0xE  }
0xb0: {  	s7 =	sor.u32 @!p0 $0x4000, s7;
	s6 =	simm.s32 @!p0 $0x1B8D  }
0xb1: {  	s5 =	sshll.u32 @!p0 s5, $0x11;
	s7 =	sadd.s32 @!p0 $0x11B8D, s7;
	_ =	swait.eq @!p0 [sflag:s6], $0x1  }
0xb2: {  	s5 =	sor.u32 @!p0 s5, s7;
	[sflag:s6] =	ssyncadd.s32 @!p0 $0xFFFFFFFF  }
0xb3: {  	s25 =	simm.s32 $0x1B8E;
	s24 =	sld [smem:$0x3FFE];
	[sflag:s5] =	ssyncadd.remote.s32 @!p0 $0x1  }
0xb4: {  	s26 =	simm.s32 $execute0_lowered;
	[smem:$0x3FD2] =	sst s25  }
0xb5: {  	s6 =	sshll.u32 s26, $0x1;
	_ =	strace $0x80000049;
	[dreg:$0x1] =	wrdreg $0xFFFFFFFF  }
0xb6: {  	s28 =	simm.s32 $_size_execute0_lowered;
	s4 =	sadd.s32 s4, s6;
	[dreg:$0x0] =	wrdreg $0x0  }
0xb7: {  	s6 =	sshll.u32 s28, $0x1;
	[dreg:$0x2] =	wrdreg s4  }
0xb8: {  	[dreg:$0x3] =	wrdreg s6  }
0xb9: {  	[dreg:$0x4] =	wrdreg $0xC0  }
0xba: {  	_ =	task [dreg:s22], $0x5FFFF  }
0xbb: {  	[dreg:$0x1] =	wrdreg $0xFFFFFFFF  }
0xbc: {  	[dreg:$0x0] =	wrdreg $0x60  }
0xbd: {  	[dreg:$0x2] =	wrdreg s18  }
0xbe: {  	[dreg:$0x3] =	wrdreg s24  }
0xbf: {  	[dreg:$0x4] =	wrdreg $0x84000  }
0xc0: {  	[dreg:$0x5] =	wrdreg $0xA  }
0xc1: {  	_ =	task.clear_ibuf [dreg:s22], $0x6FFFF;
	_ =	strace $0x90000049  }
0xc2: {  	s29 =	simm.s32 $0xA;
	_ =	strace $0x8000004B  }
0xc3: {  	_ =	swait.ge [sflag:s29], $0x1  }
0xc4: {  	[sflag:s29] =	ssyncadd.s32 $0xFFFFFFFF  }
0xc5: {  	_ =	strace $0x9000004B  }
0xc6: {  	_ =	sfence  }
0xc7: {  	s30 =	sld [smem:$0x0];
	_ =	sdelay $0x2  }
0xc8: {  	s31 =	sshll.u32 s1, $0xD;
	s1 =	sshrl.u32 s1, $0x2  }
0xc9: {  	s4 =	sand.u32 $0x4000, s31;
	s1 =	sadd.s32 s1, s30  }
0xca: {  	s0 =	sor.u32 s4, s0;
	s1 =	sshll.u32 s1, $0x11  }
0xcb: {  	s0 =	sor.u32 s1, s0  }
0xcc: {  	s0 =	sadd.s32 $0x8F2B, s0  }
0xcd: {  	[sflag:s0] =	ssyncadd.remote.s32 $0x1  }
0xce: {  	_ =	sfence.sel $0xFFFF  }
0xcf: {  	[dreg:$0x0] =	wrdreg $0xFFFFFFFF;
	(pc) =	sbr.abs _section_cstart, $3  }
0xd0: {  	[dreg:$0x1] =	wrdreg $0xFFFFFFFF  }
0xd1: {  	_ =	task.clear_ibuf [dreg:s22], $0x2FFFF;
	_ =	strace $0x9FFFFFFF  }
0xd2: {  	(tm) =	ssettm $0x7FFFFFFF  }
0xd3: {  	_ =	shalt  }
tec
execute0_lowered:
.L_overlay_start_1:
0x0: {  	(tag) =	ssettag $0x1  }
0x1: {  	s2 =	rddreg [dreg:$0x0]  }
0x2: {  	s0 =	rddreg [dreg:$0x1]  }
0x3: {  	s3 =	rddreg [dreg:$0x2];
	s11 =	stileid.u32;
	s4 =	simm.s32 $0x0  }
0x4: {  	s5 =	srdreg.scid;
	s28 =	simm.s32 $0x2;
	s29 =	simm.s32 $0x300  }
0x5: {  	s30 =	simm.s32 $0x180;
	s31 =	simm.s32 $0x4;
	s1 =	smul.u32 $0x13C00, s11  }
0x6: {  	[smem:$0x7FF] =	sst s4;
	s5 =	sand.u32 $0x1, s5;
	s16 =	smul.u32 $0x4F000, s11  }
0x7: {  	s8 =	sadd.s32 $0xC400, s0;
	s18 =	smul.u32 $0x5000, s11;
	s20 =	sshll.u32 s11, $0x6  }
0x8: {  	_ =	strace $0x8000004A;
	s7 =	smul.u32 $0x13C000, s5;
	s9 =	sshll.u32 s5, $0x4  }
0x9: {  	s10 =	ssub.s32 $0x2, s5;
	s5 =	smul.u32 $0x50000, s5;
	s6 =	sshrl.u32 s1, $0x3  }
0xa: {  	s9 =	sor.u32 s11, s9;
	s17 =	sshrl.u32 s10, $0x1;
	s6 =	sadd.s32 s6, s0  }
0xb: {  	s1 =	sadd.s32 s1, s7;
	s9 =	smul.u32 $0x5000, s9;
	s7 =	sshrl.u32 s16, $0x2  }
0xc: {  	s5 =	sadd.s32 s18, s5;
	s18 =	simm.s32 $0x7;
	s1 =	sshrl.u32 s1, $0x3  }
0xd: {  	s6 =	sadd.s32 $0x20400, s6;
	s22 =	sor.u32 $0x500, s5;
	s25 =	sor.u32 $0x400, s5  }
0xe: {  	s26 =	sor.u32 $0x300, s5;
	s5 =	sor.u32 $0x200, s5;
	s0 =	sadd.s32 s1, s0  }
0xf: {  	s1 =	ssub.s32 s10, s17;
	s17 =	sadd.s32 s7, s3;
	[dreg:$0x4] =	wrdreg s6  }
0x10: {  	s19 =	sshrl.u32 s9, $0x3;
	s7 =	sor.u32 $0x1C07, s20;
	s9 =	sshrl.u32 s22, $0x3  }
0x11: {  	s5 =	sshrl.u32 s5, $0x3;
	s20 =	simm.s32 $0x400;
	s22 =	simm.s32 $0x4400  }
0x12: {  	s6 =	sadd.s32 s8, s19;
	s0 =	sadd.s32 $0x47C00, s0;
	s12 =	smax.u32 s1, $0x1  }
0x13: {  	s13 =	sadd.s32 s9, s8;
	s1 =	sshrl.u32 s26, $0x3;
	s16 =	sadd.s32 s5, s8  }
0x14: {  	s17 =	sshrl.u32 s17, $0x3;
	s19 =	simm.s32 $0x80;
	s26 =	simm.s32 $0x5  }
0x15: {  	s5 =	simm.s32 $0x380;
	s21 =	sadd.s32 $0x20, s6;
	[dreg:$0x8] =	wrdreg s0  }
0x16: {  	s23 =	sadd.s32 $0x9C0, s6;
	s24 =	sadd.s32 $0x9E0, s6;
	[dreg:$0x5] =	wrdreg s21  }
0x17: {  	s0 =	sshrl.u32 s25, $0x3;
	s15 =	sadd.s32 s1, s8;
	[dreg:$0x6] =	wrdreg s23  }
0x18: {  	s25 =	simm.s32 $0x3;
	s1 =	simm.s32 $0x280;
	[dreg:$0x7] =	wrdreg s24  }
0x19: {  	s14 =	sadd.s32 s0, s8;
	s21 =	simm.s32 $0x100;
	s23 =	simm.s32 $0x1  }
0x1a: {  	s24 =	simm.s32 $0x200;
	s0 =	simm.s32 $0x6;
	s8 =	simm.s32 $0x0  }
.LBB2_1:
0x1b: {  	s9 =	rddreg [dreg:$0x4]  }
0x1c: {  	[spmem:s17], [sflag:s7] =	dma.local [hbm:s9], $0x2780  }
0x1d: {  	_ =	swait.ge [sflag:s18], $0x2780  }
0x1e: {  	[sflag:s18] =	ssyncset.done $0x0  }
0x1f: {  	[sflag:s18] =	ssyncadd.s32 $0xFFFFD880  }
0x20: {  	[bflag:$0x0] =	sbarrier.arrive $0xFFFF  }
0x21: {  	[tilespmem:s4], [sflag:$0x7] =	stream.linear.gather [hbm4b:s6+s4], $0x100, $0x38;
	[tilespmem:$0x1C000] =	vst v63  }
0x22: {  	_ =	swait.ge [sflag:s18], $0x100  }
0x23: {  	[sflag:s18] =	ssyncset.done $0x0  }
0x24: {  	[sflag:s18] =	ssyncadd.s32 $0xFFFFFF00  }
0x25: {  	[tilespmem:s20], [sflag:$0x1] =	stream.indirect.gather [hbm4b:s2+s19], $0x80, s4, s19, $0xb8;
	[tilespmem:$0x1C000] =	vst v63  }
0x26: {  	s11 =	rddreg [dreg:$0x5]  }
0x27: {  	[tilespmem:s21], [sflag:$0x7] =	stream.linear.gather [hbm4b:s11+s4], $0x100, $0x38;
	[tilespmem:$0x1C000] =	vst v63  }
0x28: {  	_ =	swait.ge [sflag:s18], $0x100  }
0x29: {  	[sflag:s18] =	ssyncset.done $0x0  }
0x2a: {  	[sflag:s18] =	ssyncadd.s32 $0xFFFFFF00  }
0x2b: {  	[tilespmem:s22], [sflag:$0x2] =	stream.indirect.gather [hbm4b:s2+s19], $0x80, s21, s19, $0xb8;
	[tilespmem:$0x1C000] =	vst v63  }
0x2c: {  	_ =	swait.ge [sflag:s23], $0x4000  }
0x2d: {  	[sflag:s23] =	ssyncset.done $0x0  }
0x2e: {  	s10 =	sadd.s32 $0x0, s16;
	[sflag:s23] =	ssyncadd.s32 $0xFFFFC000  }
0x2f: {  	[tilespmem:s24], [sflag:$0x3] =	stream.linear.gather [hbm4b:s10+s4], $0x100, $0x38;
	[tilespmem:$0x1C000] =	vst v63  }
0x30: {  	_ = 	snop  }
0x31: {  	[spmem:s3] =	stream.indirect.scatter.add.f32 [tilespmem:s20], [sflag:$0x5], $0x80, s19, s19, $0xb8;
	[tilespmem:$0x1C000] =	vst v63  }
0x32: {  	_ =	swait.ge [sflag:s25], $0x100  }
0x33: {  	[sflag:s25] =	ssyncset.done $0x0  }
0x34: {  	[sflag:s25] =	ssyncadd.s32 $0xFFFFFF00  }
0x35: {  	_ =	swait.ge [sflag:s26], $0x4000  }
0x36: {  	[sflag:s26] =	ssyncset.done $0x0  }
0x37: {  	[sflag:s26] =	ssyncadd.s32 $0xFFFFC000  }
0x38: {  	[tilespmem:s20], [sflag:$0x1] =	stream.indirect.gather [hbm4b:s2+s19], $0x80, s24, s19, $0xb8;
	[tilespmem:$0x1C000] =	vst v63  }
0x39: {  	_ =	swait.ge [sflag:s28], $0x4000  }
0x3a: {  	[sflag:s28] =	ssyncset.done $0x0  }
0x3b: {  	s11 =	sadd.s32 $0x0, s15;
	[sflag:s28] =	ssyncadd.s32 $0xFFFFC000  }
0x3c: {  	[tilespmem:s29], [sflag:$0x4] =	stream.linear.gather [hbm4b:s11+s4], $0x100, $0x38;
	[tilespmem:$0x1C000] =	vst v63  }
0x3d: {  	_ = 	snop  }
0x3e: {  	[spmem:s3] =	stream.indirect.scatter.add.f32 [tilespmem:s22], [sflag:$0x6], $0x80, s30, s19, $0xb8;
	[tilespmem:$0x1C000] =	vst v63  }
0x3f: {  	_ =	swait.ge [sflag:s31], $0x100  }
0x40: {  	[sflag:s31] =	ssyncset.done $0x0  }
0x41: {  	[sflag:s31] =	ssyncadd.s32 $0xFFFFFF00  }
0x42: {  	_ =	swait.ge [sflag:s0], $0x4000  }
0x43: {  	[sflag:s0] =	ssyncset.done $0x0  }
0x44: {  	[sflag:s0] =	ssyncadd.s32 $0xFFFFC000  }
0x45: {  	[tilespmem:s22], [sflag:$0x2] =	stream.indirect.gather [hbm4b:s2+s19], $0x80, s29, s19, $0xb8;
	[tilespmem:$0x1C000] =	vst v63  }
0x46: {  	_ =	swait.ge [sflag:s23], $0x4000  }
0x47: {  	[sflag:s23] =	ssyncset.done $0x0  }
0x48: {  	s10 =	sadd.s32 $0x0, s14;
	[sflag:s23] =	ssyncadd.s32 $0xFFFFC000  }
0x49: {  	[tilespmem:s4], [sflag:$0x3] =	stream.linear.gather [hbm4b:s10+s4], $0x100, $0x38;
	[tilespmem:$0x1C000] =	vst v63  }
0x4a: {  	_ = 	snop  }
0x4b: {  	[spmem:s3] =	stream.indirect.scatter.add.f32 [tilespmem:s20], [sflag:$0x5], $0x80, s1, s19, $0xb8;
	[tilespmem:$0x1C000] =	vst v63  }
0x4c: {  	_ =	swait.ge [sflag:s25], $0x100  }
0x4d: {  	[sflag:s25] =	ssyncset.done $0x0  }
0x4e: {  	[sflag:s25] =	ssyncadd.s32 $0xFFFFFF00  }
0x4f: {  	_ =	swait.ge [sflag:s26], $0x4000  }
0x50: {  	[sflag:s26] =	ssyncset.done $0x0  }
0x51: {  	[sflag:s26] =	ssyncadd.s32 $0xFFFFC000  }
0x52: {  	[tilespmem:s20], [sflag:$0x1] =	stream.indirect.gather [hbm4b:s2+s19], $0x80, s4, s19, $0xb8;
	[tilespmem:$0x1C000] =	vst v63  }
0x53: {  	_ =	swait.ge [sflag:s28], $0x4000  }
0x54: {  	[sflag:s28] =	ssyncset.done $0x0  }
0x55: {  	s11 =	sadd.s32 $0x0, s13;
	[sflag:s28] =	ssyncadd.s32 $0xFFFFC000  }
0x56: {  	[tilespmem:s21], [sflag:$0x4] =	stream.linear.gather [hbm4b:s11+s4], $0x100, $0x38;
	[tilespmem:$0x1C000] =	vst v63  }
0x57: {  	_ = 	snop  }
0x58: {  	[spmem:s3] =	stream.indirect.scatter.add.f32 [tilespmem:s22], [sflag:$0x6], $0x80, s5, s19, $0xb8;
	[tilespmem:$0x1C000] =	vst v63  }
0x59: {  	_ =	swait.ge [sflag:s31], $0x100  }
0x5a: {  	[sflag:s31] =	ssyncset.done $0x0  }
0x5b: {  	[sflag:s31] =	ssyncadd.s32 $0xFFFFFF00  }
0x5c: {  	_ =	swait.ge [sflag:s0], $0x4000  }
0x5d: {  	[sflag:s0] =	ssyncset.done $0x0  }
0x5e: {  	s9 =	simm.s32 $0x80;
	[sflag:s0] =	ssyncadd.s32 $0xFFFFC000  }
.LBB2_2:
0x5f: {  	[tilespmem:s22], [sflag:$0x2] =	stream.indirect.gather [hbm4b:s2+s19], $0x80, s21, s19, $0xb8;
	[tilespmem:$0x1C000] =	vst v63  }
0x60: {  	s10 =	smov.u32 s9  }
0x61: {  	p0 =	sne.s32 s9, $0x900;
	s9 =	sadd.s32 $0x80, s9;
	_ =	swait.ge [sflag:s23], $0x4000  }
0x62: {  	[sflag:s23] =	ssyncset.done $0x0  }
0x63: {  	s11 =	sadd.s32 s10, s16;
	[sflag:s23] =	ssyncadd.s32 $0xFFFFC000  }
0x64: {  	[tilespmem:s24], [sflag:$0x3] =	stream.linear.gather [hbm4b:s11+s4], $0x100, $0x38;
	[tilespmem:$0x1C000] =	vst v63  }
0x65: {  	_ = 	snop  }
0x66: {  	[spmem:s3] =	stream.indirect.scatter.add.f32 [tilespmem:s20], [sflag:$0x5], $0x80, s19, s19, $0xb8;
	[tilespmem:$0x1C000] =	vst v63  }
0x67: {  	_ =	swait.ge [sflag:s25], $0x100  }
0x68: {  	[sflag:s25] =	ssyncset.done $0x0  }
0x69: {  	[sflag:s25] =	ssyncadd.s32 $0xFFFFFF00  }
0x6a: {  	_ =	swait.ge [sflag:s26], $0x4000  }
0x6b: {  	[sflag:s26] =	ssyncset.done $0x0  }
0x6c: {  	[sflag:s26] =	ssyncadd.s32 $0xFFFFC000  }
0x6d: {  	[tilespmem:s20], [sflag:$0x1] =	stream.indirect.gather [hbm4b:s2+s19], $0x80, s24, s19, $0xb8;
	[tilespmem:$0x1C000] =	vst v63  }
0x6e: {  	_ =	swait.ge [sflag:s28], $0x4000  }
0x6f: {  	[sflag:s28] =	ssyncset.done $0x0  }
0x70: {  	s11 =	sadd.s32 s10, s15;
	[sflag:s28] =	ssyncadd.s32 $0xFFFFC000  }
0x71: {  	[tilespmem:s29], [sflag:$0x4] =	stream.linear.gather [hbm4b:s11+s4], $0x100, $0x38;
	[tilespmem:$0x1C000] =	vst v63  }
0x72: {  	_ = 	snop  }
0x73: {  	[spmem:s3] =	stream.indirect.scatter.add.f32 [tilespmem:s22], [sflag:$0x6], $0x80, s30, s19, $0xb8;
	[tilespmem:$0x1C000] =	vst v63  }
0x74: {  	_ =	swait.ge [sflag:s31], $0x100  }
0x75: {  	[sflag:s31] =	ssyncset.done $0x0  }
0x76: {  	[sflag:s31] =	ssyncadd.s32 $0xFFFFFF00  }
0x77: {  	_ =	swait.ge [sflag:s0], $0x4000  }
0x78: {  	[sflag:s0] =	ssyncset.done $0x0  }
0x79: {  	[sflag:s0] =	ssyncadd.s32 $0xFFFFC000  }
0x7a: {  	[tilespmem:s22], [sflag:$0x2] =	stream.indirect.gather [hbm4b:s2+s19], $0x80, s29, s19, $0xb8;
	[tilespmem:$0x1C000] =	vst v63  }
0x7b: {  	_ =	swait.ge [sflag:s23], $0x4000  }
0x7c: {  	[sflag:s23] =	ssyncset.done $0x0  }
0x7d: {  	s11 =	sadd.s32 s10, s14;
	[sflag:s23] =	ssyncadd.s32 $0xFFFFC000  }
0x7e: {  	[tilespmem:s4], [sflag:$0x3] =	stream.linear.gather [hbm4b:s11+s4], $0x100, $0x38;
	[tilespmem:$0x1C000] =	vst v63  }
0x7f: {  	_ = 	snop  }
0x80: {  	[spmem:s3] =	stream.indirect.scatter.add.f32 [tilespmem:s20], [sflag:$0x5], $0x80, s1, s19, $0xb8;
	[tilespmem:$0x1C000] =	vst v63  }
0x81: {  	_ =	swait.ge [sflag:s25], $0x100  }
0x82: {  	[sflag:s25] =	ssyncset.done $0x0  }
0x83: {  	[sflag:s25] =	ssyncadd.s32 $0xFFFFFF00  }
0x84: {  	_ =	swait.ge [sflag:s26], $0x4000  }
0x85: {  	[sflag:s26] =	ssyncset.done $0x0  }
0x86: {  	[sflag:s26] =	ssyncadd.s32 $0xFFFFC000  }
0x87: {  	[tilespmem:s20], [sflag:$0x1] =	stream.indirect.gather [hbm4b:s2+s19], $0x80, s4, s19, $0xb8;
	[tilespmem:$0x1C000] =	vst v63  }
0x88: {  	_ =	swait.ge [sflag:s28], $0x4000  }
0x89: {  	[sflag:s28] =	ssyncset.done $0x0  }
0x8a: {  	s10 =	sadd.s32 s10, s13;
	[sflag:s28] =	ssyncadd.s32 $0xFFFFC000  }
0x8b: {  	[tilespmem:s21], [sflag:$0x4] =	stream.linear.gather [hbm4b:s10+s4], $0x100, $0x38;
	[tilespmem:$0x1C000] =	vst v63  }
0x8c: {  	_ = 	snop  }
0x8d: {  	[spmem:s3] =	stream.indirect.scatter.add.f32 [tilespmem:s22], [sflag:$0x6], $0x80, s5, s19, $0xb8;
	[tilespmem:$0x1C000] =	vst v63  }
0x8e: {  	_ =	swait.ge [sflag:s31], $0x100  }
.Ltmp0:
0x8f: {  	[sflag:s31] =	ssyncset.done $0x0;
	(pc) =	sbr.rel @p0 .LBB2_2-.Ltmp0, $4  }
0x90: {  	[sflag:s31] =	ssyncadd.s32 $0xFFFFFF00  }
0x91: {  	_ =	swait.ge [sflag:s0], $0x4000  }
0x92: {  	[sflag:s0] =	ssyncset.done $0x0  }
0x93: {  	[sflag:s0] =	ssyncadd.s32 $0xFFFFC000  }
0x94: {  	[tilespmem:s22], [sflag:$0x2] =	stream.indirect.gather [hbm4b:s2+s19], $0x80, s21, s19, $0xb8;
	[tilespmem:$0x1C000] =	vst v63  }
0x95: {  	_ =	swait.ge [sflag:s23], $0x4000  }
0x96: {  	[sflag:s23] =	ssyncset.done $0x0  }
0x97: {  	s9 =	rddreg [dreg:$0x6];
	[sflag:s23] =	ssyncadd.s32 $0xFFFFC000  }
0x98: {  	[tilespmem:s24], [sflag:$0x3] =	stream.linear.gather [hbm4b:s9+s4], $0x100, $0x38;
	[tilespmem:$0x1C000] =	vst v63  }
0x99: {  	_ = 	snop  }
0x9a: {  	[spmem:s3] =	stream.indirect.scatter.add.f32 [tilespmem:s20], [sflag:$0x5], $0x80, s19, s19, $0xb8;
	[tilespmem:$0x1C000] =	vst v63  }
0x9b: {  	_ =	swait.ge [sflag:s25], $0x100  }
0x9c: {  	[sflag:s25] =	ssyncset.done $0x0  }
0x9d: {  	[sflag:s25] =	ssyncadd.s32 $0xFFFFFF00  }
0x9e: {  	_ =	swait.ge [sflag:s26], $0x4000  }
0x9f: {  	[sflag:s26] =	ssyncset.done $0x0  }
0xa0: {  	[sflag:s26] =	ssyncadd.s32 $0xFFFFC000  }
0xa1: {  	[tilespmem:s20], [sflag:$0x1] =	stream.indirect.gather [hbm4b:s2+s19], $0x80, s24, s19, $0xb8;
	[tilespmem:$0x1C000] =	vst v63  }
0xa2: {  	_ =	swait.ge [sflag:s28], $0x4000  }
0xa3: {  	[sflag:s28] =	ssyncset.done $0x0  }
0xa4: {  	s10 =	rddreg [dreg:$0x7];
	[sflag:s28] =	ssyncadd.s32 $0xFFFFC000  }
0xa5: {  	[tilespmem:s29], [sflag:$0x4] =	stream.linear.gather [hbm4b:s10+s4], $0x100, $0x38;
	[tilespmem:$0x1C000] =	vst v63  }
0xa6: {  	_ = 	snop  }
0xa7: {  	[spmem:s3] =	stream.indirect.scatter.add.f32 [tilespmem:s22], [sflag:$0x6], $0x80, s30, s19, $0xb8;
	[tilespmem:$0x1C000] =	vst v63  }
0xa8: {  	_ =	swait.ge [sflag:s31], $0x100  }
0xa9: {  	[sflag:s31] =	ssyncset.done $0x0  }
0xaa: {  	[sflag:s31] =	ssyncadd.s32 $0xFFFFFF00  }
0xab: {  	_ =	swait.ge [sflag:s0], $0x4000  }
0xac: {  	[sflag:s0] =	ssyncset.done $0x0  }
0xad: {  	[sflag:s0] =	ssyncadd.s32 $0xFFFFC000  }
0xae: {  	[tilespmem:s22], [sflag:$0x2] =	stream.indirect.gather [hbm4b:s2+s19], $0x80, s29, s19, $0xb8;
	[tilespmem:$0x1C000] =	vst v63  }
0xaf: {  	_ =	swait.ge [sflag:s23], $0x4000  }
0xb0: {  	[sflag:s23] =	ssyncset.done $0x0  }
0xb1: {  	[sflag:s23] =	ssyncadd.s32 $0xFFFFC000  }
0xb2: {  	[spmem:s3] =	stream.indirect.scatter.add.f32 [tilespmem:s20], [sflag:$0x5], $0x80, s1, s19, $0xb8;
	[tilespmem:$0x1C000] =	vst v63  }
0xb3: {  	_ =	swait.ge [sflag:s26], $0x4000  }
0xb4: {  	[sflag:s26] =	ssyncset.done $0x0  }
0xb5: {  	[sflag:s26] =	ssyncadd.s32 $0xFFFFC000  }
0xb6: {  	_ =	swait.ge [sflag:s28], $0x4000  }
0xb7: {  	[sflag:s28] =	ssyncset.done $0x0  }
0xb8: {  	[sflag:s28] =	ssyncadd.s32 $0xFFFFC000  }
0xb9: {  	[spmem:s3] =	stream.indirect.scatter.add.f32 [tilespmem:s22], [sflag:$0x6], $0x80, s5, s19, $0xb8;
	[tilespmem:$0x1C000] =	vst v63  }
0xba: {  	_ =	swait.ge [sflag:s0], $0x4000  }
0xbb: {  	[sflag:s0] =	ssyncset.done $0x0  }
0xbc: {  	s8 =	sadd.s32 $0x1, s8;
	[sflag:s0] =	ssyncadd.s32 $0xFFFFC000  }
0xbd: {  	p0 =	sne.s32 s8, s12;
	[bflag:$0x0] =	sbarrier.arrive $0xFFFF  }
.Ltmp1:
0xbe: {  	s11 =	rddreg [dreg:$0x8];
	(pc) =	sbr.rel @p0 .LBB2_1-.Ltmp1, $4  }
0xbf: {  	[hbm:s11], [sflag:s7] =	dma.local [spmem:s17], $0x2780  }
0xc0: {  	_ =	swait.ge [sflag:s18], $0x2780  }
0xc1: {  	[sflag:s18] =	ssyncset.done $0x0  }
0xc2: {  	[sflag:s18] =	ssyncadd.s32 $0xFFFFD880  }
0xc3: {  	_ =	sfence.sel $0x180000  }
0xc4: {  	[bflag:$0x0] =	sbarrier.arrive $0xFFFF  }
0xc5: {  	_ =	strace $0x9000004A  }
0xc6: {  	s0 =	stileid.u32;
	[bflag:$0x2] =	sbarrier.arrive $0xFFFF  }
0xc7: {  	p0 =	sne.s32 s0, $0x0;
	s0 =	rddreg [dreg:$0x3]  }
0xc8: {  	s0 =	sadd.s32 @!p0 $0x100000, s0  }
0xc9: {  	[sflag:s0] =	ssyncadd.tile.s32 @!p0 $0x1;
	_ =	shalt  }
.Lfunc_end2:
_tile_overlayer_lowered:
.L_overlay_start_2:
0xca: {  	(tag) =	ssettag $0x2  }
0xcb: {  	s0 =	rddreg [dreg:$0x0];
	s2 =	stileid.u32  }
0xcc: {  	s1 =	rddreg [dreg:$0x1];
	p0 =	sne.s32 s2, $0x0  }
0xcd: {  	s3 =	rddreg [dreg:$0x2];
	[bflag:$0x3] =	sbarrier.arrive $0xFFFF;
	s2 =	simm.s32 @!p0 $0x1C07  }
0xce: {  	[timem:s3], [sflag:s2] =	dma.local @!p0 [hbm:s0], s1  }
0xcf: {  	s0 =	simm.s32 @!p0 $0x7  }
0xd0: {  	_ =	swait.ge @!p0 [sflag:s0], s1  }
0xd1: {  	s1 =	ssub.s32 @!p0 $0x0, s1;
	[sflag:s0] =	ssyncset.done @!p0 $0x0  }
0xd2: {  	[sflag:s0] =	ssyncadd.s32 @!p0 s1  }
0xd3: {  	[bflag:$0x3] =	sbarrier.arrive $0xFFFF  }
0xd4: {  	_ =	shalt  }

// kernel: kernel.13.cloned.1.call-start
scs
__scs_entry_jumppad:
0x0: {  	(pc) =	sbr.rel $0x88, $3  }
0x1: {  	(tag) =	ssettag $0x0;
	lr =	simm.s32 $0x1  }
0x2: {  	[smem:$0x3F99] =	sst lr;
	_ =	strace $0xD0000000  }
0x3: {  	_ = 	snop  }
0x4: {  	_ = 	snop  }
0x5: {  	_ = 	snop  }
0x6: {  	_ = 	snop  }
0x7: {  	_ = 	snop  }
__scs_overlays_trampoline_lowered:
0x8: {  	[smem:$0x3FA8] =	sst s0  }
0x9: {  	[smem:$0x3FA9] =	sst s1  }
0xa: {  	[smem:$0x3FAA] =	sst s2  }
0xb: {  	[smem:$0x3FAB] =	sst s3  }
0xc: {  	[smem:$0x3FAC] =	sst s4  }
0xd: {  	[smem:$0x3FAD] =	sst s5  }
0xe: {  	[smem:$0x3FAE] =	sst s6  }
0xf: {  	[smem:$0x3FAF] =	sst s7  }
0x10: {  	[smem:$0x3FB0] =	sst s8  }
0x11: {  	[smem:$0x3FB1] =	sst s9;
	s0 =	simm.s32 @!p0 $0x0  }
0x12: {  	s1 =	sld [smem:$0x3F97];
	s0 =	simm.s32 @p0 $0x1  }
0x13: {  	[smem:$0x3FB2] =	sst s0;
	s0 =	simm.s32 @!p1 $0x0  }
0x14: {  	s2 =	sld [smem:$0x3F96];
	s0 =	simm.s32 @p1 $0x1  }
0x15: {  	[smem:$0x3FB3] =	sst s0;
	s0 =	simm.s32 @!p2 $0x0  }
0x16: {  	s3 =	sld [smem:$0x3FDB];
	s0 =	simm.s32 @p2 $0x1  }
0x17: {  	s4 =	simm.s32 $0x1BF5;
	[smem:$0x3FB5] =	sst s0  }
0x18: {  	s0 =	sld [smem:$0x3F98];
	_ =	swait.ge [sflag:s4], $0x0  }
0x19: {  	s7 =	sld [smem:$0x3F99]  }
0x1a: {  	s8 =	sadd.s32 $0xFFFFE003, lr  }
0x1b: {  	s9 =	sadd.s32 $0xFFFFFEF7, lr;
	s5 =	simm.s32 $0xFFFFFFFF;
	p2 =	slt.u32 s8, $0xFFFFF086  }
0x1c: {  	p1 =	slt.u32 s9, $0xF7A;
	s5 =	simm.s32 @!p2 $0x0  }
0x1d: {  	s5 =	simm.s32 @p1 $0x1;
	p0 =	seq.s32 s7, s2  }
0x1e: {  	s7 =	smul.u32 @!p0 $0xF7A, s2;
	p2 =	seq.s32 @!p0 s5, $0x0  }
0x1f: {  	s9 =	smul.u32 $0xF7A, s1;
	s8 =	simm.s32 @!p0 $0x1BF5;
	p2 =	por !p2, p0  }
0x20: {  	[sflag:s8] =	ssyncset.s32 @!p0 $0xFFFFF086;
	s6 =	sadd.s32 @!p0 s3, s7;
	s7 =	simm.s32 @!p0 $0x108  }
0x21: {  	s3 =	sadd.s32 s3, s9;
	s6 =	sadd.s32 @!p0 $0x88, s6;
	s7 =	simm.s32 @p2 $0x1082  }
0x22: {  	[simem:s7], [sflag:s8] =	dma.local @!p0 [hbm:s6], $0xF7A  }
0x23: {  	s9 =	sor.u32 $0xD0000000, s2;
	s6 =	simm.s32 $0x108;
	_ =	swait.ge @!p0 [sflag:s8], $0x0  }
0x24: {  	s3 =	sadd.s32 $0x88, s3;
	s6 =	simm.s32 @!p1 $0x1082;
	[sflag:s4] =	ssyncset.s32 $0xFFFFF086  }
0x25: {  	[simem:s6], [sflag:s4] =	dma.local [hbm:s3], $0xF7A  }
0x26: {  	[smem:$0x3F99] =	sst s1;
	(tag) =	ssettag s2;
	_ =	strace s9  }
0x27: {  	s1 =	sld [smem:$0x3FA9]  }
0x28: {  	s2 =	sld [smem:$0x3FAA]  }
0x29: {  	s4 =	sld [smem:$0x3FAC]  }
0x2a: {  	p0 =	seq.s32 s5, $0x0;
	s5 =	sld [smem:$0x3FAD]  }
0x2b: {  	s6 =	sld [smem:$0x3FAE]  }
0x2c: {  	s7 =	sld [smem:$0x3FAF]  }
0x2d: {  	s3 =	simm.s32 $0x108;
	s8 =	sld [smem:$0x3FB0]  }
0x2e: {  	s3 =	simm.s32 @!p0 $0x1082;
	s9 =	sld [smem:$0x3FB1]  }
0x2f: {  	lr =	sadd.s32 s0, s3;
	s0 =	sld [smem:$0x3FA8]  }
0x30: {  	s3 =	sld [smem:$0x3FAB]  }
0x31: {  	[smem:$0x3FB4] =	sst s10  }
0x32: {  	s10 =	sld [smem:$0x3FB2];
	_ =	sdelay $0x3  }
0x33: {  	p0 =	seq.s32 s10, $0x1;
	s10 =	sld [smem:$0x3FB4];
	_ =	sdelay $0x3  }
0x34: {  	[smem:$0x3FB4] =	sst s10  }
0x35: {  	s10 =	sld [smem:$0x3FB3];
	_ =	sdelay $0x3  }
0x36: {  	p1 =	seq.s32 s10, $0x1;
	s10 =	sld [smem:$0x3FB4];
	_ =	sdelay $0x3  }
0x37: {  	[smem:$0x3FB4] =	sst s10  }
0x38: {  	s10 =	sld [smem:$0x3FB5]  }
0x39: {  	_ = 	snop;
	(pc) =	sbr.ind lr, $3  }
0x3a: {  	_ = 	snop  }
0x3b: {  	_ = 	snop  }
0x3c: {  	p2 =	seq.s32 s10, $0x1;
	s10 =	sld [smem:$0x3FB4]  }
0x3d: {  	_ =	shalt  }
0x3e: {  	_ =	shalt  }
0x3f: {  	_ =	shalt  }
0x40: {  	_ =	shalt  }
0x41: {  	_ =	shalt  }
0x42: {  	_ =	shalt  }
0x43: {  	_ =	shalt  }
0x44: {  	_ =	shalt  }
0x45: {  	_ =	shalt  }
0x46: {  	_ =	shalt  }
0x47: {  	_ =	shalt  }
0x48: {  	_ =	shalt  }
0x49: {  	_ =	shalt  }
0x4a: {  	_ =	shalt  }
0x4b: {  	_ =	shalt  }
0x4c: {  	_ =	shalt  }
0x4d: {  	_ =	shalt  }
0x4e: {  	_ =	shalt  }
0x4f: {  	_ =	shalt  }
0x50: {  	_ =	shalt  }
0x51: {  	_ =	shalt  }
0x52: {  	_ =	shalt  }
0x53: {  	_ =	shalt  }
0x54: {  	_ =	shalt  }
0x55: {  	_ =	shalt  }
0x56: {  	_ =	shalt  }
0x57: {  	_ =	shalt  }
0x58: {  	_ =	shalt  }
0x59: {  	_ =	shalt  }
0x5a: {  	_ =	shalt  }
0x5b: {  	_ =	shalt  }
0x5c: {  	_ =	shalt  }
0x5d: {  	_ =	shalt  }
0x5e: {  	_ =	shalt  }
0x5f: {  	_ =	shalt  }
0x60: {  	_ =	shalt  }
0x61: {  	_ =	shalt  }
0x62: {  	_ =	shalt  }
0x63: {  	_ =	shalt  }
0x64: {  	_ =	shalt  }
0x65: {  	_ =	shalt  }
0x66: {  	_ =	shalt  }
0x67: {  	_ =	shalt  }
0x68: {  	_ =	shalt  }
0x69: {  	_ =	shalt  }
0x6a: {  	_ =	shalt  }
0x6b: {  	_ =	shalt  }
0x6c: {  	_ =	shalt  }
0x6d: {  	_ =	shalt  }
0x6e: {  	_ =	shalt  }
0x6f: {  	_ =	shalt  }
0x70: {  	_ =	shalt  }
0x71: {  	_ =	shalt  }
0x72: {  	_ =	shalt  }
0x73: {  	_ =	shalt  }
0x74: {  	_ =	shalt  }
0x75: {  	_ =	shalt  }
0x76: {  	_ =	shalt  }
0x77: {  	_ =	shalt  }
0x78: {  	_ =	shalt  }
0x79: {  	_ =	shalt  }
0x7a: {  	_ =	shalt  }
0x7b: {  	_ =	shalt  }
0x7c: {  	_ =	shalt  }
0x7d: {  	_ =	shalt  }
0x7e: {  	_ =	shalt  }
0x7f: {  	_ =	shalt  }
0x80: {  	_ =	shalt  }
0x81: {  	_ =	shalt  }
0x82: {  	_ =	shalt  }
0x83: {  	_ =	shalt  }
0x84: {  	_ =	shalt  }
0x85: {  	_ =	shalt  }
0x86: {  	_ =	shalt  }
0x87: {  	_ =	shalt  }
.Lfunc_end0:
.L_simem_size_0:
called_computation.2_lowered:
.L_overlay_start_0:
0x88: {  	s2 =	sld [smem:$0x3FD9]  }
0x89: {  	s3 =	sld [smem:$0x3FFE];
	_ =	sdelay $0x1  }
0x8a: {  	s1 =	srdreg.scid  }
0x8b: {  	s0 =	sand.u32 $0x1, s1  }
0x8c: {  	s17 =	sshll.u32 s0, $0xA;
	s2 =	sadd.s32 s3, s2  }
0x8d: {  	s2 =	sadd.s32 s2, s17  }
0x8e: {  	[smem:$0x3FC0] =	sst s2  }
0x8f: {  	_ = 	snop  }
0x90: {  	s2 =	sld [smem:$0x3FD0];
	(tm) =	ssettm $0x1  }
0x91: {  	s18 =	sld [smem:$0x3FFB];
	_ =	sdelay $0x3  }
0x92: {  	_ =	strace s18  }
0x93: {  	s3 =	sld [smem:$0x3FFC];
	_ =	sdelay $0x3  }
0x94: {  	_ =	strace s3  }
0x95: {  	s3 =	sld [smem:$0x3FFD];
	_ =	sdelay $0x3  }
0x96: {  	_ =	strace s3  }
0x97: {  	_ =	strace $0x8FFFFFFF  }
0x98: {  	s19 =	sld [smem:$0x3FDB];
	_ =	sdelay $0x1  }
0x99: {  	s4 =	simm.s32 $_scs_section_size  }
0x9a: {  	s5 =	simm.s32 $_size__tile_overlayer_lowered;
	s6 =	simm.s32 $_tile_overlayer_lowered  }
0x9b: {  	s22 =	simm.s32 $0x1BFF;
	s21 =	sshll.u32 s6, $0x1;
	s3 =	sadd.s32 s4, s19  }
0x9c: {  	s7 =	simm.s32 $0x0;
	s20 =	sshll.u32 s5, $0x1;
	s5 =	sadd.s32 s21, s3  }
0x9d: {  	[timem:s7], [sflag:s22] =	dma.local [hbm:s5], s20  }
0x9e: {  	_ =	swait.ge [sflag:s22], s20  }
0x9f: {  	s4 =	ssub.s32 $0x0, s20;
	[sflag:s22] =	ssyncset.done $0x0  }
0xa0: {  	[sflag:s22] =	ssyncadd.s32 s4;
	_ =	sdelay $0x1  }
0xa1: {  	s23 =	simm.s32 $0x1B8B  }
0xa2: {  	_ =	swait.ge [sflag:s23], $0x1  }
0xa3: {  	[sflag:s23] =	ssyncset.done $0x0  }
0xa4: {  	s25 =	simm.s32 $0x1B8E;
	s24 =	sld [smem:$0x3FFE];
	[sflag:s23] =	ssyncadd.s32 $0xFFFFFFFF  }
0xa5: {  	s26 =	simm.s32 $execute0_lowered;
	[smem:$0x3FD2] =	sst s25  }
0xa6: {  	s5 =	sshll.u32 s26, $0x1;
	_ =	strace $0x8000004C;
	[dreg:$0x1] =	wrdreg $0xFFFFFFFF  }
0xa7: {  	s28 =	simm.s32 $_size_execute0_lowered;
	s3 =	sadd.s32 s3, s5;
	[dreg:$0x0] =	wrdreg $0x0  }
0xa8: {  	s5 =	sshll.u32 s28, $0x1;
	[dreg:$0x2] =	wrdreg s3  }
0xa9: {  	[dreg:$0x3] =	wrdreg s5  }
0xaa: {  	[dreg:$0x4] =	wrdreg $0xC0  }
0xab: {  	_ =	task [dreg:s7], $0x5FFFF  }
0xac: {  	[dreg:$0x1] =	wrdreg $0xFFFFFFFF  }
0xad: {  	[dreg:$0x0] =	wrdreg $0x60  }
0xae: {  	[dreg:$0x2] =	wrdreg s2  }
0xaf: {  	[dreg:$0x3] =	wrdreg s24  }
0xb0: {  	[dreg:$0x4] =	wrdreg $0x84000  }
0xb1: {  	[dreg:$0x5] =	wrdreg $0x9  }
0xb2: {  	_ =	task.clear_ibuf [dreg:s7], $0x6FFFF;
	_ =	strace $0x9000004C  }
0xb3: {  	s29 =	simm.s32 $0x9;
	_ =	strace $0x8000004E  }
0xb4: {  	_ =	swait.ge [sflag:s29], $0x1  }
0xb5: {  	[sflag:s29] =	ssyncadd.s32 $0xFFFFFFFF  }
0xb6: {  	_ =	strace $0x9000004E  }
0xb7: {  	_ =	sfence  }
0xb8: {  	s30 =	sld [smem:$0x0];
	_ =	sdelay $0x2  }
0xb9: {  	s31 =	sshll.u32 s1, $0xD;
	s1 =	sshrl.u32 s1, $0x2  }
0xba: {  	s3 =	sand.u32 $0x4000, s31;
	s1 =	sadd.s32 s1, s30  }
0xbb: {  	s0 =	sor.u32 s3, s0;
	s1 =	sshll.u32 s1, $0x11  }
0xbc: {  	s0 =	sor.u32 s1, s0  }
0xbd: {  	s0 =	sadd.s32 $0x8F2B, s0  }
0xbe: {  	[sflag:s0] =	ssyncadd.remote.s32 $0x1  }
0xbf: {  	_ =	sfence.sel $0xFFFF  }
0xc0: {  	[dreg:$0x0] =	wrdreg $0xFFFFFFFF;
	(pc) =	sbr.abs _section_cstart, $3  }
0xc1: {  	[dreg:$0x1] =	wrdreg $0xFFFFFFFF  }
0xc2: {  	_ =	task.clear_ibuf [dreg:s7], $0x2FFFF;
	_ =	strace $0x9FFFFFFF  }
0xc3: {  	(tm) =	ssettm $0x7FFFFFFF  }
tec
execute0_lowered:
.L_overlay_start_1:
0x0: {  	(tag) =	ssettag $0x1  }
0x1: {  	s2 =	rddreg [dreg:$0x0]  }
0x2: {  	s0 =	rddreg [dreg:$0x1]  }
0x3: {  	s3 =	rddreg [dreg:$0x2];
	s11 =	stileid.u32;
	s4 =	simm.s32 $0x0  }
0x4: {  	s5 =	srdreg.scid;
	s28 =	simm.s32 $0x2;
	s29 =	simm.s32 $0x300  }
0x5: {  	s30 =	simm.s32 $0x180;
	s31 =	simm.s32 $0x4;
	s1 =	smul.u32 $0x13C00, s11  }
0x6: {  	[smem:$0x7FF] =	sst s4;
	s5 =	sand.u32 $0x1, s5;
	s16 =	smul.u32 $0x4F000, s11  }
0x7: {  	s8 =	sadd.s32 $0xC400, s0;
	s18 =	smul.u32 $0x5000, s11;
	s20 =	sshll.u32 s11, $0x6  }
0x8: {  	_ =	strace $0x8000004D;
	s7 =	smul.u32 $0x13C000, s5;
	s9 =	sshll.u32 s5, $0x4  }
0x9: {  	s10 =	ssub.s32 $0x2, s5;
	s5 =	smul.u32 $0x50000, s5;
	s6 =	sshrl.u32 s1, $0x3  }
0xa: {  	s9 =	sor.u32 s11, s9;
	s17 =	sshrl.u32 s10, $0x1;
	s6 =	sadd.s32 s6, s0  }
0xb: {  	s1 =	sadd.s32 s1, s7;
	s9 =	smul.u32 $0x5000, s9;
	s7 =	sshrl.u32 s16, $0x2  }
0xc: {  	s5 =	sadd.s32 s18, s5;
	s18 =	simm.s32 $0x7;
	s1 =	sshrl.u32 s1, $0x3  }
0xd: {  	s6 =	sadd.s32 $0x20400, s6;
	s22 =	sor.u32 $0x500, s5;
	s25 =	sor.u32 $0x400, s5  }
0xe: {  	s26 =	sor.u32 $0x300, s5;
	s5 =	sor.u32 $0x200, s5;
	s0 =	sadd.s32 s1, s0  }
0xf: {  	s1 =	ssub.s32 s10, s17;
	s17 =	sadd.s32 s7, s3;
	[dreg:$0x4] =	wrdreg s6  }
0x10: {  	s19 =	sshrl.u32 s9, $0x3;
	s7 =	sor.u32 $0x1C07, s20;
	s9 =	sshrl.u32 s22, $0x3  }
0x11: {  	s5 =	sshrl.u32 s5, $0x3;
	s20 =	simm.s32 $0x400;
	s22 =	simm.s32 $0x4400  }
0x12: {  	s6 =	sadd.s32 s8, s19;
	s0 =	sadd.s32 $0x47C00, s0;
	s12 =	smax.u32 s1, $0x1  }
0x13: {  	s13 =	sadd.s32 s9, s8;
	s1 =	sshrl.u32 s26, $0x3;
	s16 =	sadd.s32 s5, s8  }
0x14: {  	s17 =	sshrl.u32 s17, $0x3;
	s19 =	simm.s32 $0x80;
	s26 =	simm.s32 $0x5  }
0x15: {  	s5 =	simm.s32 $0x380;
	s21 =	sadd.s32 $0x20, s6;
	[dreg:$0x8] =	wrdreg s0  }
0x16: {  	s23 =	sadd.s32 $0x9C0, s6;
	s24 =	sadd.s32 $0x9E0, s6;
	[dreg:$0x5] =	wrdreg s21  }
0x17: {  	s0 =	sshrl.u32 s25, $0x3;
	s15 =	sadd.s32 s1, s8;
	[dreg:$0x6] =	wrdreg s23  }
0x18: {  	s25 =	simm.s32 $0x3;
	s1 =	simm.s32 $0x280;
	[dreg:$0x7] =	wrdreg s24  }
0x19: {  	s14 =	sadd.s32 s0, s8;
	s21 =	simm.s32 $0x100;
	s23 =	simm.s32 $0x1  }
0x1a: {  	s24 =	simm.s32 $0x200;
	s0 =	simm.s32 $0x6;
	s8 =	simm.s32 $0x0  }
.LBB2_1:
0x1b: {  	s9 =	rddreg [dreg:$0x4]  }
0x1c: {  	[spmem:s17], [sflag:s7] =	dma.local [hbm:s9], $0x2780  }
0x1d: {  	_ =	swait.ge [sflag:s18], $0x2780  }
0x1e: {  	[sflag:s18] =	ssyncset.done $0x0  }
0x1f: {  	[sflag:s18] =	ssyncadd.s32 $0xFFFFD880  }
0x20: {  	[bflag:$0x0] =	sbarrier.arrive $0xFFFF  }
0x21: {  	[tilespmem:s4], [sflag:$0x7] =	stream.linear.gather [hbm4b:s6+s4], $0x100, $0x38;
	[tilespmem:$0x1C000] =	vst v63  }
0x22: {  	_ =	swait.ge [sflag:s18], $0x100  }
0x23: {  	[sflag:s18] =	ssyncset.done $0x0  }
0x24: {  	[sflag:s18] =	ssyncadd.s32 $0xFFFFFF00  }
0x25: {  	[tilespmem:s20], [sflag:$0x1] =	stream.indirect.gather [hbm4b:s2+s19], $0x80, s4, s19, $0xb8;
	[tilespmem:$0x1C000] =	vst v63  }
0x26: {  	s11 =	rddreg [dreg:$0x5]  }
0x27: {  	[tilespmem:s21], [sflag:$0x7] =	stream.linear.gather [hbm4b:s11+s4], $0x100, $0x38;
	[tilespmem:$0x1C000] =	vst v63  }
0x28: {  	_ =	swait.ge [sflag:s18], $0x100  }
0x29: {  	[sflag:s18] =	ssyncset.done $0x0  }
0x2a: {  	[sflag:s18] =	ssyncadd.s32 $0xFFFFFF00  }
0x2b: {  	[tilespmem:s22], [sflag:$0x2] =	stream.indirect.gather [hbm4b:s2+s19], $0x80, s21, s19, $0xb8;
	[tilespmem:$0x1C000] =	vst v63  }
0x2c: {  	_ =	swait.ge [sflag:s23], $0x4000  }
0x2d: {  	[sflag:s23] =	ssyncset.done $0x0  }
0x2e: {  	s10 =	sadd.s32 $0x0, s16;
	[sflag:s23] =	ssyncadd.s32 $0xFFFFC000  }
0x2f: {  	[tilespmem:s24], [sflag:$0x3] =	stream.linear.gather [hbm4b:s10+s4], $0x100, $0x38;
	[tilespmem:$0x1C000] =	vst v63  }
0x30: {  	_ = 	snop  }
0x31: {  	[spmem:s3] =	stream.indirect.scatter.add.f32 [tilespmem:s20], [sflag:$0x5], $0x80, s19, s19, $0xb8;
	[tilespmem:$0x1C000] =	vst v63  }
0x32: {  	_ =	swait.ge [sflag:s25], $0x100  }
0x33: {  	[sflag:s25] =	ssyncset.done $0x0  }
0x34: {  	[sflag:s25] =	ssyncadd.s32 $0xFFFFFF00  }
0x35: {  	_ =	swait.ge [sflag:s26], $0x4000  }
0x36: {  	[sflag:s26] =	ssyncset.done $0x0  }
0x37: {  	[sflag:s26] =	ssyncadd.s32 $0xFFFFC000  }
0x38: {  	[tilespmem:s20], [sflag:$0x1] =	stream.indirect.gather [hbm4b:s2+s19], $0x80, s24, s19, $0xb8;
	[tilespmem:$0x1C000] =	vst v63  }
0x39: {  	_ =	swait.ge [sflag:s28], $0x4000  }
0x3a: {  	[sflag:s28] =	ssyncset.done $0x0  }
0x3b: {  	s11 =	sadd.s32 $0x0, s15;
	[sflag:s28] =	ssyncadd.s32 $0xFFFFC000  }
0x3c: {  	[tilespmem:s29], [sflag:$0x4] =	stream.linear.gather [hbm4b:s11+s4], $0x100, $0x38;
	[tilespmem:$0x1C000] =	vst v63  }
0x3d: {  	_ = 	snop  }
0x3e: {  	[spmem:s3] =	stream.indirect.scatter.add.f32 [tilespmem:s22], [sflag:$0x6], $0x80, s30, s19, $0xb8;
	[tilespmem:$0x1C000] =	vst v63  }
0x3f: {  	_ =	swait.ge [sflag:s31], $0x100  }
0x40: {  	[sflag:s31] =	ssyncset.done $0x0  }
0x41: {  	[sflag:s31] =	ssyncadd.s32 $0xFFFFFF00  }
0x42: {  	_ =	swait.ge [sflag:s0], $0x4000  }
0x43: {  	[sflag:s0] =	ssyncset.done $0x0  }
0x44: {  	[sflag:s0] =	ssyncadd.s32 $0xFFFFC000  }
0x45: {  	[tilespmem:s22], [sflag:$0x2] =	stream.indirect.gather [hbm4b:s2+s19], $0x80, s29, s19, $0xb8;
	[tilespmem:$0x1C000] =	vst v63  }
0x46: {  	_ =	swait.ge [sflag:s23], $0x4000  }
0x47: {  	[sflag:s23] =	ssyncset.done $0x0  }
0x48: {  	s10 =	sadd.s32 $0x0, s14;
	[sflag:s23] =	ssyncadd.s32 $0xFFFFC000  }
0x49: {  	[tilespmem:s4], [sflag:$0x3] =	stream.linear.gather [hbm4b:s10+s4], $0x100, $0x38;
	[tilespmem:$0x1C000] =	vst v63  }
0x4a: {  	_ = 	snop  }
0x4b: {  	[spmem:s3] =	stream.indirect.scatter.add.f32 [tilespmem:s20], [sflag:$0x5], $0x80, s1, s19, $0xb8;
	[tilespmem:$0x1C000] =	vst v63  }
0x4c: {  	_ =	swait.ge [sflag:s25], $0x100  }
0x4d: {  	[sflag:s25] =	ssyncset.done $0x0  }
0x4e: {  	[sflag:s25] =	ssyncadd.s32 $0xFFFFFF00  }
0x4f: {  	_ =	swait.ge [sflag:s26], $0x4000  }
0x50: {  	[sflag:s26] =	ssyncset.done $0x0  }
0x51: {  	[sflag:s26] =	ssyncadd.s32 $0xFFFFC000  }
0x52: {  	[tilespmem:s20], [sflag:$0x1] =	stream.indirect.gather [hbm4b:s2+s19], $0x80, s4, s19, $0xb8;
	[tilespmem:$0x1C000] =	vst v63  }
0x53: {  	_ =	swait.ge [sflag:s28], $0x4000  }
0x54: {  	[sflag:s28] =	ssyncset.done $0x0  }
0x55: {  	s11 =	sadd.s32 $0x0, s13;
	[sflag:s28] =	ssyncadd.s32 $0xFFFFC000  }
0x56: {  	[tilespmem:s21], [sflag:$0x4] =	stream.linear.gather [hbm4b:s11+s4], $0x100, $0x38;
	[tilespmem:$0x1C000] =	vst v63  }
0x57: {  	_ = 	snop  }
0x58: {  	[spmem:s3] =	stream.indirect.scatter.add.f32 [tilespmem:s22], [sflag:$0x6], $0x80, s5, s19, $0xb8;
	[tilespmem:$0x1C000] =	vst v63  }
0x59: {  	_ =	swait.ge [sflag:s31], $0x100  }
0x5a: {  	[sflag:s31] =	ssyncset.done $0x0  }
0x5b: {  	[sflag:s31] =	ssyncadd.s32 $0xFFFFFF00  }
0x5c: {  	_ =	swait.ge [sflag:s0], $0x4000  }
0x5d: {  	[sflag:s0] =	ssyncset.done $0x0  }
0x5e: {  	s9 =	simm.s32 $0x80;
	[sflag:s0] =	ssyncadd.s32 $0xFFFFC000  }
.LBB2_2:
0x5f: {  	[tilespmem:s22], [sflag:$0x2] =	stream.indirect.gather [hbm4b:s2+s19], $0x80, s21, s19, $0xb8;
	[tilespmem:$0x1C000] =	vst v63  }
0x60: {  	s10 =	smov.u32 s9  }
0x61: {  	p0 =	sne.s32 s9, $0x900;
	s9 =	sadd.s32 $0x80, s9;
	_ =	swait.ge [sflag:s23], $0x4000  }
0x62: {  	[sflag:s23] =	ssyncset.done $0x0  }
0x63: {  	s11 =	sadd.s32 s10, s16;
	[sflag:s23] =	ssyncadd.s32 $0xFFFFC000  }
0x64: {  	[tilespmem:s24], [sflag:$0x3] =	stream.linear.gather [hbm4b:s11+s4], $0x100, $0x38;
	[tilespmem:$0x1C000] =	vst v63  }
0x65: {  	_ = 	snop  }
0x66: {  	[spmem:s3] =	stream.indirect.scatter.add.f32 [tilespmem:s20], [sflag:$0x5], $0x80, s19, s19, $0xb8;
	[tilespmem:$0x1C000] =	vst v63  }
0x67: {  	_ =	swait.ge [sflag:s25], $0x100  }
0x68: {  	[sflag:s25] =	ssyncset.done $0x0  }
0x69: {  	[sflag:s25] =	ssyncadd.s32 $0xFFFFFF00  }
0x6a: {  	_ =	swait.ge [sflag:s26], $0x4000  }
0x6b: {  	[sflag:s26] =	ssyncset.done $0x0  }
0x6c: {  	[sflag:s26] =	ssyncadd.s32 $0xFFFFC000  }
0x6d: {  	[tilespmem:s20], [sflag:$0x1] =	stream.indirect.gather [hbm4b:s2+s19], $0x80, s24, s19, $0xb8;
	[tilespmem:$0x1C000] =	vst v63  }
0x6e: {  	_ =	swait.ge [sflag:s28], $0x4000  }
0x6f: {  	[sflag:s28] =	ssyncset.done $0x0  }
0x70: {  	s11 =	sadd.s32 s10, s15;
	[sflag:s28] =	ssyncadd.s32 $0xFFFFC000  }
0x71: {  	[tilespmem:s29], [sflag:$0x4] =	stream.linear.gather [hbm4b:s11+s4], $0x100, $0x38;
	[tilespmem:$0x1C000] =	vst v63  }
0x72: {  	_ = 	snop  }
0x73: {  	[spmem:s3] =	stream.indirect.scatter.add.f32 [tilespmem:s22], [sflag:$0x6], $0x80, s30, s19, $0xb8;
	[tilespmem:$0x1C000] =	vst v63  }
0x74: {  	_ =	swait.ge [sflag:s31], $0x100  }
0x75: {  	[sflag:s31] =	ssyncset.done $0x0  }
0x76: {  	[sflag:s31] =	ssyncadd.s32 $0xFFFFFF00  }
0x77: {  	_ =	swait.ge [sflag:s0], $0x4000  }
0x78: {  	[sflag:s0] =	ssyncset.done $0x0  }
0x79: {  	[sflag:s0] =	ssyncadd.s32 $0xFFFFC000  }
0x7a: {  	[tilespmem:s22], [sflag:$0x2] =	stream.indirect.gather [hbm4b:s2+s19], $0x80, s29, s19, $0xb8;
	[tilespmem:$0x1C000] =	vst v63  }
0x7b: {  	_ =	swait.ge [sflag:s23], $0x4000  }
0x7c: {  	[sflag:s23] =	ssyncset.done $0x0  }
0x7d: {  	s11 =	sadd.s32 s10, s14;
	[sflag:s23] =	ssyncadd.s32 $0xFFFFC000  }
0x7e: {  	[tilespmem:s4], [sflag:$0x3] =	stream.linear.gather [hbm4b:s11+s4], $0x100, $0x38;
	[tilespmem:$0x1C000] =	vst v63  }
0x7f: {  	_ = 	snop  }
0x80: {  	[spmem:s3] =	stream.indirect.scatter.add.f32 [tilespmem:s20], [sflag:$0x5], $0x80, s1, s19, $0xb8;
	[tilespmem:$0x1C000] =	vst v63  }
0x81: {  	_ =	swait.ge [sflag:s25], $0x100  }
0x82: {  	[sflag:s25] =	ssyncset.done $0x0  }
0x83: {  	[sflag:s25] =	ssyncadd.s32 $0xFFFFFF00  }
0x84: {  	_ =	swait.ge [sflag:s26], $0x4000  }
0x85: {  	[sflag:s26] =	ssyncset.done $0x0  }
0x86: {  	[sflag:s26] =	ssyncadd.s32 $0xFFFFC000  }
0x87: {  	[tilespmem:s20], [sflag:$0x1] =	stream.indirect.gather [hbm4b:s2+s19], $0x80, s4, s19, $0xb8;
	[tilespmem:$0x1C000] =	vst v63  }
0x88: {  	_ =	swait.ge [sflag:s28], $0x4000  }
0x89: {  	[sflag:s28] =	ssyncset.done $0x0  }
0x8a: {  	s10 =	sadd.s32 s10, s13;
	[sflag:s28] =	ssyncadd.s32 $0xFFFFC000  }
0x8b: {  	[tilespmem:s21], [sflag:$0x4] =	stream.linear.gather [hbm4b:s10+s4], $0x100, $0x38;
	[tilespmem:$0x1C000] =	vst v63  }
0x8c: {  	_ = 	snop  }
0x8d: {  	[spmem:s3] =	stream.indirect.scatter.add.f32 [tilespmem:s22], [sflag:$0x6], $0x80, s5, s19, $0xb8;
	[tilespmem:$0x1C000] =	vst v63  }
0x8e: {  	_ =	swait.ge [sflag:s31], $0x100  }
.Ltmp0:
0x8f: {  	[sflag:s31] =	ssyncset.done $0x0;
	(pc) =	sbr.rel @p0 .LBB2_2-.Ltmp0, $4  }
0x90: {  	[sflag:s31] =	ssyncadd.s32 $0xFFFFFF00  }
0x91: {  	_ =	swait.ge [sflag:s0], $0x4000  }
0x92: {  	[sflag:s0] =	ssyncset.done $0x0  }
0x93: {  	[sflag:s0] =	ssyncadd.s32 $0xFFFFC000  }
0x94: {  	[tilespmem:s22], [sflag:$0x2] =	stream.indirect.gather [hbm4b:s2+s19], $0x80, s21, s19, $0xb8;
	[tilespmem:$0x1C000] =	vst v63  }
0x95: {  	_ =	swait.ge [sflag:s23], $0x4000  }
0x96: {  	[sflag:s23] =	ssyncset.done $0x0  }
0x97: {  	s9 =	rddreg [dreg:$0x6];
	[sflag:s23] =	ssyncadd.s32 $0xFFFFC000  }
0x98: {  	[tilespmem:s24], [sflag:$0x3] =	stream.linear.gather [hbm4b:s9+s4], $0x100, $0x38;
	[tilespmem:$0x1C000] =	vst v63  }
0x99: {  	_ = 	snop  }
0x9a: {  	[spmem:s3] =	stream.indirect.scatter.add.f32 [tilespmem:s20], [sflag:$0x5], $0x80, s19, s19, $0xb8;
	[tilespmem:$0x1C000] =	vst v63  }
0x9b: {  	_ =	swait.ge [sflag:s25], $0x100  }
0x9c: {  	[sflag:s25] =	ssyncset.done $0x0  }
0x9d: {  	[sflag:s25] =	ssyncadd.s32 $0xFFFFFF00  }
0x9e: {  	_ =	swait.ge [sflag:s26], $0x4000  }
0x9f: {  	[sflag:s26] =	ssyncset.done $0x0  }
0xa0: {  	[sflag:s26] =	ssyncadd.s32 $0xFFFFC000  }
0xa1: {  	[tilespmem:s20], [sflag:$0x1] =	stream.indirect.gather [hbm4b:s2+s19], $0x80, s24, s19, $0xb8;
	[tilespmem:$0x1C000] =	vst v63  }
0xa2: {  	_ =	swait.ge [sflag:s28], $0x4000  }
0xa3: {  	[sflag:s28] =	ssyncset.done $0x0  }
0xa4: {  	s10 =	rddreg [dreg:$0x7];
	[sflag:s28] =	ssyncadd.s32 $0xFFFFC000  }
0xa5: {  	[tilespmem:s29], [sflag:$0x4] =	stream.linear.gather [hbm4b:s10+s4], $0x100, $0x38;
	[tilespmem:$0x1C000] =	vst v63  }
0xa6: {  	_ = 	snop  }
0xa7: {  	[spmem:s3] =	stream.indirect.scatter.add.f32 [tilespmem:s22], [sflag:$0x6], $0x80, s30, s19, $0xb8;
	[tilespmem:$0x1C000] =	vst v63  }
0xa8: {  	_ =	swait.ge [sflag:s31], $0x100  }
0xa9: {  	[sflag:s31] =	ssyncset.done $0x0  }
0xaa: {  	[sflag:s31] =	ssyncadd.s32 $0xFFFFFF00  }
0xab: {  	_ =	swait.ge [sflag:s0], $0x4000  }
0xac: {  	[sflag:s0] =	ssyncset.done $0x0  }
0xad: {  	[sflag:s0] =	ssyncadd.s32 $0xFFFFC000  }
0xae: {  	[tilespmem:s22], [sflag:$0x2] =	stream.indirect.gather [hbm4b:s2+s19], $0x80, s29, s19, $0xb8;
	[tilespmem:$0x1C000] =	vst v63  }
0xaf: {  	_ =	swait.ge [sflag:s23], $0x4000  }
0xb0: {  	[sflag:s23] =	ssyncset.done $0x0  }
0xb1: {  	[sflag:s23] =	ssyncadd.s32 $0xFFFFC000  }
0xb2: {  	[spmem:s3] =	stream.indirect.scatter.add.f32 [tilespmem:s20], [sflag:$0x5], $0x80, s1, s19, $0xb8;
	[tilespmem:$0x1C000] =	vst v63  }
0xb3: {  	_ =	swait.ge [sflag:s26], $0x4000  }
0xb4: {  	[sflag:s26] =	ssyncset.done $0x0  }
0xb5: {  	[sflag:s26] =	ssyncadd.s32 $0xFFFFC000  }
0xb6: {  	_ =	swait.ge [sflag:s28], $0x4000  }
0xb7: {  	[sflag:s28] =	ssyncset.done $0x0  }
0xb8: {  	[sflag:s28] =	ssyncadd.s32 $0xFFFFC000  }
0xb9: {  	[spmem:s3] =	stream.indirect.scatter.add.f32 [tilespmem:s22], [sflag:$0x6], $0x80, s5, s19, $0xb8;
	[tilespmem:$0x1C000] =	vst v63  }
0xba: {  	_ =	swait.ge [sflag:s0], $0x4000  }
0xbb: {  	[sflag:s0] =	ssyncset.done $0x0  }
0xbc: {  	s8 =	sadd.s32 $0x1, s8;
	[sflag:s0] =	ssyncadd.s32 $0xFFFFC000  }
0xbd: {  	p0 =	sne.s32 s8, s12;
	[bflag:$0x0] =	sbarrier.arrive $0xFFFF  }
.Ltmp1:
0xbe: {  	s11 =	rddreg [dreg:$0x8];
	(pc) =	sbr.rel @p0 .LBB2_1-.Ltmp1, $4  }
0xbf: {  	[hbm:s11], [sflag:s7] =	dma.local [spmem:s17], $0x2780  }
0xc0: {  	_ =	swait.ge [sflag:s18], $0x2780  }
0xc1: {  	[sflag:s18] =	ssyncset.done $0x0  }
0xc2: {  	[sflag:s18] =	ssyncadd.s32 $0xFFFFD880  }
0xc3: {  	_ =	sfence.sel $0x180000  }
0xc4: {  	[bflag:$0x0] =	sbarrier.arrive $0xFFFF  }
0xc5: {  	_ =	strace $0x9000004D  }
0xc6: {  	s0 =	stileid.u32;
	[bflag:$0x2] =	sbarrier.arrive $0xFFFF  }
0xc7: {  	p0 =	sne.s32 s0, $0x0;
	s0 =	rddreg [dreg:$0x3]  }
0xc8: {  	s0 =	sadd.s32 @!p0 $0x100000, s0  }
0xc9: {  	[sflag:s0] =	ssyncadd.tile.s32 @!p0 $0x1;
	_ =	shalt  }
.Lfunc_end2:
_tile_overlayer_lowered:
.L_overlay_start_2:
0xca: {  	(tag) =	ssettag $0x2  }
0xcb: {  	s0 =	rddreg [dreg:$0x0];
	s2 =	stileid.u32  }
0xcc: {  	s1 =	rddreg [dreg:$0x1];
	p0 =	sne.s32 s2, $0x0  }
0xcd: {  	s3 =	rddreg [dreg:$0x2];
	[bflag:$0x3] =	sbarrier.arrive $0xFFFF;
	s2 =	simm.s32 @!p0 $0x1C07  }
0xce: {  	[timem:s3], [sflag:s2] =	dma.local @!p0 [hbm:s0], s1  }
0xcf: {  	s0 =	simm.s32 @!p0 $0x7  }
0xd0: {  	_ =	swait.ge @!p0 [sflag:s0], s1  }
0xd1: {  	s1 =	ssub.s32 @!p0 $0x0, s1;
	[sflag:s0] =	ssyncset.done @!p0 $0x0  }
0xd2: {  	[sflag:s0] =	ssyncadd.s32 @!p0 s1  }
0xd3: {  	[bflag:$0x3] =	sbarrier.arrive $0xFFFF  }
0xd4: {  	_ =	shalt  }

// kernel: kernel.7.cloned.1.call-start
scs
__scs_entry_jumppad:
0x0: {  	(pc) =	sbr.rel $0x88, $3  }
0x1: {  	(tag) =	ssettag $0x0;
	lr =	simm.s32 $0x1  }
0x2: {  	[smem:$0x3F99] =	sst lr;
	_ =	strace $0xD0000000  }
0x3: {  	_ = 	snop  }
0x4: {  	_ = 	snop  }
0x5: {  	_ = 	snop  }
0x6: {  	_ = 	snop  }
0x7: {  	_ = 	snop  }
__scs_overlays_trampoline_lowered:
0x8: {  	[smem:$0x3FA8] =	sst s0  }
0x9: {  	[smem:$0x3FA9] =	sst s1  }
0xa: {  	[smem:$0x3FAA] =	sst s2  }
0xb: {  	[smem:$0x3FAB] =	sst s3  }
0xc: {  	[smem:$0x3FAC] =	sst s4  }
0xd: {  	[smem:$0x3FAD] =	sst s5  }
0xe: {  	[smem:$0x3FAE] =	sst s6  }
0xf: {  	[smem:$0x3FAF] =	sst s7  }
0x10: {  	[smem:$0x3FB0] =	sst s8  }
0x11: {  	[smem:$0x3FB1] =	sst s9;
	s0 =	simm.s32 @!p0 $0x0  }
0x12: {  	s1 =	sld [smem:$0x3F97];
	s0 =	simm.s32 @p0 $0x1  }
0x13: {  	[smem:$0x3FB2] =	sst s0;
	s0 =	simm.s32 @!p1 $0x0  }
0x14: {  	s2 =	sld [smem:$0x3F96];
	s0 =	simm.s32 @p1 $0x1  }
0x15: {  	[smem:$0x3FB3] =	sst s0;
	s0 =	simm.s32 @!p2 $0x0  }
0x16: {  	s3 =	sld [smem:$0x3FDB];
	s0 =	simm.s32 @p2 $0x1  }
0x17: {  	s4 =	simm.s32 $0x1BF5;
	[smem:$0x3FB5] =	sst s0  }
0x18: {  	s0 =	sld [smem:$0x3F98];
	_ =	swait.ge [sflag:s4], $0x0  }
0x19: {  	s7 =	sld [smem:$0x3F99]  }
0x1a: {  	s8 =	sadd.s32 $0xFFFFE003, lr  }
0x1b: {  	s9 =	sadd.s32 $0xFFFFFEF7, lr;
	s5 =	simm.s32 $0xFFFFFFFF;
	p2 =	slt.u32 s8, $0xFFFFF086  }
0x1c: {  	p1 =	slt.u32 s9, $0xF7A;
	s5 =	simm.s32 @!p2 $0x0  }
0x1d: {  	s5 =	simm.s32 @p1 $0x1;
	p0 =	seq.s32 s7, s2  }
0x1e: {  	s7 =	smul.u32 @!p0 $0xF7A, s2;
	p2 =	seq.s32 @!p0 s5, $0x0  }
0x1f: {  	s9 =	smul.u32 $0xF7A, s1;
	s8 =	simm.s32 @!p0 $0x1BF5;
	p2 =	por !p2, p0  }
0x20: {  	[sflag:s8] =	ssyncset.s32 @!p0 $0xFFFFF086;
	s6 =	sadd.s32 @!p0 s3, s7;
	s7 =	simm.s32 @!p0 $0x108  }
0x21: {  	s3 =	sadd.s32 s3, s9;
	s6 =	sadd.s32 @!p0 $0x88, s6;
	s7 =	simm.s32 @p2 $0x1082  }
0x22: {  	[simem:s7], [sflag:s8] =	dma.local @!p0 [hbm:s6], $0xF7A  }
0x23: {  	s9 =	sor.u32 $0xD0000000, s2;
	s6 =	simm.s32 $0x108;
	_ =	swait.ge @!p0 [sflag:s8], $0x0  }
0x24: {  	s3 =	sadd.s32 $0x88, s3;
	s6 =	simm.s32 @!p1 $0x1082;
	[sflag:s4] =	ssyncset.s32 $0xFFFFF086  }
0x25: {  	[simem:s6], [sflag:s4] =	dma.local [hbm:s3], $0xF7A  }
0x26: {  	[smem:$0x3F99] =	sst s1;
	(tag) =	ssettag s2;
	_ =	strace s9  }
0x27: {  	s1 =	sld [smem:$0x3FA9]  }
0x28: {  	s2 =	sld [smem:$0x3FAA]  }
0x29: {  	s4 =	sld [smem:$0x3FAC]  }
0x2a: {  	p0 =	seq.s32 s5, $0x0;
	s5 =	sld [smem:$0x3FAD]  }
0x2b: {  	s6 =	sld [smem:$0x3FAE]  }
0x2c: {  	s7 =	sld [smem:$0x3FAF]  }
0x2d: {  	s3 =	simm.s32 $0x108;
	s8 =	sld [smem:$0x3FB0]  }
0x2e: {  	s3 =	simm.s32 @!p0 $0x1082;
	s9 =	sld [smem:$0x3FB1]  }
0x2f: {  	lr =	sadd.s32 s0, s3;
	s0 =	sld [smem:$0x3FA8]  }
0x30: {  	s3 =	sld [smem:$0x3FAB]  }
0x31: {  	[smem:$0x3FB4] =	sst s10  }
0x32: {  	s10 =	sld [smem:$0x3FB2];
	_ =	sdelay $0x3  }
0x33: {  	p0 =	seq.s32 s10, $0x1;
	s10 =	sld [smem:$0x3FB4];
	_ =	sdelay $0x3  }
0x34: {  	[smem:$0x3FB4] =	sst s10  }
0x35: {  	s10 =	sld [smem:$0x3FB3];
	_ =	sdelay $0x3  }
0x36: {  	p1 =	seq.s32 s10, $0x1;
	s10 =	sld [smem:$0x3FB4];
	_ =	sdelay $0x3  }
0x37: {  	[smem:$0x3FB4] =	sst s10  }
0x38: {  	s10 =	sld [smem:$0x3FB5]  }
0x39: {  	_ = 	snop;
	(pc) =	sbr.ind lr, $3  }
0x3a: {  	_ = 	snop  }
0x3b: {  	_ = 	snop  }
0x3c: {  	p2 =	seq.s32 s10, $0x1;
	s10 =	sld [smem:$0x3FB4]  }
0x3d: {  	_ =	shalt  }
0x3e: {  	_ =	shalt  }
0x3f: {  	_ =	shalt  }
0x40: {  	_ =	shalt  }
0x41: {  	_ =	shalt  }
0x42: {  	_ =	shalt  }
0x43: {  	_ =	shalt  }
0x44: {  	_ =	shalt  }
0x45: {  	_ =	shalt  }
0x46: {  	_ =	shalt  }
0x47: {  	_ =	shalt  }
0x48: {  	_ =	shalt  }
0x49: {  	_ =	shalt  }
0x4a: {  	_ =	shalt  }
0x4b: {  	_ =	shalt  }
0x4c: {  	_ =	shalt  }
0x4d: {  	_ =	shalt  }
0x4e: {  	_ =	shalt  }
0x4f: {  	_ =	shalt  }
0x50: {  	_ =	shalt  }
0x51: {  	_ =	shalt  }
0x52: {  	_ =	shalt  }
0x53: {  	_ =	shalt  }
0x54: {  	_ =	shalt  }
0x55: {  	_ =	shalt  }
0x56: {  	_ =	shalt  }
0x57: {  	_ =	shalt  }
0x58: {  	_ =	shalt  }
0x59: {  	_ =	shalt  }
0x5a: {  	_ =	shalt  }
0x5b: {  	_ =	shalt  }
0x5c: {  	_ =	shalt  }
0x5d: {  	_ =	shalt  }
0x5e: {  	_ =	shalt  }
0x5f: {  	_ =	shalt  }
0x60: {  	_ =	shalt  }
0x61: {  	_ =	shalt  }
0x62: {  	_ =	shalt  }
0x63: {  	_ =	shalt  }
0x64: {  	_ =	shalt  }
0x65: {  	_ =	shalt  }
0x66: {  	_ =	shalt  }
0x67: {  	_ =	shalt  }
0x68: {  	_ =	shalt  }
0x69: {  	_ =	shalt  }
0x6a: {  	_ =	shalt  }
0x6b: {  	_ =	shalt  }
0x6c: {  	_ =	shalt  }
0x6d: {  	_ =	shalt  }
0x6e: {  	_ =	shalt  }
0x6f: {  	_ =	shalt  }
0x70: {  	_ =	shalt  }
0x71: {  	_ =	shalt  }
0x72: {  	_ =	shalt  }
0x73: {  	_ =	shalt  }
0x74: {  	_ =	shalt  }
0x75: {  	_ =	shalt  }
0x76: {  	_ =	shalt  }
0x77: {  	_ =	shalt  }
0x78: {  	_ =	shalt  }
0x79: {  	_ =	shalt  }
0x7a: {  	_ =	shalt  }
0x7b: {  	_ =	shalt  }
0x7c: {  	_ =	shalt  }
0x7d: {  	_ =	shalt  }
0x7e: {  	_ =	shalt  }
0x7f: {  	_ =	shalt  }
0x80: {  	_ =	shalt  }
0x81: {  	_ =	shalt  }
0x82: {  	_ =	shalt  }
0x83: {  	_ =	shalt  }
0x84: {  	_ =	shalt  }
0x85: {  	_ =	shalt  }
0x86: {  	_ =	shalt  }
0x87: {  	_ =	shalt  }
.Lfunc_end0:
.L_simem_size_0:
called_computation_lowered:
.L_overlay_start_0:
0x88: {  	s2 =	sld [smem:$0x3FD9]  }
0x89: {  	s3 =	sld [smem:$0x3FFE];
	_ =	sdelay $0x1  }
0x8a: {  	s1 =	srdreg.scid  }
0x8b: {  	s0 =	sand.u32 $0x1, s1  }
0x8c: {  	s17 =	sshll.u32 s0, $0xA;
	s2 =	sadd.s32 s3, s2  }
0x8d: {  	s2 =	sadd.s32 s2, s17  }
0x8e: {  	[smem:$0x3FC0] =	sst s2  }
0x8f: {  	_ = 	snop  }
0x90: {  	s2 =	sld [smem:$0x3FD0];
	(tm) =	ssettm $0x1  }
0x91: {  	s18 =	sld [smem:$0x3FFB];
	_ =	sdelay $0x3  }
0x92: {  	_ =	strace s18  }
0x93: {  	s3 =	sld [smem:$0x3FFC];
	_ =	sdelay $0x3  }
0x94: {  	_ =	strace s3  }
0x95: {  	s3 =	sld [smem:$0x3FFD];
	_ =	sdelay $0x3  }
0x96: {  	_ =	strace s3  }
0x97: {  	_ =	strace $0x8FFFFFFF  }
0x98: {  	s19 =	sld [smem:$0x3FDB];
	_ =	sdelay $0x1  }
0x99: {  	s4 =	simm.s32 $_scs_section_size  }
0x9a: {  	s5 =	simm.s32 $_size__tile_overlayer_lowered;
	s6 =	simm.s32 $_tile_overlayer_lowered  }
0x9b: {  	s22 =	simm.s32 $0x1BFF;
	s21 =	sshll.u32 s6, $0x1;
	s3 =	sadd.s32 s4, s19  }
0x9c: {  	s7 =	simm.s32 $0x0;
	s20 =	sshll.u32 s5, $0x1;
	s5 =	sadd.s32 s21, s3  }
0x9d: {  	[timem:s7], [sflag:s22] =	dma.local [hbm:s5], s20  }
0x9e: {  	_ =	swait.ge [sflag:s22], s20  }
0x9f: {  	s4 =	ssub.s32 $0x0, s20;
	[sflag:s22] =	ssyncset.done $0x0  }
0xa0: {  	[sflag:s22] =	ssyncadd.s32 s4;
	_ =	sdelay $0x1  }
0xa1: {  	s23 =	simm.s32 $0x1B8B  }
0xa2: {  	_ =	swait.ge [sflag:s23], $0x1  }
0xa3: {  	[sflag:s23] =	ssyncset.done $0x0  }
0xa4: {  	s25 =	simm.s32 $0x1B8E;
	s24 =	sld [smem:$0x3FFE];
	[sflag:s23] =	ssyncadd.s32 $0xFFFFFFFF  }
0xa5: {  	s26 =	simm.s32 $execute0_lowered;
	[smem:$0x3FD2] =	sst s25  }
0xa6: {  	s5 =	sshll.u32 s26, $0x1;
	_ =	strace $0x80000046;
	[dreg:$0x1] =	wrdreg $0xFFFFFFFF  }
0xa7: {  	s28 =	simm.s32 $_size_execute0_lowered;
	s3 =	sadd.s32 s3, s5;
	[dreg:$0x0] =	wrdreg $0x0  }
0xa8: {  	s5 =	sshll.u32 s28, $0x1;
	[dreg:$0x2] =	wrdreg s3  }
0xa9: {  	[dreg:$0x3] =	wrdreg s5  }
0xaa: {  	[dreg:$0x4] =	wrdreg $0xC0  }
0xab: {  	_ =	task [dreg:s7], $0x5FFFF  }
0xac: {  	[dreg:$0x1] =	wrdreg $0xFFFFFFFF  }
0xad: {  	[dreg:$0x0] =	wrdreg $0x60  }
0xae: {  	[dreg:$0x2] =	wrdreg s2  }
0xaf: {  	[dreg:$0x3] =	wrdreg s24  }
0xb0: {  	[dreg:$0x4] =	wrdreg $0x9  }
0xb1: {  	_ =	task.clear_ibuf [dreg:s7], $0x5FFFF;
	_ =	strace $0x90000046  }
0xb2: {  	s29 =	simm.s32 $0x9;
	_ =	strace $0x80000048  }
0xb3: {  	_ =	swait.ge [sflag:s29], $0x1  }
0xb4: {  	[sflag:s29] =	ssyncadd.s32 $0xFFFFFFFF  }
0xb5: {  	_ =	strace $0x90000048  }
0xb6: {  	_ =	sfence  }
0xb7: {  	s30 =	sld [smem:$0x0];
	_ =	sdelay $0x2  }
0xb8: {  	s31 =	sshll.u32 s1, $0xD;
	s1 =	sshrl.u32 s1, $0x2  }
0xb9: {  	s3 =	sand.u32 $0x4000, s31;
	s1 =	sadd.s32 s1, s30  }
0xba: {  	s0 =	sor.u32 s3, s0;
	s1 =	sshll.u32 s1, $0x11  }
0xbb: {  	s0 =	sor.u32 s1, s0  }
0xbc: {  	s0 =	sadd.s32 $0x8F2B, s0  }
0xbd: {  	[sflag:s0] =	ssyncadd.remote.s32 $0x1  }
0xbe: {  	_ =	sfence.sel $0xFFFF  }
0xbf: {  	[dreg:$0x0] =	wrdreg $0xFFFFFFFF;
	(pc) =	sbr.abs _section_cstart, $3  }
0xc0: {  	[dreg:$0x1] =	wrdreg $0xFFFFFFFF  }
0xc1: {  	_ =	task.clear_ibuf [dreg:s7], $0x2FFFF;
	_ =	strace $0x9FFFFFFF  }
0xc2: {  	(tm) =	ssettm $0x7FFFFFFF  }
0xc3: {  	_ =	shalt  }
tec
execute0_lowered:
.L_overlay_start_1:
0x0: {  	(tag) =	ssettag $0x1  }
0x1: {  	s0 =	srdreg.scid  }
0x2: {  	s5 =	rddreg [dreg:$0x0];
	s4 =	sand.u32 $0x1, s0  }
0x3: {  	s6 =	rddreg [dreg:$0x1];
	s0 =	stileid.u32;
	s1 =	sshll.u32 s4, $0x4  }
0x4: {  	s10 =	simm.s32 $0x2800;
	s11 =	simm.s32 $0x0;
	s2 =	sor.u32 s0, s1  }
0x5: {  	s7 =	sshll.u32 s0, $0x7;
	s4 =	ssub.s32 $0x2, s4;
	s3 =	sshrl.u32 s2, $0x3  }
0x6: {  	s1 =	rddreg [dreg:$0x2];
	s7 =	sand.u32 $0x380, s7;
	s8 =	smul.u32 $0x13C00, s3  }
0x7: {  	s31 =	sshrl.u32 s4, $0x1;
	s2 =	simm.s32 $0x0;
	s9 =	smul.u32 $0x14000, s3  }
0x8: {  	[smem:$0x7FF] =	sst s2;
	s3 =	sadd.s32 $0x2000, s6;
	s8 =	sor.u32 s7, s8  }
0x9: {  	_ =	strace $0x80000047;
	s7 =	sor.u32 s7, s9;
	s8 =	sshrl.u32 s8, $0x3  }
0xa: {  	s9 =	simm.s32 $0x1;
	s7 =	sshrl.u32 s7, $0x3;
	s6 =	sadd.s32 s8, s6  }
0xb: {  	s8 =	ssub.s32 s4, s31;
	s4 =	sadd.s32 s5, s7;
	s7 =	simm.s32 $0x80  }
0xc: {  	v0 =	vimm.f32 $1.000000000e+00;
	s5 =	sadd.s32 $0x2600, s6;
	s6 =	smax.u32 s8, $0x1;
	s8 =	simm.s32 $0x400  }
.LBB2_1:
0xd: {  	[tilespmem:s2], [sflag:$0x1] =	stream.strided.gather [hbm4b:s4+s7], $0x2800, s8, s7, $0x38;
	[tilespmem:$0x4F80] =	vst v63  }
0xe: {  	_ =	swait.ge [sflag:s9], $0x2800  }
0xf: {  	[sflag:s9] =	ssyncset.done $0x0  }
0x10: {  	[sflag:s9] =	ssyncadd.s32 $0xFFFFD800  }
0x11: {  	[tilespmem:s10], [sflag:$0x1] =	stream.linear.gather [hbm4b:s3+s2], $0x2780, $0x38;
	[tilespmem:$0x4F80] =	vst v63  }
0x12: {  	_ =	swait.ge [sflag:s9], $0x2780  }
0x13: {  	[sflag:s9] =	ssyncset.done $0x0  }
0x14: {  	s13 =	simm.s32 $0x0;
	s12 =	simm.s32 $0x40;
	[sflag:s9] =	ssyncadd.s32 $0xFFFFD880  }
.LBB2_2:
0x15: {  	p0 =	sne.s32 s12, $0x9FC0;
	v1 =	vld [tilespmem:s13+$0x0];
	_ =	sdelay $0x3  }
.Ltmp0:
0x16: {  	(pc) =	sbr.rel @p0 .LBB2_2-.Ltmp0, $2  }
0x17: {  	_ =	sdelay $0x2  }
0x18: {  	s13 =	sshra.s32 s12, $0x2;
	s12 =	sadd.s32 $0x40, s12;
	[tilespmem:v1+s10+$0x0] =	vst.idx.add.f32.msk $0xffff, v0  }
0x19: {  	v1 =	vld [tilespmem:s13+$0x0];
	_ =	sdelay $0x5  }
0x1a: {  	s11 =	sadd.s32 $0x1, s11  }
0x1b: {  	p0 =	sne.s32 s11, s6  }
.Ltmp1:
0x1c: {  	[tilespmem:v1+s10+$0x0] =	vst.idx.add.f32.msk $0xffff, v0;
	(pc) =	sbr.rel @p0 .LBB2_1-.Ltmp1, $4  }
0x1d: {  	[hbm4b:s5+s7] =	stream.strided.scatter [tilespmem:s10], [sflag:$0x1], $0x2780, s8, s7, $0x38;
	[tilespmem:$0x4F80] =	vst v63  }
0x1e: {  	_ =	swait.ge [sflag:s9], $0x2780  }
0x1f: {  	[sflag:s9] =	ssyncset.done $0x0  }
0x20: {  	[sflag:s9] =	ssyncadd.s32 $0xFFFFD880  }
0x21: {  	_ =	sfence.sel $0x180000  }
0x22: {  	[bflag:$0x0] =	sbarrier.arrive $0xFFFF  }
0x23: {  	p0 =	sne.s32 s0, $0x0;
	_ =	strace $0x90000047  }
0x24: {  	s0 =	sadd.s32 @!p0 $0x100000, s1;
	[bflag:$0x2] =	sbarrier.arrive $0xFFFF  }
0x25: {  	[sflag:s0] =	ssyncadd.tile.s32 @!p0 $0x1;
	_ =	shalt  }
.Lfunc_end2:
_tile_overlayer_lowered:
.L_overlay_start_2:
0x26: {  	(tag) =	ssettag $0x2  }
0x27: {  	s0 =	rddreg [dreg:$0x0];
	s2 =	stileid.u32  }
0x28: {  	s1 =	rddreg [dreg:$0x1];
	p0 =	sne.s32 s2, $0x0  }
0x29: {  	s3 =	rddreg [dreg:$0x2];
	[bflag:$0x3] =	sbarrier.arrive $0xFFFF;
	s2 =	simm.s32 @!p0 $0x1C01  }
0x2a: {  	[timem:s3], [sflag:s2] =	dma.local @!p0 [hbm:s0], s1  }
0x2b: {  	s0 =	simm.s32 @!p0 $0x1  }
0x2c: {  	_ =	swait.ge @!p0 [sflag:s0], s1  }
0x2d: {  	s1 =	ssub.s32 @!p0 $0x0, s1;
	[sflag:s0] =	ssyncset.done @!p0 $0x0  }
0x2e: {  	[sflag:s0] =	ssyncadd.s32 @!p0 s1  }
0x2f: {  	[bflag:$0x3] =	sbarrier.arrive $0xFFFF  }
0x30: {  	_ =	shalt  }

</sc_bundles>
